<compile_context>
chip_gen: v7x
topology: tpu7x:2x2x1
jax: 0.10.2.dev20260603
libtpu: 0.0.44.dev20260713+nightly
codegen_flags: <defaults>
</compile_context>

<pallas_src>
import jax
import jax.numpy as jnp
from jax import lax
from jax.experimental import pallas as pl
from jax.experimental.pallas import tpu as pltpu
from jax.experimental.pallas import tpu_sc as plsc

N_EM = 2000
PSF = 21
PAD = PSF // 2
NB, NH, NW_, ND = 4, 128, 128, 64
SCALE_ = 10000.0
NC, NS = 2, 16
NWORK = NC * NS
ZS = 8
SLICE = NW_ * ND
SLAB = ZS * SLICE
NSLAB = (NB * NH) // ZS
SLABS_PER_B = NH // ZS
REPS = NSLAB // NWORK
NPATCH = PSF * PSF
CHUNKS = (NPATCH + 15) // 16
NGRP = N_EM // 16
EPAD = N_EM + 16
AZOFF = 16
AZLEN = 64


def _sload(ref, i):
    return ref[pl.ds(i, 16)][0]


def _sc_body(xos_h, yos_h, zos_h, ival_h, sig_h, b_h, z_h, y_h, x_h,
             kyi_h, kxi_h, kyf_h, kxf_h, k2t_h, zero_h, out_h,
             slab, xos, yos, zos, ival, eb, ez, ey, ex,
             kyi, kxi, kyf, kxf, k2t, elist, sig):
    wid = lax.axis_index("s") * NC + lax.axis_index("c")

    pltpu.sync_copy(xos_h, xos.at[pl.ds(0, N_EM)])
    pltpu.sync_copy(yos_h, yos.at[pl.ds(0, N_EM)])
    pltpu.sync_copy(zos_h, zos.at[pl.ds(0, N_EM)])
    pltpu.sync_copy(ival_h, ival.at[pl.ds(0, N_EM)])
    pltpu.sync_copy(b_h, eb.at[pl.ds(0, N_EM)])
    pltpu.sync_copy(z_h, ez.at[pl.ds(0, N_EM)])
    pltpu.sync_copy(y_h, ey.at[pl.ds(0, N_EM)])
    pltpu.sync_copy(x_h, ex.at[pl.ds(0, N_EM)])
    pltpu.sync_copy(kyi_h, kyi)
    pltpu.sync_copy(kxi_h, kxi)
    pltpu.sync_copy(kyf_h, kyf)
    pltpu.sync_copy(kxf_h, kxf)
    pltpu.sync_copy(k2t_h, k2t)
    pltpu.sync_copy(sig_h, sig)

    sig_v = sig[pl.ds(0, 16)]
    inv2s2 = 0.5 / (sig_v * sig_v)
    inv2s2_s = inv2s2[0]
    iota = lax.iota(jnp.int32, 16)
    iotaf = iota.astype(jnp.float32)
    zerov = jnp.zeros((16,), jnp.float32)

    for rep in range(REPS):
        slab_id = wid + rep * NWORK
        sb = slab_id // SLABS_PER_B
        z0 = (slab_id % SLABS_PER_B) * ZS
        pltpu.sync_copy(zero_h, slab)

        def scan(g, nh):
            bg = eb[pl.ds(g * 16, 16)]
            zg = ez[pl.ds(g * 16, 16)]
            m = (bg == sb) & (zg >= z0 - PAD) & (zg <= z0 + ZS - 1 + PAD)
            plsc.store_compressed(elist.at[pl.ds(nh, 16)], g * 16 + iota,
                                  mask=m)
            return nh + plsc.all_reduce_population_count(m)[0]

        nhits = lax.fori_loop(0, NGRP, scan, 0)

        @plsc.parallel_loop(0, nhits, 1, unroll=2)
        def ebody(h):
            e = _sload(elist, h)
            ze = _sload(ez, e)
            ye = _sload(ey, e)
            xe = _sload(ex, e)
            zos_e = _sload(zos, e)
            yos_e = _sload(yos, e)
            xos_e = _sload(xos, e)
            amp = SCALE_ * jnp.maximum(_sload(ival, e), 0.0)

            t = (z0 - ze) + iota

            tf = t.astype(jnp.float32)
            dz = tf - zos_e
            gzv = jnp.exp(-(dz * dz - zos_e * zos_e) * inv2s2) * amp
            svec = jnp.where((t >= -PAD) & (t <= PAD), gzv, 0.0)
            scales = [svec[zloc] for zloc in range(ZS)]

            c1s = 2.0 * yos_e * inv2s2_s
            c2s = 2.0 * xos_e * inv2s2_s
            c3s = -inv2s2_s

            def build(c):
                fy = kyf[pl.ds(c * 16, 16)]
                fx = kxf[pl.ds(c * 16, 16)]
                yy = ye + fy.astype(jnp.int32)
                xx = xe + fx.astype(jnp.int32)
                e2 = fy * (c3s * fy + c1s) + fx * (c3s * fx + c2s)
                v = jnp.exp(e2)
                inb = (yy >= 0) & (yy < NH) & (xx >= 0) & (xx < ND)
                v = jnp.where(inb, v, 0.0)
                ii = jnp.where(inb, yy * ND + xx, iota)
                return v, ii

            @plsc.parallel_loop(0, CHUNKS, 1, unroll=4)
            def chunk_loop(c):
                v, ii = build(c)
                for zloc in range(ZS):
                    tgt = slab.at[pl.ds(zloc * SLICE, SLICE)]
                    plsc.addupdate_scatter(tgt, [ii], v * scales[zloc])

        pltpu.sync_copy(slab, out_h.at[pl.ds(slab_id * SLAB, SLAB)])


def kernel(x_os_val, y_os_val, z_os_val, i_val, sigma, b, ch, z, y, x):
    del ch
    lin = jnp.arange(CHUNKS * 16, dtype=jnp.int32)
    kyi = jnp.where(lin < NPATCH, lin // PSF, 0)
    kxi = jnp.where(lin < NPATCH, lin % PSF, 1000)
    kyf = (kyi - PAD).astype(jnp.float32)
    kxf = (kxi - PAD).astype(jnp.float32)
    k2t = kyf * kyf + kxf * kxf
    sig16 = jnp.full((16,), sigma, dtype=jnp.float32)
    zero = jnp.zeros((SLAB,), dtype=jnp.float32)

    mesh = plsc.VectorSubcoreMesh(core_axis_name="c", subcore_axis_name="s",
                                  num_cores=NC, num_subcores=NS)
    out = pl.kernel(
        _sc_body,
        out_type=jax.ShapeDtypeStruct((NB * NH * NW_ * ND,), jnp.float32),
        mesh=mesh,
        compiler_params=pltpu.CompilerParams(needs_layout_passes=False),
        scratch_types=[
            pltpu.VMEM((SLAB,), jnp.float32),
            pltpu.VMEM((EPAD,), jnp.float32),
            pltpu.VMEM((EPAD,), jnp.float32),
            pltpu.VMEM((EPAD,), jnp.float32),
            pltpu.VMEM((EPAD,), jnp.float32),
            pltpu.VMEM((EPAD,), jnp.int32),
            pltpu.VMEM((EPAD,), jnp.int32),
            pltpu.VMEM((EPAD,), jnp.int32),
            pltpu.VMEM((EPAD,), jnp.int32),
            pltpu.VMEM((CHUNKS * 16,), jnp.int32),
            pltpu.VMEM((CHUNKS * 16,), jnp.int32),
            pltpu.VMEM((CHUNKS * 16,), jnp.float32),
            pltpu.VMEM((CHUNKS * 16,), jnp.float32),
            pltpu.VMEM((CHUNKS * 16,), jnp.float32),
            pltpu.VMEM((EPAD,), jnp.int32),
            pltpu.VMEM((16,), jnp.float32),
        ],
    )(x_os_val, y_os_val, z_os_val, i_val, sig16,
      b.astype(jnp.int32), z.astype(jnp.int32), y.astype(jnp.int32),
      x.astype(jnp.int32), kyi, kxi, kyf, kxf, k2t, zero)
    return out.reshape(NB, 1, NH, NW_, ND)

# --- scband reference (transcript-rebuilt; emitter-appended) ---
"""Pipeline reference for scband-microscope-61048665145383 (READ-ONLY COPY).

The authoritative reference and input builder live on the scoring server;
editing this copy changes nothing except your own understanding.
"""

import jax, jax.numpy as jnp
import numpy as np

N_EM = 2000
PSF_SZ = 21
OUT_SHAPE = (4, 1, 128, 128, 64)
SCALE = 10000.0


def setup_inputs(seed: int = 0) -> dict:
    key = jax.random.key(seed)
    ks = jax.random.split(key, 10)
    b = jax.random.randint(ks[0], (N_EM,), 0, 4)
    ch = jax.random.randint(ks[1], (N_EM,), 0, 1)
    z = jax.random.randint(ks[2], (N_EM,), 0, 128)
    y = jax.random.randint(ks[3], (N_EM,), 0, 128)
    x = jax.random.randint(ks[4], (N_EM,), 0, 64)
    x_os_val = jax.random.uniform(ks[5], (N_EM,), dtype=jnp.float32) - 0.5
    y_os_val = jax.random.uniform(ks[6], (N_EM,), dtype=jnp.float32) - 0.5
    z_os_val = jax.random.uniform(ks[7], (N_EM,), dtype=jnp.float32) - 0.5
    i_val = jax.random.uniform(ks[8], (N_EM,), dtype=jnp.float32) * 5.0 + 0.1
    sigma = jnp.array(2.0, dtype=jnp.float32)  # learned PSF width parameter
    return {"x_os_val": x_os_val, "y_os_val": y_os_val, "z_os_val": z_os_val,
            "i_val": i_val, "sigma": sigma, "b": b, "ch": ch, "z": z, "y": y, "x": x}


def _gaussian_psf(x_os, y_os, z_os, sigma):
    # Parametric PSF: per-emitter 3D Gaussian continuously shifted by sub-voxel offsets.
    r = jnp.arange(PSF_SZ, dtype=jnp.float32) - (PSF_SZ // 2)
    gz = jnp.exp(-((r[None, :] - z_os[:, None]) ** 2) / (2.0 * sigma ** 2))
    gy = jnp.exp(-((r[None, :] - y_os[:, None]) ** 2) / (2.0 * sigma ** 2))
    gx = jnp.exp(-((r[None, :] - x_os[:, None]) ** 2) / (2.0 * sigma ** 2))
    psf = gz[:, :, None, None] * gy[:, None, :, None] * gx[:, None, None, :]
    return psf[:, None, :, :, :]  # (N, 1, PSF_SZ, PSF_SZ, PSF_SZ)


def reference(x_os_val, y_os_val, z_os_val, i_val, sigma, b, ch, z, y, x):
    # 1) parametric PSF with continuous shifts
    psf = _gaussian_psf(x_os_val, y_os_val, z_os_val, sigma)
    # 2) clamp_min_(psf, 0)
    psf = jnp.maximum(psf, 0.0)
    # 3) normalize by per-emitter max
    psf_max = jnp.max(psf, axis=(2, 3, 4), keepdims=True)
    psf = psf / psf_max
    # scale by clamped intensities
    tot_intensity = jnp.maximum(i_val, 0.0)
    psf = psf * tot_intensity[:, None, None, None, None]
    # 4) place_psf: scatter-add each PSF volume into padded output volume
    B, C, H, W, D = OUT_SHAPE
    pad = PSF_SZ // 2
    Hp, Wp, Dp = H + 2 * pad, W + 2 * pad, D + 2 * pad
    off = jnp.arange(PSF_SZ)
    zi = z[:, None, None, None] + off[None, :, None, None]
    yi = y[:, None, None, None] + off[None, None, :, None]
    xi = x[:, None, None, None] + off[None, None, None, :]
    bb = b[:, None, None, None]
    cc = ch[:, None, None, None]
    flat_idx = (((bb * C + cc) * Hp + zi) * Wp + yi) * Dp + xi
    vol_flat = jnp.zeros((B * C * Hp * Wp * Dp,), dtype=jnp.float32)
    vol_flat = vol_flat.at[flat_idx.reshape(-1)].add(psf.reshape(-1))
    vol = vol_flat.reshape(B, C, Hp, Wp, Dp)
    placed_psf = vol[:, :, pad:Hp - pad, pad:Wp - pad, pad:Dp - pad]
    # 5) multiply by scale
    xsim = SCALE * placed_psf
    return xsim

if __name__ == "__main__":
    import jax
    _d = setup_inputs()
    print(jax.jit(kernel)(*tuple(_d.values())))

</pallas_src>

<mosaic_0001>
#map = affine_map<(d0, d1) -> (0)>
module attributes {stable_mosaic.version = 14 : i64} {
  func.func @_sc_body(%arg0: i32, %arg1: i32, %arg2: memref<2000xf32, #tpu.memory_space<hbm>>, %arg3: memref<2000xf32, #tpu.memory_space<hbm>>, %arg4: memref<2000xf32, #tpu.memory_space<hbm>>, %arg5: memref<2000xf32, #tpu.memory_space<hbm>>, %arg6: memref<16xf32, #tpu.memory_space<hbm>>, %arg7: memref<2000xi32, #tpu.memory_space<hbm>>, %arg8: memref<2000xi32, #tpu.memory_space<hbm>>, %arg9: memref<2000xi32, #tpu.memory_space<hbm>>, %arg10: memref<2000xi32, #tpu.memory_space<hbm>>, %arg11: memref<448xi32, #tpu.memory_space<hbm>>, %arg12: memref<448xi32, #tpu.memory_space<hbm>>, %arg13: memref<448xf32, #tpu.memory_space<hbm>>, %arg14: memref<448xf32, #tpu.memory_space<hbm>>, %arg15: memref<448xf32, #tpu.memory_space<hbm>>, %arg16: memref<65536xf32, #tpu.memory_space<hbm>>, %arg17: memref<4194304xf32, #tpu.memory_space<hbm>>, %arg18: memref<65536xf32, #tpu.memory_space<vmem>>, %arg19: memref<2016xf32, #tpu.memory_space<vmem>>, %arg20: memref<2016xf32, #tpu.memory_space<vmem>>, %arg21: memref<2016xf32, #tpu.memory_space<vmem>>, %arg22: memref<2016xf32, #tpu.memory_space<vmem>>, %arg23: memref<2016xi32, #tpu.memory_space<vmem>>, %arg24: memref<2016xi32, #tpu.memory_space<vmem>>, %arg25: memref<2016xi32, #tpu.memory_space<vmem>>, %arg26: memref<2016xi32, #tpu.memory_space<vmem>>, %arg27: memref<448xi32, #tpu.memory_space<vmem>>, %arg28: memref<448xi32, #tpu.memory_space<vmem>>, %arg29: memref<448xf32, #tpu.memory_space<vmem>>, %arg30: memref<448xf32, #tpu.memory_space<vmem>>, %arg31: memref<448xf32, #tpu.memory_space<vmem>>, %arg32: memref<2016xi32, #tpu.memory_space<vmem>>, %arg33: memref<16xf32, #tpu.memory_space<vmem>>) attributes {dimension_semantics = [#tpu.dimension_semantics<core_parallel>, #tpu.dimension_semantics<subcore_parallel>], iteration_bounds = array<i64: 2, 16>, scalar_prefetch = 0 : i64, scratch_operands = 16 : i64, tpu.core_type = #tpu.core_type<sc_vector_subcore>, window_params = [{transform_indices = #map}, {transform_indices = #map}, {transform_indices = #map}, {transform_indices = #map}, {transform_indices = #map}, {transform_indices = #map}, {transform_indices = #map}, {transform_indices = #map}, {transform_indices = #map}, {transform_indices = #map}, {transform_indices = #map}, {transform_indices = #map}, {transform_indices = #map}, {transform_indices = #map}, {transform_indices = #map}, {transform_indices = #map}]} {
    %mul3A = arith.constant 2 : i32
    %mul3A_0 = arith.muli %arg1, %mul3A : i32
    %add3A = arith.addi %mul3A_0, %arg0 : i32
    "tpu.region"() ({
      %run_scoped3A = tpu.sem_alloc : memref<!tpu.dma_semaphore, #tpu.memory_space<semaphore_mem>>
      %dma_start3A = arith.constant 0 : i32
      %dma_start3A_105 = tpu.memref_slice %arg19[%dma_start3A] : memref<2016xf32, #tpu.memory_space<vmem>> -> memref<2000xf32, #tpu.memory_space<vmem>>
      %dma_start3A_106 = arith.constant 0 : i32
      %dma_start3A_107 = tpu.memref_slice %arg19[%dma_start3A_106] : memref<2016xf32, #tpu.memory_space<vmem>> -> memref<2000xf32, #tpu.memory_space<vmem>>
      tpu.enqueue_dma source(%arg2 : memref<2000xf32, #tpu.memory_space<hbm>>) target(%dma_start3A_107 : memref<2000xf32, #tpu.memory_space<vmem>>) target_semaphore(%run_scoped3A : memref<!tpu.dma_semaphore, #tpu.memory_space<semaphore_mem>>)
      %dma_wait3A = arith.constant 0 : i32
      %dma_wait3A_108 = tpu.memref_slice %arg19[%dma_wait3A] : memref<2016xf32, #tpu.memory_space<vmem>> -> memref<2000xf32, #tpu.memory_space<vmem>>
      %dma_wait3A_109 = arith.constant 0 : i32
      %dma_wait3A_110 = tpu.memref_slice %arg19[%dma_wait3A_109] : memref<2016xf32, #tpu.memory_space<vmem>> -> memref<2000xf32, #tpu.memory_space<vmem>>
      tpu.wait_dma2 semaphore(%run_scoped3A : memref<!tpu.dma_semaphore, #tpu.memory_space<semaphore_mem>>) src(%arg2 : memref<2000xf32, #tpu.memory_space<hbm>>) dst(%dma_wait3A_110 : memref<2000xf32, #tpu.memory_space<vmem>>)
      tpu.yield
    }) : () -> ()
    "tpu.region"() ({
      %run_scoped3A = tpu.sem_alloc : memref<!tpu.dma_semaphore, #tpu.memory_space<semaphore_mem>>
      %dma_start3A = arith.constant 0 : i32
      %dma_start3A_105 = tpu.memref_slice %arg20[%dma_start3A] : memref<2016xf32, #tpu.memory_space<vmem>> -> memref<2000xf32, #tpu.memory_space<vmem>>
      %dma_start3A_106 = arith.constant 0 : i32
      %dma_start3A_107 = tpu.memref_slice %arg20[%dma_start3A_106] : memref<2016xf32, #tpu.memory_space<vmem>> -> memref<2000xf32, #tpu.memory_space<vmem>>
      tpu.enqueue_dma source(%arg3 : memref<2000xf32, #tpu.memory_space<hbm>>) target(%dma_start3A_107 : memref<2000xf32, #tpu.memory_space<vmem>>) target_semaphore(%run_scoped3A : memref<!tpu.dma_semaphore, #tpu.memory_space<semaphore_mem>>)
      %dma_wait3A = arith.constant 0 : i32
      %dma_wait3A_108 = tpu.memref_slice %arg20[%dma_wait3A] : memref<2016xf32, #tpu.memory_space<vmem>> -> memref<2000xf32, #tpu.memory_space<vmem>>
      %dma_wait3A_109 = arith.constant 0 : i32
      %dma_wait3A_110 = tpu.memref_slice %arg20[%dma_wait3A_109] : memref<2016xf32, #tpu.memory_space<vmem>> -> memref<2000xf32, #tpu.memory_space<vmem>>
      tpu.wait_dma2 semaphore(%run_scoped3A : memref<!tpu.dma_semaphore, #tpu.memory_space<semaphore_mem>>) src(%arg3 : memref<2000xf32, #tpu.memory_space<hbm>>) dst(%dma_wait3A_110 : memref<2000xf32, #tpu.memory_space<vmem>>)
      tpu.yield
    }) : () -> ()
    "tpu.region"() ({
      %run_scoped3A = tpu.sem_alloc : memref<!tpu.dma_semaphore, #tpu.memory_space<semaphore_mem>>
      %dma_start3A = arith.constant 0 : i32
      %dma_start3A_105 = tpu.memref_slice %arg21[%dma_start3A] : memref<2016xf32, #tpu.memory_space<vmem>> -> memref<2000xf32, #tpu.memory_space<vmem>>
      %dma_start3A_106 = arith.constant 0 : i32
      %dma_start3A_107 = tpu.memref_slice %arg21[%dma_start3A_106] : memref<2016xf32, #tpu.memory_space<vmem>> -> memref<2000xf32, #tpu.memory_space<vmem>>
      tpu.enqueue_dma source(%arg4 : memref<2000xf32, #tpu.memory_space<hbm>>) target(%dma_start3A_107 : memref<2000xf32, #tpu.memory_space<vmem>>) target_semaphore(%run_scoped3A : memref<!tpu.dma_semaphore, #tpu.memory_space<semaphore_mem>>)
      %dma_wait3A = arith.constant 0 : i32
      %dma_wait3A_108 = tpu.memref_slice %arg21[%dma_wait3A] : memref<2016xf32, #tpu.memory_space<vmem>> -> memref<2000xf32, #tpu.memory_space<vmem>>
      %dma_wait3A_109 = arith.constant 0 : i32
      %dma_wait3A_110 = tpu.memref_slice %arg21[%dma_wait3A_109] : memref<2016xf32, #tpu.memory_space<vmem>> -> memref<2000xf32, #tpu.memory_space<vmem>>
      tpu.wait_dma2 semaphore(%run_scoped3A : memref<!tpu.dma_semaphore, #tpu.memory_space<semaphore_mem>>) src(%arg4 : memref<2000xf32, #tpu.memory_space<hbm>>) dst(%dma_wait3A_110 : memref<2000xf32, #tpu.memory_space<vmem>>)
      tpu.yield
    }) : () -> ()
    "tpu.region"() ({
      %run_scoped3A = tpu.sem_alloc : memref<!tpu.dma_semaphore, #tpu.memory_space<semaphore_mem>>
      %dma_start3A = arith.constant 0 : i32
      %dma_start3A_105 = tpu.memref_slice %arg22[%dma_start3A] : memref<2016xf32, #tpu.memory_space<vmem>> -> memref<2000xf32, #tpu.memory_space<vmem>>
      %dma_start3A_106 = arith.constant 0 : i32
      %dma_start3A_107 = tpu.memref_slice %arg22[%dma_start3A_106] : memref<2016xf32, #tpu.memory_space<vmem>> -> memref<2000xf32, #tpu.memory_space<vmem>>
      tpu.enqueue_dma source(%arg5 : memref<2000xf32, #tpu.memory_space<hbm>>) target(%dma_start3A_107 : memref<2000xf32, #tpu.memory_space<vmem>>) target_semaphore(%run_scoped3A : memref<!tpu.dma_semaphore, #tpu.memory_space<semaphore_mem>>)
      %dma_wait3A = arith.constant 0 : i32
      %dma_wait3A_108 = tpu.memref_slice %arg22[%dma_wait3A] : memref<2016xf32, #tpu.memory_space<vmem>> -> memref<2000xf32, #tpu.memory_space<vmem>>
      %dma_wait3A_109 = arith.constant 0 : i32
      %dma_wait3A_110 = tpu.memref_slice %arg22[%dma_wait3A_109] : memref<2016xf32, #tpu.memory_space<vmem>> -> memref<2000xf32, #tpu.memory_space<vmem>>
      tpu.wait_dma2 semaphore(%run_scoped3A : memref<!tpu.dma_semaphore, #tpu.memory_space<semaphore_mem>>) src(%arg5 : memref<2000xf32, #tpu.memory_space<hbm>>) dst(%dma_wait3A_110 : memref<2000xf32, #tpu.memory_space<vmem>>)
      tpu.yield
    }) : () -> ()
    "tpu.region"() ({
      %run_scoped3A = tpu.sem_alloc : memref<!tpu.dma_semaphore, #tpu.memory_space<semaphore_mem>>
      %dma_start3A = arith.constant 0 : i32
      %dma_start3A_105 = tpu.memref_slice %arg23[%dma_start3A] : memref<2016xi32, #tpu.memory_space<vmem>> -> memref<2000xi32, #tpu.memory_space<vmem>>
      %dma_start3A_106 = arith.constant 0 : i32
      %dma_start3A_107 = tpu.memref_slice %arg23[%dma_start3A_106] : memref<2016xi32, #tpu.memory_space<vmem>> -> memref<2000xi32, #tpu.memory_space<vmem>>
      tpu.enqueue_dma source(%arg7 : memref<2000xi32, #tpu.memory_space<hbm>>) target(%dma_start3A_107 : memref<2000xi32, #tpu.memory_space<vmem>>) target_semaphore(%run_scoped3A : memref<!tpu.dma_semaphore, #tpu.memory_space<semaphore_mem>>)
      %dma_wait3A = arith.constant 0 : i32
      %dma_wait3A_108 = tpu.memref_slice %arg23[%dma_wait3A] : memref<2016xi32, #tpu.memory_space<vmem>> -> memref<2000xi32, #tpu.memory_space<vmem>>
      %dma_wait3A_109 = arith.constant 0 : i32
      %dma_wait3A_110 = tpu.memref_slice %arg23[%dma_wait3A_109] : memref<2016xi32, #tpu.memory_space<vmem>> -> memref<2000xi32, #tpu.memory_space<vmem>>
      tpu.wait_dma2 semaphore(%run_scoped3A : memref<!tpu.dma_semaphore, #tpu.memory_space<semaphore_mem>>) src(%arg7 : memref<2000xi32, #tpu.memory_space<hbm>>) dst(%dma_wait3A_110 : memref<2000xi32, #tpu.memory_space<vmem>>)
      tpu.yield
    }) : () -> ()
    "tpu.region"() ({
      %run_scoped3A = tpu.sem_alloc : memref<!tpu.dma_semaphore, #tpu.memory_space<semaphore_mem>>
      %dma_start3A = arith.constant 0 : i32
      %dma_start3A_105 = tpu.memref_slice %arg24[%dma_start3A] : memref<2016xi32, #tpu.memory_space<vmem>> -> memref<2000xi32, #tpu.memory_space<vmem>>
      %dma_start3A_106 = arith.constant 0 : i32
      %dma_start3A_107 = tpu.memref_slice %arg24[%dma_start3A_106] : memref<2016xi32, #tpu.memory_space<vmem>> -> memref<2000xi32, #tpu.memory_space<vmem>>
      tpu.enqueue_dma source(%arg8 : memref<2000xi32, #tpu.memory_space<hbm>>) target(%dma_start3A_107 : memref<2000xi32, #tpu.memory_space<vmem>>) target_semaphore(%run_scoped3A : memref<!tpu.dma_semaphore, #tpu.memory_space<semaphore_mem>>)
      %dma_wait3A = arith.constant 0 : i32
      %dma_wait3A_108 = tpu.memref_slice %arg24[%dma_wait3A] : memref<2016xi32, #tpu.memory_space<vmem>> -> memref<2000xi32, #tpu.memory_space<vmem>>
      %dma_wait3A_109 = arith.constant 0 : i32
      %dma_wait3A_110 = tpu.memref_slice %arg24[%dma_wait3A_109] : memref<2016xi32, #tpu.memory_space<vmem>> -> memref<2000xi32, #tpu.memory_space<vmem>>
      tpu.wait_dma2 semaphore(%run_scoped3A : memref<!tpu.dma_semaphore, #tpu.memory_space<semaphore_mem>>) src(%arg8 : memref<2000xi32, #tpu.memory_space<hbm>>) dst(%dma_wait3A_110 : memref<2000xi32, #tpu.memory_space<vmem>>)
      tpu.yield
    }) : () -> ()
    "tpu.region"() ({
      %run_scoped3A = tpu.sem_alloc : memref<!tpu.dma_semaphore, #tpu.memory_space<semaphore_mem>>
      %dma_start3A = arith.constant 0 : i32
      %dma_start3A_105 = tpu.memref_slice %arg25[%dma_start3A] : memref<2016xi32, #tpu.memory_space<vmem>> -> memref<2000xi32, #tpu.memory_space<vmem>>
      %dma_start3A_106 = arith.constant 0 : i32
      %dma_start3A_107 = tpu.memref_slice %arg25[%dma_start3A_106] : memref<2016xi32, #tpu.memory_space<vmem>> -> memref<2000xi32, #tpu.memory_space<vmem>>
      tpu.enqueue_dma source(%arg9 : memref<2000xi32, #tpu.memory_space<hbm>>) target(%dma_start3A_107 : memref<2000xi32, #tpu.memory_space<vmem>>) target_semaphore(%run_scoped3A : memref<!tpu.dma_semaphore, #tpu.memory_space<semaphore_mem>>)
      %dma_wait3A = arith.constant 0 : i32
      %dma_wait3A_108 = tpu.memref_slice %arg25[%dma_wait3A] : memref<2016xi32, #tpu.memory_space<vmem>> -> memref<2000xi32, #tpu.memory_space<vmem>>
      %dma_wait3A_109 = arith.constant 0 : i32
      %dma_wait3A_110 = tpu.memref_slice %arg25[%dma_wait3A_109] : memref<2016xi32, #tpu.memory_space<vmem>> -> memref<2000xi32, #tpu.memory_space<vmem>>
      tpu.wait_dma2 semaphore(%run_scoped3A : memref<!tpu.dma_semaphore, #tpu.memory_space<semaphore_mem>>) src(%arg9 : memref<2000xi32, #tpu.memory_space<hbm>>) dst(%dma_wait3A_110 : memref<2000xi32, #tpu.memory_space<vmem>>)
      tpu.yield
    }) : () -> ()
    "tpu.region"() ({
      %run_scoped3A = tpu.sem_alloc : memref<!tpu.dma_semaphore, #tpu.memory_space<semaphore_mem>>
      %dma_start3A = arith.constant 0 : i32
      %dma_start3A_105 = tpu.memref_slice %arg26[%dma_start3A] : memref<2016xi32, #tpu.memory_space<vmem>> -> memref<2000xi32, #tpu.memory_space<vmem>>
      %dma_start3A_106 = arith.constant 0 : i32
      %dma_start3A_107 = tpu.memref_slice %arg26[%dma_start3A_106] : memref<2016xi32, #tpu.memory_space<vmem>> -> memref<2000xi32, #tpu.memory_space<vmem>>
      tpu.enqueue_dma source(%arg10 : memref<2000xi32, #tpu.memory_space<hbm>>) target(%dma_start3A_107 : memref<2000xi32, #tpu.memory_space<vmem>>) target_semaphore(%run_scoped3A : memref<!tpu.dma_semaphore, #tpu.memory_space<semaphore_mem>>)
      %dma_wait3A = arith.constant 0 : i32
      %dma_wait3A_108 = tpu.memref_slice %arg26[%dma_wait3A] : memref<2016xi32, #tpu.memory_space<vmem>> -> memref<2000xi32, #tpu.memory_space<vmem>>
      %dma_wait3A_109 = arith.constant 0 : i32
      %dma_wait3A_110 = tpu.memref_slice %arg26[%dma_wait3A_109] : memref<2016xi32, #tpu.memory_space<vmem>> -> memref<2000xi32, #tpu.memory_space<vmem>>
      tpu.wait_dma2 semaphore(%run_scoped3A : memref<!tpu.dma_semaphore, #tpu.memory_space<semaphore_mem>>) src(%arg10 : memref<2000xi32, #tpu.memory_space<hbm>>) dst(%dma_wait3A_110 : memref<2000xi32, #tpu.memory_space<vmem>>)
      tpu.yield
    }) : () -> ()
    "tpu.region"() ({
      %run_scoped3A = tpu.sem_alloc : memref<!tpu.dma_semaphore, #tpu.memory_space<semaphore_mem>>
      tpu.enqueue_dma source(%arg11 : memref<448xi32, #tpu.memory_space<hbm>>) target(%arg27 : memref<448xi32, #tpu.memory_space<vmem>>) target_semaphore(%run_scoped3A : memref<!tpu.dma_semaphore, #tpu.memory_space<semaphore_mem>>)
      tpu.wait_dma2 semaphore(%run_scoped3A : memref<!tpu.dma_semaphore, #tpu.memory_space<semaphore_mem>>) src(%arg11 : memref<448xi32, #tpu.memory_space<hbm>>) dst(%arg27 : memref<448xi32, #tpu.memory_space<vmem>>)
      tpu.yield
    }) : () -> ()
    "tpu.region"() ({
      %run_scoped3A = tpu.sem_alloc : memref<!tpu.dma_semaphore, #tpu.memory_space<semaphore_mem>>
      tpu.enqueue_dma source(%arg12 : memref<448xi32, #tpu.memory_space<hbm>>) target(%arg28 : memref<448xi32, #tpu.memory_space<vmem>>) target_semaphore(%run_scoped3A : memref<!tpu.dma_semaphore, #tpu.memory_space<semaphore_mem>>)
      tpu.wait_dma2 semaphore(%run_scoped3A : memref<!tpu.dma_semaphore, #tpu.memory_space<semaphore_mem>>) src(%arg12 : memref<448xi32, #tpu.memory_space<hbm>>) dst(%arg28 : memref<448xi32, #tpu.memory_space<vmem>>)
      tpu.yield
    }) : () -> ()
    "tpu.region"() ({
      %run_scoped3A = tpu.sem_alloc : memref<!tpu.dma_semaphore, #tpu.memory_space<semaphore_mem>>
      tpu.enqueue_dma source(%arg13 : memref<448xf32, #tpu.memory_space<hbm>>) target(%arg29 : memref<448xf32, #tpu.memory_space<vmem>>) target_semaphore(%run_scoped3A : memref<!tpu.dma_semaphore, #tpu.memory_space<semaphore_mem>>)
      tpu.wait_dma2 semaphore(%run_scoped3A : memref<!tpu.dma_semaphore, #tpu.memory_space<semaphore_mem>>) src(%arg13 : memref<448xf32, #tpu.memory_space<hbm>>) dst(%arg29 : memref<448xf32, #tpu.memory_space<vmem>>)
      tpu.yield
    }) : () -> ()
    "tpu.region"() ({
      %run_scoped3A = tpu.sem_alloc : memref<!tpu.dma_semaphore, #tpu.memory_space<semaphore_mem>>
      tpu.enqueue_dma source(%arg14 : memref<448xf32, #tpu.memory_space<hbm>>) target(%arg30 : memref<448xf32, #tpu.memory_space<vmem>>) target_semaphore(%run_scoped3A : memref<!tpu.dma_semaphore, #tpu.memory_space<semaphore_mem>>)
      tpu.wait_dma2 semaphore(%run_scoped3A : memref<!tpu.dma_semaphore, #tpu.memory_space<semaphore_mem>>) src(%arg14 : memref<448xf32, #tpu.memory_space<hbm>>) dst(%arg30 : memref<448xf32, #tpu.memory_space<vmem>>)
      tpu.yield
    }) : () -> ()
    "tpu.region"() ({
      %run_scoped3A = tpu.sem_alloc : memref<!tpu.dma_semaphore, #tpu.memory_space<semaphore_mem>>
      tpu.enqueue_dma source(%arg15 : memref<448xf32, #tpu.memory_space<hbm>>) target(%arg31 : memref<448xf32, #tpu.memory_space<vmem>>) target_semaphore(%run_scoped3A : memref<!tpu.dma_semaphore, #tpu.memory_space<semaphore_mem>>)
      tpu.wait_dma2 semaphore(%run_scoped3A : memref<!tpu.dma_semaphore, #tpu.memory_space<semaphore_mem>>) src(%arg15 : memref<448xf32, #tpu.memory_space<hbm>>) dst(%arg31 : memref<448xf32, #tpu.memory_space<vmem>>)
      tpu.yield
    }) : () -> ()
    "tpu.region"() ({
      %run_scoped3A = tpu.sem_alloc : memref<!tpu.dma_semaphore, #tpu.memory_space<semaphore_mem>>
      tpu.enqueue_dma source(%arg6 : memref<16xf32, #tpu.memory_space<hbm>>) target(%arg33 : memref<16xf32, #tpu.memory_space<vmem>>) target_semaphore(%run_scoped3A : memref<!tpu.dma_semaphore, #tpu.memory_space<semaphore_mem>>)
      tpu.wait_dma2 semaphore(%run_scoped3A : memref<!tpu.dma_semaphore, #tpu.memory_space<semaphore_mem>>) src(%arg6 : memref<16xf32, #tpu.memory_space<hbm>>) dst(%arg33 : memref<16xf32, #tpu.memory_space<vmem>>)
      tpu.yield
    }) : () -> ()
    %get3A = arith.constant 0 : index
    %get3A_1 = tpu.vector_load %arg33[%get3A] {strides = array<i32>} : memref<16xf32, #tpu.memory_space<vmem>>, vector<16xf32>,
    %mul3A_2 = arith.mulf %get3A_1, %get3A_1 : vector<16xf32>
    %div3A = arith.constant 5.000000e-01 : f32
    %div3A_3 = vector.broadcast %div3A : f32 to vector<16xf32>
    %div3A_4 = arith.divf %div3A_3, %mul3A_2 : vector<16xf32>
    %slice3A = vector.extract_strided_slice %div3A_4 {offsets = [0], sizes = [1], strides = [1]} : vector<16xf32> to vector<1xf32>
    %squeeze3A = vector.extract %slice3A[0] : f32 from vector<1xf32>
    %iota3A = tpu.iota {dimensions = array<i32: 0>} : vector<16xi32>
    %convert_element_type3A = arith.sitofp %iota3A : vector<16xi32> to vector<16xf32>
    %broadcast_in_dim3A = arith.constant 0.000000e+00 : f32
    %broadcast_in_dim3A_5 = vector.broadcast %broadcast_in_dim3A : f32 to vector<16xf32>
    %add3A_6 = arith.constant 0 : i32
    %add3A_7 = arith.addi %add3A, %add3A_6 : i32
    %jit3A = arith.constant 16 : i32
    %div3A_8 = arith.divsi %add3A_7, %jit3A : i32
    %sign3A = arith.constant 0 : i32
    %sign3A_9 = arith.cmpi sgt, %add3A_7, %sign3A : i32
    %sign3A_10 = arith.extui %sign3A_9 : i1 to i32
    %sign3A_11 = arith.constant 0 : i32
    %sign3A_12 = arith.cmpi slt, %add3A_7, %sign3A_11 : i32
    %sign3A_13 = arith.extui %sign3A_12 : i1 to i32
    %sign3A_14 = arith.subi %sign3A_10, %sign3A_13 : i32
    %sign3A_15 = arith.constant 0 : i32
    %sign3A_16 = arith.cmpi sgt, %jit3A, %sign3A_15 : i32
    %sign3A_17 = arith.extui %sign3A_16 : i1 to i32
    %sign3A_18 = arith.constant 0 : i32
    %sign3A_19 = arith.cmpi slt, %jit3A, %sign3A_18 : i32
    %sign3A_20 = arith.extui %sign3A_19 : i1 to i32
    %sign3A_21 = arith.subi %sign3A_17, %sign3A_20 : i32
    %ne3A = arith.cmpi ne, %sign3A_14, %sign3A_21 : i32
    %rem3A = arith.remsi %add3A_7, %jit3A : i32
    %ne3A_22 = arith.constant 0 : i32
    %ne3A_23 = arith.cmpi ne, %rem3A, %ne3A_22 : i32
    %and3A = arith.andi %ne3A, %ne3A_23 : i1
    %sub3A = arith.constant 1 : i32
    %sub3A_24 = arith.subi %div3A_8, %sub3A : i32
    %select_n3A = arith.select %and3A, %sub3A_24, %div3A_8 : i32
    %jit3A_25 = arith.constant 16 : i32
    %eq3A = arith.constant 0 : i32
    %eq3A_26 = arith.cmpi eq, %jit3A_25, %eq3A : i32
    %jit3A_27 = arith.constant 1 : i32
    %select_n3A_28 = arith.select %eq3A_26, %jit3A_27, %jit3A_25 : i32
    %rem3A_29 = arith.remsi %add3A_7, %select_n3A_28 : i32
    %ne3A_30 = arith.constant 0 : i32
    %ne3A_31 = arith.cmpi ne, %rem3A_29, %ne3A_30 : i32
    %lt3A = arith.constant 0 : i32
    %lt3A_32 = arith.cmpi slt, %rem3A_29, %lt3A : i32
    %lt3A_33 = arith.constant 0 : i32
    %lt3A_34 = arith.cmpi slt, %select_n3A_28, %lt3A_33 : i32
    %ne3A_35 = arith.xori %lt3A_32, %lt3A_34 : i1
    %and3A_36 = arith.andi %ne3A_35, %ne3A_31 : i1
    %add3A_37 = arith.addi %rem3A_29, %select_n3A_28 : i32
    %select_n3A_38 = arith.select %and3A_36, %add3A_37, %rem3A_29 : i32
    %mul3A_39 = arith.constant 8 : i32
    %mul3A_40 = arith.muli %select_n3A_38, %mul3A_39 : i32
    "tpu.region"() ({
      %run_scoped3A = tpu.sem_alloc : memref<!tpu.dma_semaphore, #tpu.memory_space<semaphore_mem>>
      tpu.enqueue_dma source(%arg16 : memref<65536xf32, #tpu.memory_space<hbm>>) target(%arg18 : memref<65536xf32, #tpu.memory_space<vmem>>) target_semaphore(%run_scoped3A : memref<!tpu.dma_semaphore, #tpu.memory_space<semaphore_mem>>)
      tpu.wait_dma2 semaphore(%run_scoped3A : memref<!tpu.dma_semaphore, #tpu.memory_space<semaphore_mem>>) src(%arg16 : memref<65536xf32, #tpu.memory_space<hbm>>) dst(%arg18 : memref<65536xf32, #tpu.memory_space<vmem>>)
      tpu.yield
    }) : () -> ()
    %scan3A = arith.constant 0 : i32
    %scan3A_41 = arith.constant 0 : i32
    %scan3A_42 = arith.constant 125 : i32
    %scan3A_43 = arith.addi %scan3A_41, %scan3A_42 : i32
    %scan3A_44 = arith.constant 1 : i32
    %scan3A_45 = scf.for %scan3A_105 = %scan3A_41 to %scan3A_43 step %scan3A_44 iter_args(%scan3A_106 = %scan3A) -> (i32)  : i32 {
      %mul3A_107 = arith.constant 16 : i32
      %mul3A_108 = arith.muli %scan3A_105, %mul3A_107 : i32
      %get3A_109 = arith.index_cast %mul3A_108 : i32 to index
      %get3A_110 = tpu.vector_load %arg23[%get3A_109] {strides = array<i32>} : memref<2016xi32, #tpu.memory_space<vmem>>, vector<16xi32>,
      %mul3A_111 = arith.constant 16 : i32
      %mul3A_112 = arith.muli %scan3A_105, %mul3A_111 : i32
      %get3A_113 = arith.index_cast %mul3A_112 : i32 to index
      %get3A_114 = tpu.vector_load %arg24[%get3A_113] {strides = array<i32>} : memref<2016xi32, #tpu.memory_space<vmem>>, vector<16xi32>,
      %eq3A_115 = vector.broadcast %select_n3A : i32 to vector<16xi32>
      %eq3A_116 = arith.cmpi eq, %get3A_110, %eq3A_115 : vector<16xi32>
      %sub3A_117 = arith.constant 10 : i32
      %sub3A_118 = arith.subi %mul3A_40, %sub3A_117 : i32
      %ge3A = vector.broadcast %sub3A_118 : i32 to vector<16xi32>
      %ge3A_119 = arith.cmpi sge, %get3A_114, %ge3A : vector<16xi32>
      %and3A_120 = arith.andi %eq3A_116, %ge3A_119 : vector<16xi1>
      %add3A_121 = arith.constant 8 : i32
      %add3A_122 = arith.addi %mul3A_40, %add3A_121 : i32
      %sub3A_123 = arith.constant 1 : i32
      %sub3A_124 = arith.subi %add3A_122, %sub3A_123 : i32
      %add3A_125 = arith.constant 10 : i32
      %add3A_126 = arith.addi %sub3A_124, %add3A_125 : i32
      %le3A = vector.broadcast %add3A_126 : i32 to vector<16xi32>
      %le3A_127 = arith.cmpi sle, %get3A_114, %le3A : vector<16xi32>
      %and3A_128 = arith.andi %and3A_120, %le3A_127 : vector<16xi1>
      %mul3A_129 = arith.constant 16 : i32
      %mul3A_130 = arith.muli %scan3A_105, %mul3A_129 : i32
      %add3A_131 = vector.broadcast %mul3A_130 : i32 to vector<16xi32>
      %add3A_132 = arith.addi %add3A_131, %iota3A : vector<16xi32>
      %swap3A = arith.index_cast %scan3A_106 : i32 to index
      %swap3A_133 = tpu.vector_load %arg32[%swap3A] masked %and3A_128 {strides = array<i32>} : memref<2016xi32, #tpu.memory_space<vmem>>, vector<16xi32>, vector<16xi1>
      tpu.vector_store %arg32[%swap3A], %add3A_132 masked %and3A_128 {strides = array<i32>} : memref<2016xi32, #tpu.memory_space<vmem>>, vector<16xi32>, vector<16xi1>
      %all_reduce_population_count3A = tpu.all_reduce %and3A_128 {dim = 0 : i64, kind = #tpu.reduction_kind<sum>} : vector<16xi1> -> vector<16xi32>
      %slice3A_134 = vector.extract_strided_slice %all_reduce_population_count3A {offsets = [0], sizes = [1], strides = [1]} : vector<16xi32> to vector<1xi32>
      %squeeze3A_135 = vector.extract %slice3A_134[0] : i32 from vector<1xi32>
      %add3A_136 = arith.addi %scan3A_106, %squeeze3A_135 : i32
      scf.yield %add3A_136 : i32
    }
    %scan3A_46 = arith.constant 125 : i32
    %parallel_loop3A = arith.constant 0 : i32
    %parallel_loop3A_47 = arith.constant 1 : i32
    scf.for %parallel_loop3A_105 = %parallel_loop3A to %scan3A_45 step %parallel_loop3A_47  : i32 {
      %parallel_loop3A_106 = arith.index_cast %parallel_loop3A_105 : i32 to index
      %parallel_loop3A_107 = tpu.vector_load %arg32[%parallel_loop3A_106] {strides = array<i32>} : memref<2016xi32, #tpu.memory_space<vmem>>, vector<16xi32>,
      %parallel_loop3A_108 = vector.extract_strided_slice %parallel_loop3A_107 {offsets = [0], sizes = [1], strides = [1]} : vector<16xi32> to vector<1xi32>
      %parallel_loop3A_109 = vector.extract %parallel_loop3A_108[0] : i32 from vector<1xi32>
      %parallel_loop3A_110 = arith.index_cast %parallel_loop3A_109 : i32 to index
      %parallel_loop3A_111 = tpu.vector_load %arg24[%parallel_loop3A_110] {strides = array<i32>} : memref<2016xi32, #tpu.memory_space<vmem>>, vector<16xi32>,
      %parallel_loop3A_112 = vector.extract_strided_slice %parallel_loop3A_111 {offsets = [0], sizes = [1], strides = [1]} : vector<16xi32> to vector<1xi32>
      %parallel_loop3A_113 = vector.extract %parallel_loop3A_112[0] : i32 from vector<1xi32>
      %parallel_loop3A_114 = arith.index_cast %parallel_loop3A_109 : i32 to index
      %parallel_loop3A_115 = tpu.vector_load %arg25[%parallel_loop3A_114] {strides = array<i32>} : memref<2016xi32, #tpu.memory_space<vmem>>, vector<16xi32>,
      %parallel_loop3A_116 = vector.extract_strided_slice %parallel_loop3A_115 {offsets = [0], sizes = [1], strides = [1]} : vector<16xi32> to vector<1xi32>
      %parallel_loop3A_117 = vector.extract %parallel_loop3A_116[0] : i32 from vector<1xi32>
      %parallel_loop3A_118 = arith.index_cast %parallel_loop3A_109 : i32 to index
      %parallel_loop3A_119 = tpu.vector_load %arg26[%parallel_loop3A_118] {strides = array<i32>} : memref<2016xi32, #tpu.memory_space<vmem>>, vector<16xi32>,
      %parallel_loop3A_120 = vector.extract_strided_slice %parallel_loop3A_119 {offsets = [0], sizes = [1], strides = [1]} : vector<16xi32> to vector<1xi32>
      %parallel_loop3A_121 = vector.extract %parallel_loop3A_120[0] : i32 from vector<1xi32>
      %parallel_loop3A_122 = arith.index_cast %parallel_loop3A_109 : i32 to index
      %parallel_loop3A_123 = tpu.vector_load %arg21[%parallel_loop3A_122] {strides = array<i32>} : memref<2016xf32, #tpu.memory_space<vmem>>, vector<16xf32>,
      %parallel_loop3A_124 = vector.extract_strided_slice %parallel_loop3A_123 {offsets = [0], sizes = [1], strides = [1]} : vector<16xf32> to vector<1xf32>
      %parallel_loop3A_125 = vector.extract %parallel_loop3A_124[0] : f32 from vector<1xf32>
      %parallel_loop3A_126 = arith.index_cast %parallel_loop3A_109 : i32 to index
      %parallel_loop3A_127 = tpu.vector_load %arg20[%parallel_loop3A_126] {strides = array<i32>} : memref<2016xf32, #tpu.memory_space<vmem>>, vector<16xf32>,
      %parallel_loop3A_128 = vector.extract_strided_slice %parallel_loop3A_127 {offsets = [0], sizes = [1], strides = [1]} : vector<16xf32> to vector<1xf32>
      %parallel_loop3A_129 = vector.extract %parallel_loop3A_128[0] : f32 from vector<1xf32>
      %parallel_loop3A_130 = arith.index_cast %parallel_loop3A_109 : i32 to index
      %parallel_loop3A_131 = tpu.vector_load %arg19[%parallel_loop3A_130] {strides = array<i32>} : memref<2016xf32, #tpu.memory_space<vmem>>, vector<16xf32>,
      %parallel_loop3A_132 = vector.extract_strided_slice %parallel_loop3A_131 {offsets = [0], sizes = [1], strides = [1]} : vector<16xf32> to vector<1xf32>
      %parallel_loop3A_133 = vector.extract %parallel_loop3A_132[0] : f32 from vector<1xf32>
      %parallel_loop3A_134 = arith.index_cast %parallel_loop3A_109 : i32 to index
      %parallel_loop3A_135 = tpu.vector_load %arg22[%parallel_loop3A_134] {strides = array<i32>} : memref<2016xf32, #tpu.memory_space<vmem>>, vector<16xf32>,
      %parallel_loop3A_136 = vector.extract_strided_slice %parallel_loop3A_135 {offsets = [0], sizes = [1], strides = [1]} : vector<16xf32> to vector<1xf32>
      %parallel_loop3A_137 = vector.extract %parallel_loop3A_136[0] : f32 from vector<1xf32>
      %parallel_loop3A_138 = arith.constant 0.000000e+00 : f32
      %parallel_loop3A_139 = arith.maximumf %parallel_loop3A_137, %parallel_loop3A_138 : f32
      %parallel_loop3A_140 = arith.constant 1.000000e+04 : f32
      %parallel_loop3A_141 = arith.mulf %parallel_loop3A_140, %parallel_loop3A_139 : f32
      %parallel_loop3A_142 = arith.subi %mul3A_40, %parallel_loop3A_113 : i32
      %parallel_loop3A_143 = vector.broadcast %parallel_loop3A_142 : i32 to vector<16xi32>
      %parallel_loop3A_144 = arith.addi %parallel_loop3A_143, %iota3A : vector<16xi32>
      %parallel_loop3A_145 = arith.sitofp %parallel_loop3A_144 : vector<16xi32> to vector<16xf32>
      %parallel_loop3A_146 = vector.broadcast %parallel_loop3A_125 : f32 to vector<16xf32>
      %parallel_loop3A_147 = arith.subf %parallel_loop3A_145, %parallel_loop3A_146 : vector<16xf32>
      %parallel_loop3A_148 = arith.mulf %parallel_loop3A_147, %parallel_loop3A_147 : vector<16xf32>
      %parallel_loop3A_149 = arith.mulf %parallel_loop3A_125, %parallel_loop3A_125 : f32
      %parallel_loop3A_150 = vector.broadcast %parallel_loop3A_149 : f32 to vector<16xf32>
      %parallel_loop3A_151 = arith.subf %parallel_loop3A_148, %parallel_loop3A_150 : vector<16xf32>
      %parallel_loop3A_152 = arith.constant 0.000000e+00 : f32
      %parallel_loop3A_153 = vector.broadcast %parallel_loop3A_152 : f32 to vector<16xf32>
      %parallel_loop3A_154 = arith.subf %parallel_loop3A_153, %parallel_loop3A_151 : vector<16xf32>
      %parallel_loop3A_155 = arith.mulf %parallel_loop3A_154, %div3A_4 : vector<16xf32>
      %parallel_loop3A_156 = math.exp %parallel_loop3A_155 : vector<16xf32>
      %parallel_loop3A_157 = vector.broadcast %parallel_loop3A_141 : f32 to vector<16xf32>
      %parallel_loop3A_158 = arith.mulf %parallel_loop3A_156, %parallel_loop3A_157 : vector<16xf32>
      %parallel_loop3A_159 = arith.constant -10 : i32
      %parallel_loop3A_160 = vector.broadcast %parallel_loop3A_159 : i32 to vector<16xi32>
      %parallel_loop3A_161 = arith.cmpi sge, %parallel_loop3A_144, %parallel_loop3A_160 : vector<16xi32>
      %parallel_loop3A_162 = arith.constant 10 : i32
      %parallel_loop3A_163 = vector.broadcast %parallel_loop3A_162 : i32 to vector<16xi32>
      %parallel_loop3A_164 = arith.cmpi sle, %parallel_loop3A_144, %parallel_loop3A_163 : vector<16xi32>
      %parallel_loop3A_165 = arith.andi %parallel_loop3A_161, %parallel_loop3A_164 : vector<16xi1>
      %parallel_loop3A_166 = arith.constant 0.000000e+00 : f32
      %parallel_loop3A_167 = vector.broadcast %parallel_loop3A_166 : f32 to vector<16xf32>
      %parallel_loop3A_168 = arith.select %parallel_loop3A_165, %parallel_loop3A_158, %parallel_loop3A_167 : vector<16xi1>, vector<16xf32>
      %parallel_loop3A_169 = vector.extract_strided_slice %parallel_loop3A_168 {offsets = [0], sizes = [1], strides = [1]} : vector<16xf32> to vector<1xf32>
      %parallel_loop3A_170 = vector.extract %parallel_loop3A_169[0] : f32 from vector<1xf32>
      %parallel_loop3A_171 = vector.extract_strided_slice %parallel_loop3A_168 {offsets = [1], sizes = [1], strides = [1]} : vector<16xf32> to vector<1xf32>
      %parallel_loop3A_172 = vector.extract %parallel_loop3A_171[0] : f32 from vector<1xf32>
      %parallel_loop3A_173 = vector.extract_strided_slice %parallel_loop3A_168 {offsets = [2], sizes = [1], strides = [1]} : vector<16xf32> to vector<1xf32>
      %parallel_loop3A_174 = vector.extract %parallel_loop3A_173[0] : f32 from vector<1xf32>
      %parallel_loop3A_175 = vector.extract_strided_slice %parallel_loop3A_168 {offsets = [3], sizes = [1], strides = [1]} : vector<16xf32> to vector<1xf32>
      %parallel_loop3A_176 = vector.extract %parallel_loop3A_175[0] : f32 from vector<1xf32>
      %parallel_loop3A_177 = vector.extract_strided_slice %parallel_loop3A_168 {offsets = [4], sizes = [1], strides = [1]} : vector<16xf32> to vector<1xf32>
      %parallel_loop3A_178 = vector.extract %parallel_loop3A_177[0] : f32 from vector<1xf32>
      %parallel_loop3A_179 = vector.extract_strided_slice %parallel_loop3A_168 {offsets = [5], sizes = [1], strides = [1]} : vector<16xf32> to vector<1xf32>
      %parallel_loop3A_180 = vector.extract %parallel_loop3A_179[0] : f32 from vector<1xf32>
      %parallel_loop3A_181 = vector.extract_strided_slice %parallel_loop3A_168 {offsets = [6], sizes = [1], strides = [1]} : vector<16xf32> to vector<1xf32>
      %parallel_loop3A_182 = vector.extract %parallel_loop3A_181[0] : f32 from vector<1xf32>
      %parallel_loop3A_183 = vector.extract_strided_slice %parallel_loop3A_168 {offsets = [7], sizes = [1], strides = [1]} : vector<16xf32> to vector<1xf32>
      %parallel_loop3A_184 = vector.extract %parallel_loop3A_183[0] : f32 from vector<1xf32>
      %parallel_loop3A_185 = arith.constant 2.000000e+00 : f32
      %parallel_loop3A_186 = arith.mulf %parallel_loop3A_185, %parallel_loop3A_129 : f32
      %parallel_loop3A_187 = arith.mulf %parallel_loop3A_186, %squeeze3A : f32
      %parallel_loop3A_188 = arith.constant 2.000000e+00 : f32
      %parallel_loop3A_189 = arith.mulf %parallel_loop3A_188, %parallel_loop3A_133 : f32
      %parallel_loop3A_190 = arith.mulf %parallel_loop3A_189, %squeeze3A : f32
      %parallel_loop3A_191 = arith.constant 0.000000e+00 : f32
      %parallel_loop3A_192 = arith.subf %parallel_loop3A_191, %squeeze3A : f32
      %parallel_loop3A_193 = arith.constant 0 : i32
      %parallel_loop3A_194 = arith.constant 28 : i32
      %parallel_loop3A_195 = arith.constant 1 : i32
      scf.for %parallel_loop3A_196 = %parallel_loop3A_193 to %parallel_loop3A_194 step %parallel_loop3A_195  : i32 {
        %parallel_loop3A_197 = arith.constant 16 : i32
        %parallel_loop3A_198 = arith.muli %parallel_loop3A_196, %parallel_loop3A_197 : i32
        %parallel_loop3A_199 = arith.index_cast %parallel_loop3A_198 : i32 to index
        %parallel_loop3A_200 = tpu.vector_load %arg29[%parallel_loop3A_199] {strides = array<i32>} : memref<448xf32, #tpu.memory_space<vmem>>, vector<16xf32>,
        %parallel_loop3A_201 = arith.constant 16 : i32
        %parallel_loop3A_202 = arith.muli %parallel_loop3A_196, %parallel_loop3A_201 : i32
        %parallel_loop3A_203 = arith.index_cast %parallel_loop3A_202 : i32 to index
        %parallel_loop3A_204 = tpu.vector_load %arg30[%parallel_loop3A_203] {strides = array<i32>} : memref<448xf32, #tpu.memory_space<vmem>>, vector<16xf32>,
        %parallel_loop3A_205 = arith.fptosi %parallel_loop3A_200 : vector<16xf32> to vector<16xi32>
        %parallel_loop3A_206 = vector.broadcast %parallel_loop3A_117 : i32 to vector<16xi32>
        %parallel_loop3A_207 = arith.addi %parallel_loop3A_206, %parallel_loop3A_205 : vector<16xi32>
        %parallel_loop3A_208 = arith.fptosi %parallel_loop3A_204 : vector<16xf32> to vector<16xi32>
        %parallel_loop3A_209 = vector.broadcast %parallel_loop3A_121 : i32 to vector<16xi32>
        %parallel_loop3A_210 = arith.addi %parallel_loop3A_209, %parallel_loop3A_208 : vector<16xi32>
        %parallel_loop3A_211 = vector.broadcast %parallel_loop3A_192 : f32 to vector<16xf32>
        %parallel_loop3A_212 = arith.mulf %parallel_loop3A_211, %parallel_loop3A_200 : vector<16xf32>
        %parallel_loop3A_213 = vector.broadcast %parallel_loop3A_187 : f32 to vector<16xf32>
        %parallel_loop3A_214 = arith.addf %parallel_loop3A_212, %parallel_loop3A_213 : vector<16xf32>
        %parallel_loop3A_215 = arith.mulf %parallel_loop3A_200, %parallel_loop3A_214 : vector<16xf32>
        %parallel_loop3A_216 = vector.broadcast %parallel_loop3A_192 : f32 to vector<16xf32>
        %parallel_loop3A_217 = arith.mulf %parallel_loop3A_216, %parallel_loop3A_204 : vector<16xf32>
        %parallel_loop3A_218 = vector.broadcast %parallel_loop3A_190 : f32 to vector<16xf32>
        %parallel_loop3A_219 = arith.addf %parallel_loop3A_217, %parallel_loop3A_218 : vector<16xf32>
        %parallel_loop3A_220 = arith.mulf %parallel_loop3A_204, %parallel_loop3A_219 : vector<16xf32>
        %parallel_loop3A_221 = arith.addf %parallel_loop3A_215, %parallel_loop3A_220 : vector<16xf32>
        %parallel_loop3A_222 = math.exp %parallel_loop3A_221 : vector<16xf32>
        %parallel_loop3A_223 = arith.constant 0 : i32
        %parallel_loop3A_224 = vector.broadcast %parallel_loop3A_223 : i32 to vector<16xi32>
        %parallel_loop3A_225 = arith.cmpi sge, %parallel_loop3A_207, %parallel_loop3A_224 : vector<16xi32>
        %parallel_loop3A_226 = arith.constant 128 : i32
        %parallel_loop3A_227 = vector.broadcast %parallel_loop3A_226 : i32 to vector<16xi32>
        %parallel_loop3A_228 = arith.cmpi slt, %parallel_loop3A_207, %parallel_loop3A_227 : vector<16xi32>
        %parallel_loop3A_229 = arith.andi %parallel_loop3A_225, %parallel_loop3A_228 : vector<16xi1>
        %parallel_loop3A_230 = arith.constant 0 : i32
        %parallel_loop3A_231 = vector.broadcast %parallel_loop3A_230 : i32 to vector<16xi32>
        %parallel_loop3A_232 = arith.cmpi sge, %parallel_loop3A_210, %parallel_loop3A_231 : vector<16xi32>
        %parallel_loop3A_233 = arith.andi %parallel_loop3A_229, %parallel_loop3A_232 : vector<16xi1>
        %parallel_loop3A_234 = arith.constant 64 : i32
        %parallel_loop3A_235 = vector.broadcast %parallel_loop3A_234 : i32 to vector<16xi32>
        %parallel_loop3A_236 = arith.cmpi slt, %parallel_loop3A_210, %parallel_loop3A_235 : vector<16xi32>
        %parallel_loop3A_237 = arith.andi %parallel_loop3A_233, %parallel_loop3A_236 : vector<16xi1>
        %parallel_loop3A_238 = arith.constant 0.000000e+00 : f32
        %parallel_loop3A_239 = vector.broadcast %parallel_loop3A_238 : f32 to vector<16xf32>
        %parallel_loop3A_240 = arith.select %parallel_loop3A_237, %parallel_loop3A_222, %parallel_loop3A_239 : vector<16xi1>, vector<16xf32>
        %parallel_loop3A_241 = arith.constant 64 : i32
        %parallel_loop3A_242 = vector.broadcast %parallel_loop3A_241 : i32 to vector<16xi32>
        %parallel_loop3A_243 = arith.muli %parallel_loop3A_207, %parallel_loop3A_242 : vector<16xi32>
        %parallel_loop3A_244 = arith.addi %parallel_loop3A_243, %parallel_loop3A_210 : vector<16xi32>
        %parallel_loop3A_245 = arith.select %parallel_loop3A_237, %parallel_loop3A_244, %iota3A : vector<16xi1>, vector<16xi32>
        %parallel_loop3A_246 = vector.broadcast %parallel_loop3A_170 : f32 to vector<16xf32>
        %parallel_loop3A_247 = arith.mulf %parallel_loop3A_240, %parallel_loop3A_246 : vector<16xf32>
        %parallel_loop3A_248 = arith.constant 0 : i32
        %parallel_loop3A_249 = tpu.memref_slice %arg18[%parallel_loop3A_248] : memref<65536xf32, #tpu.memory_space<vmem>> -> memref<8192xf32, #tpu.memory_space<vmem>>
        tpu.vector_store_idx %parallel_loop3A_249[%parallel_loop3A_245], %parallel_loop3A_247 {add = true} : memref<8192xf32, #tpu.memory_space<vmem>>[vector<16xi32>], vector<16xf32>,
        %parallel_loop3A_250 = vector.broadcast %parallel_loop3A_172 : f32 to vector<16xf32>
        %parallel_loop3A_251 = arith.mulf %parallel_loop3A_240, %parallel_loop3A_250 : vector<16xf32>
        %parallel_loop3A_252 = arith.constant 8192 : i32
        %parallel_loop3A_253 = tpu.memref_slice %arg18[%parallel_loop3A_252] : memref<65536xf32, #tpu.memory_space<vmem>> -> memref<8192xf32, #tpu.memory_space<vmem>>
        tpu.vector_store_idx %parallel_loop3A_253[%parallel_loop3A_245], %parallel_loop3A_251 {add = true} : memref<8192xf32, #tpu.memory_space<vmem>>[vector<16xi32>], vector<16xf32>,
        %parallel_loop3A_254 = vector.broadcast %parallel_loop3A_174 : f32 to vector<16xf32>
        %parallel_loop3A_255 = arith.mulf %parallel_loop3A_240, %parallel_loop3A_254 : vector<16xf32>
        %parallel_loop3A_256 = arith.constant 16384 : i32
        %parallel_loop3A_257 = tpu.memref_slice %arg18[%parallel_loop3A_256] : memref<65536xf32, #tpu.memory_space<vmem>> -> memref<8192xf32, #tpu.memory_space<vmem>>
        tpu.vector_store_idx %parallel_loop3A_257[%parallel_loop3A_245], %parallel_loop3A_255 {add = true} : memref<8192xf32, #tpu.memory_space<vmem>>[vector<16xi32>], vector<16xf32>,
        %parallel_loop3A_258 = vector.broadcast %parallel_loop3A_176 : f32 to vector<16xf32>
        %parallel_loop3A_259 = arith.mulf %parallel_loop3A_240, %parallel_loop3A_258 : vector<16xf32>
        %parallel_loop3A_260 = arith.constant 24576 : i32
        %parallel_loop3A_261 = tpu.memref_slice %arg18[%parallel_loop3A_260] : memref<65536xf32, #tpu.memory_space<vmem>> -> memref<8192xf32, #tpu.memory_space<vmem>>
        tpu.vector_store_idx %parallel_loop3A_261[%parallel_loop3A_245], %parallel_loop3A_259 {add = true} : memref<8192xf32, #tpu.memory_space<vmem>>[vector<16xi32>], vector<16xf32>,
        %parallel_loop3A_262 = vector.broadcast %parallel_loop3A_178 : f32 to vector<16xf32>
        %parallel_loop3A_263 = arith.mulf %parallel_loop3A_240, %parallel_loop3A_262 : vector<16xf32>
        %parallel_loop3A_264 = arith.constant 32768 : i32
        %parallel_loop3A_265 = tpu.memref_slice %arg18[%parallel_loop3A_264] : memref<65536xf32, #tpu.memory_space<vmem>> -> memref<8192xf32, #tpu.memory_space<vmem>>
        tpu.vector_store_idx %parallel_loop3A_265[%parallel_loop3A_245], %parallel_loop3A_263 {add = true} : memref<8192xf32, #tpu.memory_space<vmem>>[vector<16xi32>], vector<16xf32>,
        %parallel_loop3A_266 = vector.broadcast %parallel_loop3A_180 : f32 to vector<16xf32>
        %parallel_loop3A_267 = arith.mulf %parallel_loop3A_240, %parallel_loop3A_266 : vector<16xf32>
        %parallel_loop3A_268 = arith.constant 40960 : i32
        %parallel_loop3A_269 = tpu.memref_slice %arg18[%parallel_loop3A_268] : memref<65536xf32, #tpu.memory_space<vmem>> -> memref<8192xf32, #tpu.memory_space<vmem>>
        tpu.vector_store_idx %parallel_loop3A_269[%parallel_loop3A_245], %parallel_loop3A_267 {add = true} : memref<8192xf32, #tpu.memory_space<vmem>>[vector<16xi32>], vector<16xf32>,
        %parallel_loop3A_270 = vector.broadcast %parallel_loop3A_182 : f32 to vector<16xf32>
        %parallel_loop3A_271 = arith.mulf %parallel_loop3A_240, %parallel_loop3A_270 : vector<16xf32>
        %parallel_loop3A_272 = arith.constant 49152 : i32
        %parallel_loop3A_273 = tpu.memref_slice %arg18[%parallel_loop3A_272] : memref<65536xf32, #tpu.memory_space<vmem>> -> memref<8192xf32, #tpu.memory_space<vmem>>
        tpu.vector_store_idx %parallel_loop3A_273[%parallel_loop3A_245], %parallel_loop3A_271 {add = true} : memref<8192xf32, #tpu.memory_space<vmem>>[vector<16xi32>], vector<16xf32>,
        %parallel_loop3A_274 = vector.broadcast %parallel_loop3A_184 : f32 to vector<16xf32>
        %parallel_loop3A_275 = arith.mulf %parallel_loop3A_240, %parallel_loop3A_274 : vector<16xf32>
        %parallel_loop3A_276 = arith.constant 57344 : i32
        %parallel_loop3A_277 = tpu.memref_slice %arg18[%parallel_loop3A_276] : memref<65536xf32, #tpu.memory_space<vmem>> -> memref<8192xf32, #tpu.memory_space<vmem>>
        tpu.vector_store_idx %parallel_loop3A_277[%parallel_loop3A_245], %parallel_loop3A_275 {add = true} : memref<8192xf32, #tpu.memory_space<vmem>>[vector<16xi32>], vector<16xf32>,
      } {sc.loop_unroll_factor = 4 : i64, sc.parallel_access}
    } {sc.loop_unroll_factor = 2 : i64, sc.parallel_access}
    %mul3A_48 = arith.constant 65536 : i32
    %mul3A_49 = arith.muli %add3A_7, %mul3A_48 : i32
    "tpu.region"() ({
      %run_scoped3A = tpu.sem_alloc : memref<!tpu.dma_semaphore, #tpu.memory_space<semaphore_mem>>
      %dma_start3A = tpu.memref_slice %arg17[%mul3A_49] : memref<4194304xf32, #tpu.memory_space<hbm>> -> memref<65536xf32, #tpu.memory_space<hbm>>
      %dma_start3A_105 = tpu.memref_slice %arg17[%mul3A_49] : memref<4194304xf32, #tpu.memory_space<hbm>> -> memref<65536xf32, #tpu.memory_space<hbm>>
      tpu.enqueue_dma source(%arg18 : memref<65536xf32, #tpu.memory_space<vmem>>) target(%dma_start3A_105 : memref<65536xf32, #tpu.memory_space<hbm>>) target_semaphore(%run_scoped3A : memref<!tpu.dma_semaphore, #tpu.memory_space<semaphore_mem>>)
      %dma_wait3A = tpu.memref_slice %arg17[%mul3A_49] : memref<4194304xf32, #tpu.memory_space<hbm>> -> memref<65536xf32, #tpu.memory_space<hbm>>
      %dma_wait3A_106 = tpu.memref_slice %arg17[%mul3A_49] : memref<4194304xf32, #tpu.memory_space<hbm>> -> memref<65536xf32, #tpu.memory_space<hbm>>
      tpu.wait_dma2 semaphore(%run_scoped3A : memref<!tpu.dma_semaphore, #tpu.memory_space<semaphore_mem>>) src(%arg18 : memref<65536xf32, #tpu.memory_space<vmem>>) dst(%dma_wait3A_106 : memref<65536xf32, #tpu.memory_space<hbm>>)
      tpu.yield
    }) : () -> ()
    %add3A_50 = arith.constant 32 : i32
    %add3A_51 = arith.addi %add3A, %add3A_50 : i32
    %jit3A_52 = arith.constant 16 : i32
    %div3A_53 = arith.divsi %add3A_51, %jit3A_52 : i32
    %sign3A_54 = arith.constant 0 : i32
    %sign3A_55 = arith.cmpi sgt, %add3A_51, %sign3A_54 : i32
    %sign3A_56 = arith.extui %sign3A_55 : i1 to i32
    %sign3A_57 = arith.constant 0 : i32
    %sign3A_58 = arith.cmpi slt, %add3A_51, %sign3A_57 : i32
    %sign3A_59 = arith.extui %sign3A_58 : i1 to i32
    %sign3A_60 = arith.subi %sign3A_56, %sign3A_59 : i32
    %sign3A_61 = arith.constant 0 : i32
    %sign3A_62 = arith.cmpi sgt, %jit3A_52, %sign3A_61 : i32
    %sign3A_63 = arith.extui %sign3A_62 : i1 to i32
    %sign3A_64 = arith.constant 0 : i32
    %sign3A_65 = arith.cmpi slt, %jit3A_52, %sign3A_64 : i32
    %sign3A_66 = arith.extui %sign3A_65 : i1 to i32
    %sign3A_67 = arith.subi %sign3A_63, %sign3A_66 : i32
    %ne3A_68 = arith.cmpi ne, %sign3A_60, %sign3A_67 : i32
    %rem3A_69 = arith.remsi %add3A_51, %jit3A_52 : i32
    %ne3A_70 = arith.constant 0 : i32
    %ne3A_71 = arith.cmpi ne, %rem3A_69, %ne3A_70 : i32
    %and3A_72 = arith.andi %ne3A_68, %ne3A_71 : i1
    %sub3A_73 = arith.constant 1 : i32
    %sub3A_74 = arith.subi %div3A_53, %sub3A_73 : i32
    %select_n3A_75 = arith.select %and3A_72, %sub3A_74, %div3A_53 : i32
    %jit3A_76 = arith.constant 16 : i32
    %eq3A_77 = arith.constant 0 : i32
    %eq3A_78 = arith.cmpi eq, %jit3A_76, %eq3A_77 : i32
    %jit3A_79 = arith.constant 1 : i32
    %select_n3A_80 = arith.select %eq3A_78, %jit3A_79, %jit3A_76 : i32
    %rem3A_81 = arith.remsi %add3A_51, %select_n3A_80 : i32
    %ne3A_82 = arith.constant 0 : i32
    %ne3A_83 = arith.cmpi ne, %rem3A_81, %ne3A_82 : i32
    %lt3A_84 = arith.constant 0 : i32
    %lt3A_85 = arith.cmpi slt, %rem3A_81, %lt3A_84 : i32
    %lt3A_86 = arith.constant 0 : i32
    %lt3A_87 = arith.cmpi slt, %select_n3A_80, %lt3A_86 : i32
    %ne3A_88 = arith.xori %lt3A_85, %lt3A_87 : i1
    %and3A_89 = arith.andi %ne3A_88, %ne3A_83 : i1
    %add3A_90 = arith.addi %rem3A_81, %select_n3A_80 : i32
    %select_n3A_91 = arith.select %and3A_89, %add3A_90, %rem3A_81 : i32
    %mul3A_92 = arith.constant 8 : i32
    %mul3A_93 = arith.muli %select_n3A_91, %mul3A_92 : i32
    "tpu.region"() ({
      %run_scoped3A = tpu.sem_alloc : memref<!tpu.dma_semaphore, #tpu.memory_space<semaphore_mem>>
      tpu.enqueue_dma source(%arg16 : memref<65536xf32, #tpu.memory_space<hbm>>) target(%arg18 : memref<65536xf32, #tpu.memory_space<vmem>>) target_semaphore(%run_scoped3A : memref<!tpu.dma_semaphore, #tpu.memory_space<semaphore_mem>>)
      tpu.wait_dma2 semaphore(%run_scoped3A : memref<!tpu.dma_semaphore, #tpu.memory_space<semaphore_mem>>) src(%arg16 : memref<65536xf32, #tpu.memory_space<hbm>>) dst(%arg18 : memref<65536xf32, #tpu.memory_space<vmem>>)
      tpu.yield
    }) : () -> ()
    %scan3A_94 = arith.constant 0 : i32
    %scan3A_95 = arith.constant 0 : i32
    %scan3A_96 = arith.constant 125 : i32
    %scan3A_97 = arith.addi %scan3A_95, %scan3A_96 : i32
    %scan3A_98 = arith.constant 1 : i32
    %scan3A_99 = scf.for %scan3A_105 = %scan3A_95 to %scan3A_97 step %scan3A_98 iter_args(%scan3A_106 = %scan3A_94) -> (i32)  : i32 {
      %mul3A_107 = arith.constant 16 : i32
      %mul3A_108 = arith.muli %scan3A_105, %mul3A_107 : i32
      %get3A_109 = arith.index_cast %mul3A_108 : i32 to index
      %get3A_110 = tpu.vector_load %arg23[%get3A_109] {strides = array<i32>} : memref<2016xi32, #tpu.memory_space<vmem>>, vector<16xi32>,
      %mul3A_111 = arith.constant 16 : i32
      %mul3A_112 = arith.muli %scan3A_105, %mul3A_111 : i32
      %get3A_113 = arith.index_cast %mul3A_112 : i32 to index
      %get3A_114 = tpu.vector_load %arg24[%get3A_113] {strides = array<i32>} : memref<2016xi32, #tpu.memory_space<vmem>>, vector<16xi32>,
      %eq3A_115 = vector.broadcast %select_n3A_75 : i32 to vector<16xi32>
      %eq3A_116 = arith.cmpi eq, %get3A_110, %eq3A_115 : vector<16xi32>
      %sub3A_117 = arith.constant 10 : i32
      %sub3A_118 = arith.subi %mul3A_93, %sub3A_117 : i32
      %ge3A = vector.broadcast %sub3A_118 : i32 to vector<16xi32>
      %ge3A_119 = arith.cmpi sge, %get3A_114, %ge3A : vector<16xi32>
      %and3A_120 = arith.andi %eq3A_116, %ge3A_119 : vector<16xi1>
      %add3A_121 = arith.constant 8 : i32
      %add3A_122 = arith.addi %mul3A_93, %add3A_121 : i32
      %sub3A_123 = arith.constant 1 : i32
      %sub3A_124 = arith.subi %add3A_122, %sub3A_123 : i32
      %add3A_125 = arith.constant 10 : i32
      %add3A_126 = arith.addi %sub3A_124, %add3A_125 : i32
      %le3A = vector.broadcast %add3A_126 : i32 to vector<16xi32>
      %le3A_127 = arith.cmpi sle, %get3A_114, %le3A : vector<16xi32>
      %and3A_128 = arith.andi %and3A_120, %le3A_127 : vector<16xi1>
      %mul3A_129 = arith.constant 16 : i32
      %mul3A_130 = arith.muli %scan3A_105, %mul3A_129 : i32
      %add3A_131 = vector.broadcast %mul3A_130 : i32 to vector<16xi32>
      %add3A_132 = arith.addi %add3A_131, %iota3A : vector<16xi32>
      %swap3A = arith.index_cast %scan3A_106 : i32 to index
      %swap3A_133 = tpu.vector_load %arg32[%swap3A] masked %and3A_128 {strides = array<i32>} : memref<2016xi32, #tpu.memory_space<vmem>>, vector<16xi32>, vector<16xi1>
      tpu.vector_store %arg32[%swap3A], %add3A_132 masked %and3A_128 {strides = array<i32>} : memref<2016xi32, #tpu.memory_space<vmem>>, vector<16xi32>, vector<16xi1>
      %all_reduce_population_count3A = tpu.all_reduce %and3A_128 {dim = 0 : i64, kind = #tpu.reduction_kind<sum>} : vector<16xi1> -> vector<16xi32>
      %slice3A_134 = vector.extract_strided_slice %all_reduce_population_count3A {offsets = [0], sizes = [1], strides = [1]} : vector<16xi32> to vector<1xi32>
      %squeeze3A_135 = vector.extract %slice3A_134[0] : i32 from vector<1xi32>
      %add3A_136 = arith.addi %scan3A_106, %squeeze3A_135 : i32
      scf.yield %add3A_136 : i32
    }
    %scan3A_100 = arith.constant 125 : i32
    %parallel_loop3A_101 = arith.constant 0 : i32
    %parallel_loop3A_102 = arith.constant 1 : i32
    scf.for %parallel_loop3A_105 = %parallel_loop3A_101 to %scan3A_99 step %parallel_loop3A_102  : i32 {
      %parallel_loop3A_106 = arith.index_cast %parallel_loop3A_105 : i32 to index
      %parallel_loop3A_107 = tpu.vector_load %arg32[%parallel_loop3A_106] {strides = array<i32>} : memref<2016xi32, #tpu.memory_space<vmem>>, vector<16xi32>,
      %parallel_loop3A_108 = vector.extract_strided_slice %parallel_loop3A_107 {offsets = [0], sizes = [1], strides = [1]} : vector<16xi32> to vector<1xi32>
      %parallel_loop3A_109 = vector.extract %parallel_loop3A_108[0] : i32 from vector<1xi32>
      %parallel_loop3A_110 = arith.index_cast %parallel_loop3A_109 : i32 to index
      %parallel_loop3A_111 = tpu.vector_load %arg24[%parallel_loop3A_110] {strides = array<i32>} : memref<2016xi32, #tpu.memory_space<vmem>>, vector<16xi32>,
      %parallel_loop3A_112 = vector.extract_strided_slice %parallel_loop3A_111 {offsets = [0], sizes = [1], strides = [1]} : vector<16xi32> to vector<1xi32>
      %parallel_loop3A_113 = vector.extract %parallel_loop3A_112[0] : i32 from vector<1xi32>
      %parallel_loop3A_114 = arith.index_cast %parallel_loop3A_109 : i32 to index
      %parallel_loop3A_115 = tpu.vector_load %arg25[%parallel_loop3A_114] {strides = array<i32>} : memref<2016xi32, #tpu.memory_space<vmem>>, vector<16xi32>,
      %parallel_loop3A_116 = vector.extract_strided_slice %parallel_loop3A_115 {offsets = [0], sizes = [1], strides = [1]} : vector<16xi32> to vector<1xi32>
      %parallel_loop3A_117 = vector.extract %parallel_loop3A_116[0] : i32 from vector<1xi32>
      %parallel_loop3A_118 = arith.index_cast %parallel_loop3A_109 : i32 to index
      %parallel_loop3A_119 = tpu.vector_load %arg26[%parallel_loop3A_118] {strides = array<i32>} : memref<2016xi32, #tpu.memory_space<vmem>>, vector<16xi32>,
      %parallel_loop3A_120 = vector.extract_strided_slice %parallel_loop3A_119 {offsets = [0], sizes = [1], strides = [1]} : vector<16xi32> to vector<1xi32>
      %parallel_loop3A_121 = vector.extract %parallel_loop3A_120[0] : i32 from vector<1xi32>
      %parallel_loop3A_122 = arith.index_cast %parallel_loop3A_109 : i32 to index
      %parallel_loop3A_123 = tpu.vector_load %arg21[%parallel_loop3A_122] {strides = array<i32>} : memref<2016xf32, #tpu.memory_space<vmem>>, vector<16xf32>,
      %parallel_loop3A_124 = vector.extract_strided_slice %parallel_loop3A_123 {offsets = [0], sizes = [1], strides = [1]} : vector<16xf32> to vector<1xf32>
      %parallel_loop3A_125 = vector.extract %parallel_loop3A_124[0] : f32 from vector<1xf32>
      %parallel_loop3A_126 = arith.index_cast %parallel_loop3A_109 : i32 to index
      %parallel_loop3A_127 = tpu.vector_load %arg20[%parallel_loop3A_126] {strides = array<i32>} : memref<2016xf32, #tpu.memory_space<vmem>>, vector<16xf32>,
      %parallel_loop3A_128 = vector.extract_strided_slice %parallel_loop3A_127 {offsets = [0], sizes = [1], strides = [1]} : vector<16xf32> to vector<1xf32>
      %parallel_loop3A_129 = vector.extract %parallel_loop3A_128[0] : f32 from vector<1xf32>
      %parallel_loop3A_130 = arith.index_cast %parallel_loop3A_109 : i32 to index
      %parallel_loop3A_131 = tpu.vector_load %arg19[%parallel_loop3A_130] {strides = array<i32>} : memref<2016xf32, #tpu.memory_space<vmem>>, vector<16xf32>,
      %parallel_loop3A_132 = vector.extract_strided_slice %parallel_loop3A_131 {offsets = [0], sizes = [1], strides = [1]} : vector<16xf32> to vector<1xf32>
      %parallel_loop3A_133 = vector.extract %parallel_loop3A_132[0] : f32 from vector<1xf32>
      %parallel_loop3A_134 = arith.index_cast %parallel_loop3A_109 : i32 to index
      %parallel_loop3A_135 = tpu.vector_load %arg22[%parallel_loop3A_134] {strides = array<i32>} : memref<2016xf32, #tpu.memory_space<vmem>>, vector<16xf32>,
      %parallel_loop3A_136 = vector.extract_strided_slice %parallel_loop3A_135 {offsets = [0], sizes = [1], strides = [1]} : vector<16xf32> to vector<1xf32>
      %parallel_loop3A_137 = vector.extract %parallel_loop3A_136[0] : f32 from vector<1xf32>
      %parallel_loop3A_138 = arith.constant 0.000000e+00 : f32
      %parallel_loop3A_139 = arith.maximumf %parallel_loop3A_137, %parallel_loop3A_138 : f32
      %parallel_loop3A_140 = arith.constant 1.000000e+04 : f32
      %parallel_loop3A_141 = arith.mulf %parallel_loop3A_140, %parallel_loop3A_139 : f32
      %parallel_loop3A_142 = arith.subi %mul3A_93, %parallel_loop3A_113 : i32
      %parallel_loop3A_143 = vector.broadcast %parallel_loop3A_142 : i32 to vector<16xi32>
      %parallel_loop3A_144 = arith.addi %parallel_loop3A_143, %iota3A : vector<16xi32>
      %parallel_loop3A_145 = arith.sitofp %parallel_loop3A_144 : vector<16xi32> to vector<16xf32>
      %parallel_loop3A_146 = vector.broadcast %parallel_loop3A_125 : f32 to vector<16xf32>
      %parallel_loop3A_147 = arith.subf %parallel_loop3A_145, %parallel_loop3A_146 : vector<16xf32>
      %parallel_loop3A_148 = arith.mulf %parallel_loop3A_147, %parallel_loop3A_147 : vector<16xf32>
      %parallel_loop3A_149 = arith.mulf %parallel_loop3A_125, %parallel_loop3A_125 : f32
      %parallel_loop3A_150 = vector.broadcast %parallel_loop3A_149 : f32 to vector<16xf32>
      %parallel_loop3A_151 = arith.subf %parallel_loop3A_148, %parallel_loop3A_150 : vector<16xf32>
      %parallel_loop3A_152 = arith.constant 0.000000e+00 : f32
      %parallel_loop3A_153 = vector.broadcast %parallel_loop3A_152 : f32 to vector<16xf32>
      %parallel_loop3A_154 = arith.subf %parallel_loop3A_153, %parallel_loop3A_151 : vector<16xf32>
      %parallel_loop3A_155 = arith.mulf %parallel_loop3A_154, %div3A_4 : vector<16xf32>
      %parallel_loop3A_156 = math.exp %parallel_loop3A_155 : vector<16xf32>
      %parallel_loop3A_157 = vector.broadcast %parallel_loop3A_141 : f32 to vector<16xf32>
      %parallel_loop3A_158 = arith.mulf %parallel_loop3A_156, %parallel_loop3A_157 : vector<16xf32>
      %parallel_loop3A_159 = arith.constant -10 : i32
      %parallel_loop3A_160 = vector.broadcast %parallel_loop3A_159 : i32 to vector<16xi32>
      %parallel_loop3A_161 = arith.cmpi sge, %parallel_loop3A_144, %parallel_loop3A_160 : vector<16xi32>
      %parallel_loop3A_162 = arith.constant 10 : i32
      %parallel_loop3A_163 = vector.broadcast %parallel_loop3A_162 : i32 to vector<16xi32>
      %parallel_loop3A_164 = arith.cmpi sle, %parallel_loop3A_144, %parallel_loop3A_163 : vector<16xi32>
      %parallel_loop3A_165 = arith.andi %parallel_loop3A_161, %parallel_loop3A_164 : vector<16xi1>
      %parallel_loop3A_166 = arith.constant 0.000000e+00 : f32
      %parallel_loop3A_167 = vector.broadcast %parallel_loop3A_166 : f32 to vector<16xf32>
      %parallel_loop3A_168 = arith.select %parallel_loop3A_165, %parallel_loop3A_158, %parallel_loop3A_167 : vector<16xi1>, vector<16xf32>
      %parallel_loop3A_169 = vector.extract_strided_slice %parallel_loop3A_168 {offsets = [0], sizes = [1], strides = [1]} : vector<16xf32> to vector<1xf32>
      %parallel_loop3A_170 = vector.extract %parallel_loop3A_169[0] : f32 from vector<1xf32>
      %parallel_loop3A_171 = vector.extract_strided_slice %parallel_loop3A_168 {offsets = [1], sizes = [1], strides = [1]} : vector<16xf32> to vector<1xf32>
      %parallel_loop3A_172 = vector.extract %parallel_loop3A_171[0] : f32 from vector<1xf32>
      %parallel_loop3A_173 = vector.extract_strided_slice %parallel_loop3A_168 {offsets = [2], sizes = [1], strides = [1]} : vector<16xf32> to vector<1xf32>
      %parallel_loop3A_174 = vector.extract %parallel_loop3A_173[0] : f32 from vector<1xf32>
      %parallel_loop3A_175 = vector.extract_strided_slice %parallel_loop3A_168 {offsets = [3], sizes = [1], strides = [1]} : vector<16xf32> to vector<1xf32>
      %parallel_loop3A_176 = vector.extract %parallel_loop3A_175[0] : f32 from vector<1xf32>
      %parallel_loop3A_177 = vector.extract_strided_slice %parallel_loop3A_168 {offsets = [4], sizes = [1], strides = [1]} : vector<16xf32> to vector<1xf32>
      %parallel_loop3A_178 = vector.extract %parallel_loop3A_177[0] : f32 from vector<1xf32>
      %parallel_loop3A_179 = vector.extract_strided_slice %parallel_loop3A_168 {offsets = [5], sizes = [1], strides = [1]} : vector<16xf32> to vector<1xf32>
      %parallel_loop3A_180 = vector.extract %parallel_loop3A_179[0] : f32 from vector<1xf32>
      %parallel_loop3A_181 = vector.extract_strided_slice %parallel_loop3A_168 {offsets = [6], sizes = [1], strides = [1]} : vector<16xf32> to vector<1xf32>
      %parallel_loop3A_182 = vector.extract %parallel_loop3A_181[0] : f32 from vector<1xf32>
      %parallel_loop3A_183 = vector.extract_strided_slice %parallel_loop3A_168 {offsets = [7], sizes = [1], strides = [1]} : vector<16xf32> to vector<1xf32>
      %parallel_loop3A_184 = vector.extract %parallel_loop3A_183[0] : f32 from vector<1xf32>
      %parallel_loop3A_185 = arith.constant 2.000000e+00 : f32
      %parallel_loop3A_186 = arith.mulf %parallel_loop3A_185, %parallel_loop3A_129 : f32
      %parallel_loop3A_187 = arith.mulf %parallel_loop3A_186, %squeeze3A : f32
      %parallel_loop3A_188 = arith.constant 2.000000e+00 : f32
      %parallel_loop3A_189 = arith.mulf %parallel_loop3A_188, %parallel_loop3A_133 : f32
      %parallel_loop3A_190 = arith.mulf %parallel_loop3A_189, %squeeze3A : f32
      %parallel_loop3A_191 = arith.constant 0.000000e+00 : f32
      %parallel_loop3A_192 = arith.subf %parallel_loop3A_191, %squeeze3A : f32
      %parallel_loop3A_193 = arith.constant 0 : i32
      %parallel_loop3A_194 = arith.constant 28 : i32
      %parallel_loop3A_195 = arith.constant 1 : i32
      scf.for %parallel_loop3A_196 = %parallel_loop3A_193 to %parallel_loop3A_194 step %parallel_loop3A_195  : i32 {
        %parallel_loop3A_197 = arith.constant 16 : i32
        %parallel_loop3A_198 = arith.muli %parallel_loop3A_196, %parallel_loop3A_197 : i32
        %parallel_loop3A_199 = arith.index_cast %parallel_loop3A_198 : i32 to index
        %parallel_loop3A_200 = tpu.vector_load %arg29[%parallel_loop3A_199] {strides = array<i32>} : memref<448xf32, #tpu.memory_space<vmem>>, vector<16xf32>,
        %parallel_loop3A_201 = arith.constant 16 : i32
        %parallel_loop3A_202 = arith.muli %parallel_loop3A_196, %parallel_loop3A_201 : i32
        %parallel_loop3A_203 = arith.index_cast %parallel_loop3A_202 : i32 to index
        %parallel_loop3A_204 = tpu.vector_load %arg30[%parallel_loop3A_203] {strides = array<i32>} : memref<448xf32, #tpu.memory_space<vmem>>, vector<16xf32>,
        %parallel_loop3A_205 = arith.fptosi %parallel_loop3A_200 : vector<16xf32> to vector<16xi32>
        %parallel_loop3A_206 = vector.broadcast %parallel_loop3A_117 : i32 to vector<16xi32>
        %parallel_loop3A_207 = arith.addi %parallel_loop3A_206, %parallel_loop3A_205 : vector<16xi32>
        %parallel_loop3A_208 = arith.fptosi %parallel_loop3A_204 : vector<16xf32> to vector<16xi32>
        %parallel_loop3A_209 = vector.broadcast %parallel_loop3A_121 : i32 to vector<16xi32>
        %parallel_loop3A_210 = arith.addi %parallel_loop3A_209, %parallel_loop3A_208 : vector<16xi32>
        %parallel_loop3A_211 = vector.broadcast %parallel_loop3A_192 : f32 to vector<16xf32>
        %parallel_loop3A_212 = arith.mulf %parallel_loop3A_211, %parallel_loop3A_200 : vector<16xf32>
        %parallel_loop3A_213 = vector.broadcast %parallel_loop3A_187 : f32 to vector<16xf32>
        %parallel_loop3A_214 = arith.addf %parallel_loop3A_212, %parallel_loop3A_213 : vector<16xf32>
        %parallel_loop3A_215 = arith.mulf %parallel_loop3A_200, %parallel_loop3A_214 : vector<16xf32>
        %parallel_loop3A_216 = vector.broadcast %parallel_loop3A_192 : f32 to vector<16xf32>
        %parallel_loop3A_217 = arith.mulf %parallel_loop3A_216, %parallel_loop3A_204 : vector<16xf32>
        %parallel_loop3A_218 = vector.broadcast %parallel_loop3A_190 : f32 to vector<16xf32>
        %parallel_loop3A_219 = arith.addf %parallel_loop3A_217, %parallel_loop3A_218 : vector<16xf32>
        %parallel_loop3A_220 = arith.mulf %parallel_loop3A_204, %parallel_loop3A_219 : vector<16xf32>
        %parallel_loop3A_221 = arith.addf %parallel_loop3A_215, %parallel_loop3A_220 : vector<16xf32>
        %parallel_loop3A_222 = math.exp %parallel_loop3A_221 : vector<16xf32>
        %parallel_loop3A_223 = arith.constant 0 : i32
        %parallel_loop3A_224 = vector.broadcast %parallel_loop3A_223 : i32 to vector<16xi32>
        %parallel_loop3A_225 = arith.cmpi sge, %parallel_loop3A_207, %parallel_loop3A_224 : vector<16xi32>
        %parallel_loop3A_226 = arith.constant 128 : i32
        %parallel_loop3A_227 = vector.broadcast %parallel_loop3A_226 : i32 to vector<16xi32>
        %parallel_loop3A_228 = arith.cmpi slt, %parallel_loop3A_207, %parallel_loop3A_227 : vector<16xi32>
        %parallel_loop3A_229 = arith.andi %parallel_loop3A_225, %parallel_loop3A_228 : vector<16xi1>
        %parallel_loop3A_230 = arith.constant 0 : i32
        %parallel_loop3A_231 = vector.broadcast %parallel_loop3A_230 : i32 to vector<16xi32>
        %parallel_loop3A_232 = arith.cmpi sge, %parallel_loop3A_210, %parallel_loop3A_231 : vector<16xi32>
        %parallel_loop3A_233 = arith.andi %parallel_loop3A_229, %parallel_loop3A_232 : vector<16xi1>
        %parallel_loop3A_234 = arith.constant 64 : i32
        %parallel_loop3A_235 = vector.broadcast %parallel_loop3A_234 : i32 to vector<16xi32>
        %parallel_loop3A_236 = arith.cmpi slt, %parallel_loop3A_210, %parallel_loop3A_235 : vector<16xi32>
        %parallel_loop3A_237 = arith.andi %parallel_loop3A_233, %parallel_loop3A_236 : vector<16xi1>
        %parallel_loop3A_238 = arith.constant 0.000000e+00 : f32
        %parallel_loop3A_239 = vector.broadcast %parallel_loop3A_238 : f32 to vector<16xf32>
        %parallel_loop3A_240 = arith.select %parallel_loop3A_237, %parallel_loop3A_222, %parallel_loop3A_239 : vector<16xi1>, vector<16xf32>
        %parallel_loop3A_241 = arith.constant 64 : i32
        %parallel_loop3A_242 = vector.broadcast %parallel_loop3A_241 : i32 to vector<16xi32>
        %parallel_loop3A_243 = arith.muli %parallel_loop3A_207, %parallel_loop3A_242 : vector<16xi32>
        %parallel_loop3A_244 = arith.addi %parallel_loop3A_243, %parallel_loop3A_210 : vector<16xi32>
        %parallel_loop3A_245 = arith.select %parallel_loop3A_237, %parallel_loop3A_244, %iota3A : vector<16xi1>, vector<16xi32>
        %parallel_loop3A_246 = vector.broadcast %parallel_loop3A_170 : f32 to vector<16xf32>
        %parallel_loop3A_247 = arith.mulf %parallel_loop3A_240, %parallel_loop3A_246 : vector<16xf32>
        %parallel_loop3A_248 = arith.constant 0 : i32
        %parallel_loop3A_249 = tpu.memref_slice %arg18[%parallel_loop3A_248] : memref<65536xf32, #tpu.memory_space<vmem>> -> memref<8192xf32, #tpu.memory_space<vmem>>
        tpu.vector_store_idx %parallel_loop3A_249[%parallel_loop3A_245], %parallel_loop3A_247 {add = true} : memref<8192xf32, #tpu.memory_space<vmem>>[vector<16xi32>], vector<16xf32>,
        %parallel_loop3A_250 = vector.broadcast %parallel_loop3A_172 : f32 to vector<16xf32>
        %parallel_loop3A_251 = arith.mulf %parallel_loop3A_240, %parallel_loop3A_250 : vector<16xf32>
        %parallel_loop3A_252 = arith.constant 8192 : i32
        %parallel_loop3A_253 = tpu.memref_slice %arg18[%parallel_loop3A_252] : memref<65536xf32, #tpu.memory_space<vmem>> -> memref<8192xf32, #tpu.memory_space<vmem>>
        tpu.vector_store_idx %parallel_loop3A_253[%parallel_loop3A_245], %parallel_loop3A_251 {add = true} : memref<8192xf32, #tpu.memory_space<vmem>>[vector<16xi32>], vector<16xf32>,
        %parallel_loop3A_254 = vector.broadcast %parallel_loop3A_174 : f32 to vector<16xf32>
        %parallel_loop3A_255 = arith.mulf %parallel_loop3A_240, %parallel_loop3A_254 : vector<16xf32>
        %parallel_loop3A_256 = arith.constant 16384 : i32
        %parallel_loop3A_257 = tpu.memref_slice %arg18[%parallel_loop3A_256] : memref<65536xf32, #tpu.memory_space<vmem>> -> memref<8192xf32, #tpu.memory_space<vmem>>
        tpu.vector_store_idx %parallel_loop3A_257[%parallel_loop3A_245], %parallel_loop3A_255 {add = true} : memref<8192xf32, #tpu.memory_space<vmem>>[vector<16xi32>], vector<16xf32>,
        %parallel_loop3A_258 = vector.broadcast %parallel_loop3A_176 : f32 to vector<16xf32>
        %parallel_loop3A_259 = arith.mulf %parallel_loop3A_240, %parallel_loop3A_258 : vector<16xf32>
        %parallel_loop3A_260 = arith.constant 24576 : i32
        %parallel_loop3A_261 = tpu.memref_slice %arg18[%parallel_loop3A_260] : memref<65536xf32, #tpu.memory_space<vmem>> -> memref<8192xf32, #tpu.memory_space<vmem>>
        tpu.vector_store_idx %parallel_loop3A_261[%parallel_loop3A_245], %parallel_loop3A_259 {add = true} : memref<8192xf32, #tpu.memory_space<vmem>>[vector<16xi32>], vector<16xf32>,
        %parallel_loop3A_262 = vector.broadcast %parallel_loop3A_178 : f32 to vector<16xf32>
        %parallel_loop3A_263 = arith.mulf %parallel_loop3A_240, %parallel_loop3A_262 : vector<16xf32>
        %parallel_loop3A_264 = arith.constant 32768 : i32
        %parallel_loop3A_265 = tpu.memref_slice %arg18[%parallel_loop3A_264] : memref<65536xf32, #tpu.memory_space<vmem>> -> memref<8192xf32, #tpu.memory_space<vmem>>
        tpu.vector_store_idx %parallel_loop3A_265[%parallel_loop3A_245], %parallel_loop3A_263 {add = true} : memref<8192xf32, #tpu.memory_space<vmem>>[vector<16xi32>], vector<16xf32>,
        %parallel_loop3A_266 = vector.broadcast %parallel_loop3A_180 : f32 to vector<16xf32>
        %parallel_loop3A_267 = arith.mulf %parallel_loop3A_240, %parallel_loop3A_266 : vector<16xf32>
        %parallel_loop3A_268 = arith.constant 40960 : i32
        %parallel_loop3A_269 = tpu.memref_slice %arg18[%parallel_loop3A_268] : memref<65536xf32, #tpu.memory_space<vmem>> -> memref<8192xf32, #tpu.memory_space<vmem>>
        tpu.vector_store_idx %parallel_loop3A_269[%parallel_loop3A_245], %parallel_loop3A_267 {add = true} : memref<8192xf32, #tpu.memory_space<vmem>>[vector<16xi32>], vector<16xf32>,
        %parallel_loop3A_270 = vector.broadcast %parallel_loop3A_182 : f32 to vector<16xf32>
        %parallel_loop3A_271 = arith.mulf %parallel_loop3A_240, %parallel_loop3A_270 : vector<16xf32>
        %parallel_loop3A_272 = arith.constant 49152 : i32
        %parallel_loop3A_273 = tpu.memref_slice %arg18[%parallel_loop3A_272] : memref<65536xf32, #tpu.memory_space<vmem>> -> memref<8192xf32, #tpu.memory_space<vmem>>
        tpu.vector_store_idx %parallel_loop3A_273[%parallel_loop3A_245], %parallel_loop3A_271 {add = true} : memref<8192xf32, #tpu.memory_space<vmem>>[vector<16xi32>], vector<16xf32>,
        %parallel_loop3A_274 = vector.broadcast %parallel_loop3A_184 : f32 to vector<16xf32>
        %parallel_loop3A_275 = arith.mulf %parallel_loop3A_240, %parallel_loop3A_274 : vector<16xf32>
        %parallel_loop3A_276 = arith.constant 57344 : i32
        %parallel_loop3A_277 = tpu.memref_slice %arg18[%parallel_loop3A_276] : memref<65536xf32, #tpu.memory_space<vmem>> -> memref<8192xf32, #tpu.memory_space<vmem>>
        tpu.vector_store_idx %parallel_loop3A_277[%parallel_loop3A_245], %parallel_loop3A_275 {add = true} : memref<8192xf32, #tpu.memory_space<vmem>>[vector<16xi32>], vector<16xf32>,
      } {sc.loop_unroll_factor = 4 : i64, sc.parallel_access}
    } {sc.loop_unroll_factor = 2 : i64, sc.parallel_access}
    %mul3A_103 = arith.constant 65536 : i32
    %mul3A_104 = arith.muli %add3A_51, %mul3A_103 : i32
    "tpu.region"() ({
      %run_scoped3A = tpu.sem_alloc : memref<!tpu.dma_semaphore, #tpu.memory_space<semaphore_mem>>
      %dma_start3A = tpu.memref_slice %arg17[%mul3A_104] : memref<4194304xf32, #tpu.memory_space<hbm>> -> memref<65536xf32, #tpu.memory_space<hbm>>
      %dma_start3A_105 = tpu.memref_slice %arg17[%mul3A_104] : memref<4194304xf32, #tpu.memory_space<hbm>> -> memref<65536xf32, #tpu.memory_space<hbm>>
      tpu.enqueue_dma source(%arg18 : memref<65536xf32, #tpu.memory_space<vmem>>) target(%dma_start3A_105 : memref<65536xf32, #tpu.memory_space<hbm>>) target_semaphore(%run_scoped3A : memref<!tpu.dma_semaphore, #tpu.memory_space<semaphore_mem>>)
      %dma_wait3A = tpu.memref_slice %arg17[%mul3A_104] : memref<4194304xf32, #tpu.memory_space<hbm>> -> memref<65536xf32, #tpu.memory_space<hbm>>
      %dma_wait3A_106 = tpu.memref_slice %arg17[%mul3A_104] : memref<4194304xf32, #tpu.memory_space<hbm>> -> memref<65536xf32, #tpu.memory_space<hbm>>
      tpu.wait_dma2 semaphore(%run_scoped3A : memref<!tpu.dma_semaphore, #tpu.memory_space<semaphore_mem>>) src(%arg18 : memref<65536xf32, #tpu.memory_space<vmem>>) dst(%dma_wait3A_106 : memref<65536xf32, #tpu.memory_space<hbm>>)
      tpu.yield
    }) : () -> ()
    return
  }
}

</mosaic_0001>

<sc_bundles>
// kernel: kernel.3.cloned.1.call-start
scs
__scs_entry_jumppad:
0x0: {  	(pc) =	sbr.rel $0x88, $3  }
0x1: {  	(tag) =	ssettag $0x0;
	lr =	simm.s32 $0x1  }
0x2: {  	[smem:$0x3F98] =	sst lr;
	_ =	strace $0xD0000000  }
0x3: {  	_ = 	snop  }
0x4: {  	_ = 	snop  }
0x5: {  	_ = 	snop  }
0x6: {  	_ = 	snop  }
0x7: {  	_ = 	snop  }
__scs_overlays_trampoline_lowered:
0x8: {  	[smem:$0x3FA7] =	sst s0  }
0x9: {  	[smem:$0x3FA8] =	sst s1  }
0xa: {  	[smem:$0x3FA9] =	sst s2  }
0xb: {  	[smem:$0x3FAA] =	sst s3  }
0xc: {  	[smem:$0x3FAB] =	sst s4  }
0xd: {  	[smem:$0x3FAC] =	sst s5  }
0xe: {  	[smem:$0x3FAD] =	sst s6  }
0xf: {  	[smem:$0x3FAE] =	sst s7  }
0x10: {  	[smem:$0x3FAF] =	sst s8  }
0x11: {  	[smem:$0x3FB0] =	sst s9;
	s0 =	simm.s32 @!p0 $0x0  }
0x12: {  	s1 =	sld [smem:$0x3F96];
	s0 =	simm.s32 @p0 $0x1  }
0x13: {  	[smem:$0x3FB1] =	sst s0;
	s0 =	simm.s32 @!p1 $0x0  }
0x14: {  	s2 =	sld [smem:$0x3F95];
	s0 =	simm.s32 @p1 $0x1  }
0x15: {  	[smem:$0x3FB2] =	sst s0;
	s0 =	simm.s32 @!p2 $0x0  }
0x16: {  	s3 =	sld [smem:$0x3FDB];
	s0 =	simm.s32 @p2 $0x1  }
0x17: {  	s4 =	simm.s32 $0x1BF5;
	[smem:$0x3FB4] =	sst s0  }
0x18: {  	s0 =	sld [smem:$0x3F97];
	_ =	swait.ge [sflag:s4], $0x0  }
0x19: {  	s7 =	sld [smem:$0x3F98]  }
0x1a: {  	s8 =	sadd.s32 $0xFFFFE003, lr  }
0x1b: {  	s9 =	sadd.s32 $0xFFFFFEF7, lr;
	s5 =	simm.s32 $0xFFFFFFFF;
	p2 =	slt.u32 s8, $0xFFFFF086  }
0x1c: {  	p1 =	slt.u32 s9, $0xF7A;
	s5 =	simm.s32 @!p2 $0x0  }
0x1d: {  	s5 =	simm.s32 @p1 $0x1;
	p0 =	seq.s32 s7, s2  }
0x1e: {  	s7 =	smul.u32 @!p0 $0xF7A, s2;
	p2 =	seq.s32 @!p0 s5, $0x0  }
0x1f: {  	s9 =	smul.u32 $0xF7A, s1;
	s8 =	simm.s32 @!p0 $0x1BF5;
	p2 =	por !p2, p0  }
0x20: {  	[sflag:s8] =	ssyncset.s32 @!p0 $0xFFFFF086;
	s6 =	sadd.s32 @!p0 s3, s7;
	s7 =	simm.s32 @!p0 $0x108  }
0x21: {  	s3 =	sadd.s32 s3, s9;
	s6 =	sadd.s32 @!p0 $0x88, s6;
	s7 =	simm.s32 @p2 $0x1082  }
0x22: {  	[simem:s7], [sflag:s8] =	dma.local @!p0 [hbm:s6], $0xF7A  }
0x23: {  	s9 =	sor.u32 $0xD0000000, s2;
	s6 =	simm.s32 $0x108;
	_ =	swait.ge @!p0 [sflag:s8], $0x0  }
0x24: {  	s3 =	sadd.s32 $0x88, s3;
	s6 =	simm.s32 @!p1 $0x1082;
	[sflag:s4] =	ssyncset.s32 $0xFFFFF086  }
0x25: {  	[simem:s6], [sflag:s4] =	dma.local [hbm:s3], $0xF7A  }
0x26: {  	[smem:$0x3F98] =	sst s1;
	(tag) =	ssettag s2;
	_ =	strace s9  }
0x27: {  	s1 =	sld [smem:$0x3FA8]  }
0x28: {  	s2 =	sld [smem:$0x3FA9]  }
0x29: {  	s4 =	sld [smem:$0x3FAB]  }
0x2a: {  	p0 =	seq.s32 s5, $0x0;
	s5 =	sld [smem:$0x3FAC]  }
0x2b: {  	s6 =	sld [smem:$0x3FAD]  }
0x2c: {  	s7 =	sld [smem:$0x3FAE]  }
0x2d: {  	s3 =	simm.s32 $0x108;
	s8 =	sld [smem:$0x3FAF]  }
0x2e: {  	s3 =	simm.s32 @!p0 $0x1082;
	s9 =	sld [smem:$0x3FB0]  }
0x2f: {  	lr =	sadd.s32 s0, s3;
	s0 =	sld [smem:$0x3FA7]  }
0x30: {  	s3 =	sld [smem:$0x3FAA]  }
0x31: {  	[smem:$0x3FB3] =	sst s10  }
0x32: {  	s10 =	sld [smem:$0x3FB1];
	_ =	sdelay $0x3  }
0x33: {  	p0 =	seq.s32 s10, $0x1;
	s10 =	sld [smem:$0x3FB3];
	_ =	sdelay $0x3  }
0x34: {  	[smem:$0x3FB3] =	sst s10  }
0x35: {  	s10 =	sld [smem:$0x3FB2];
	_ =	sdelay $0x3  }
0x36: {  	p1 =	seq.s32 s10, $0x1;
	s10 =	sld [smem:$0x3FB3];
	_ =	sdelay $0x3  }
0x37: {  	[smem:$0x3FB3] =	sst s10  }
0x38: {  	s10 =	sld [smem:$0x3FB4]  }
0x39: {  	_ = 	snop;
	(pc) =	sbr.ind lr, $3  }
0x3a: {  	_ = 	snop  }
0x3b: {  	_ = 	snop  }
0x3c: {  	p2 =	seq.s32 s10, $0x1;
	s10 =	sld [smem:$0x3FB3]  }
0x3d: {  	_ =	shalt  }
0x3e: {  	_ =	shalt  }
0x3f: {  	_ =	shalt  }
0x40: {  	_ =	shalt  }
0x41: {  	_ =	shalt  }
0x42: {  	_ =	shalt  }
0x43: {  	_ =	shalt  }
0x44: {  	_ =	shalt  }
0x45: {  	_ =	shalt  }
0x46: {  	_ =	shalt  }
0x47: {  	_ =	shalt  }
0x48: {  	_ =	shalt  }
0x49: {  	_ =	shalt  }
0x4a: {  	_ =	shalt  }
0x4b: {  	_ =	shalt  }
0x4c: {  	_ =	shalt  }
0x4d: {  	_ =	shalt  }
0x4e: {  	_ =	shalt  }
0x4f: {  	_ =	shalt  }
0x50: {  	_ =	shalt  }
0x51: {  	_ =	shalt  }
0x52: {  	_ =	shalt  }
0x53: {  	_ =	shalt  }
0x54: {  	_ =	shalt  }
0x55: {  	_ =	shalt  }
0x56: {  	_ =	shalt  }
0x57: {  	_ =	shalt  }
0x58: {  	_ =	shalt  }
0x59: {  	_ =	shalt  }
0x5a: {  	_ =	shalt  }
0x5b: {  	_ =	shalt  }
0x5c: {  	_ =	shalt  }
0x5d: {  	_ =	shalt  }
0x5e: {  	_ =	shalt  }
0x5f: {  	_ =	shalt  }
0x60: {  	_ =	shalt  }
0x61: {  	_ =	shalt  }
0x62: {  	_ =	shalt  }
0x63: {  	_ =	shalt  }
0x64: {  	_ =	shalt  }
0x65: {  	_ =	shalt  }
0x66: {  	_ =	shalt  }
0x67: {  	_ =	shalt  }
0x68: {  	_ =	shalt  }
0x69: {  	_ =	shalt  }
0x6a: {  	_ =	shalt  }
0x6b: {  	_ =	shalt  }
0x6c: {  	_ =	shalt  }
0x6d: {  	_ =	shalt  }
0x6e: {  	_ =	shalt  }
0x6f: {  	_ =	shalt  }
0x70: {  	_ =	shalt  }
0x71: {  	_ =	shalt  }
0x72: {  	_ =	shalt  }
0x73: {  	_ =	shalt  }
0x74: {  	_ =	shalt  }
0x75: {  	_ =	shalt  }
0x76: {  	_ =	shalt  }
0x77: {  	_ =	shalt  }
0x78: {  	_ =	shalt  }
0x79: {  	_ =	shalt  }
0x7a: {  	_ =	shalt  }
0x7b: {  	_ =	shalt  }
0x7c: {  	_ =	shalt  }
0x7d: {  	_ =	shalt  }
0x7e: {  	_ =	shalt  }
0x7f: {  	_ =	shalt  }
0x80: {  	_ =	shalt  }
0x81: {  	_ =	shalt  }
0x82: {  	_ =	shalt  }
0x83: {  	_ =	shalt  }
0x84: {  	_ =	shalt  }
0x85: {  	_ =	shalt  }
0x86: {  	_ =	shalt  }
0x87: {  	_ =	shalt  }
.Lfunc_end0:
.L_simem_size_0:
called_computation_lowered:
.L_overlay_start_0:
0x88: {  	s2 =	sld [smem:$0x3FD9]  }
0x89: {  	s3 =	sld [smem:$0x3FFE];
	_ =	sdelay $0x1  }
0x8a: {  	s1 =	srdreg.scid  }
0x8b: {  	s0 =	sand.u32 $0x1, s1  }
0x8c: {  	s17 =	sshll.u32 s0, $0xA;
	s2 =	sadd.s32 s3, s2  }
0x8d: {  	s2 =	sadd.s32 s2, s17  }
0x8e: {  	[smem:$0x3FBF] =	sst s2  }
0x8f: {  	_ = 	snop  }
0x90: {  	s2 =	sld [smem:$0x3FC9]  }
0x91: {  	s18 =	sld [smem:$0x3FC8]  }
0x92: {  	s4 =	sld [smem:$0x3FC7]  }
0x93: {  	s5 =	sld [smem:$0x3FC6]  }
0x94: {  	s6 =	sld [smem:$0x3FC4]  }
0x95: {  	s7 =	sld [smem:$0x3FC3]  }
0x96: {  	s8 =	sld [smem:$0x3FC2]  }
0x97: {  	s9 =	sld [smem:$0x3FC1]  }
0x98: {  	s10 =	sld [smem:$0x3FD0];
	(tm) =	ssettm $0x1  }
0x99: {  	s11 =	sld [smem:$0x3FFB];
	_ =	sdelay $0x3  }
0x9a: {  	_ =	strace s11  }
0x9b: {  	s11 =	sld [smem:$0x3FFC];
	_ =	sdelay $0x3  }
0x9c: {  	_ =	strace s11  }
0x9d: {  	s11 =	sld [smem:$0x3FFD];
	_ =	sdelay $0x3  }
0x9e: {  	_ =	strace s11  }
0x9f: {  	_ =	strace $0x8FFFFFFF  }
0xa0: {  	s19 =	sld [smem:$0x3FDB];
	_ =	sdelay $0x1  }
0xa1: {  	s12 =	simm.s32 $_scs_section_size  }
0xa2: {  	s13 =	simm.s32 $_size__tile_overlayer_lowered;
	s14 =	simm.s32 $_tile_overlayer_lowered  }
0xa3: {  	s22 =	simm.s32 $0x1BFF;
	s21 =	sshll.u32 s14, $0x1;
	s11 =	sadd.s32 s12, s19  }
0xa4: {  	s15 =	simm.s32 $0x0;
	s20 =	sshll.u32 s13, $0x1;
	s13 =	sadd.s32 s21, s11  }
0xa5: {  	[timem:s15], [sflag:s22] =	dma.local [hbm:s13], s20  }
0xa6: {  	_ =	swait.ge [sflag:s22], s20  }
0xa7: {  	s12 =	ssub.s32 $0x0, s20;
	[sflag:s22] =	ssyncset.done $0x0  }
0xa8: {  	[sflag:s22] =	ssyncadd.s32 s12;
	_ =	sdelay $0x1  }
0xa9: {  	s23 =	simm.s32 $0x1B8B  }
0xaa: {  	_ =	swait.ge [sflag:s23], $0x1  }
0xab: {  	[sflag:s23] =	ssyncset.done $0x0  }
0xac: {  	s25 =	simm.s32 $0x1B8E;
	s24 =	sld [smem:$0x3FFE];
	[sflag:s23] =	ssyncadd.s32 $0xFFFFFFFF  }
0xad: {  	s26 =	simm.s32 $execute0_lowered;
	[smem:$0x3FD2] =	sst s25  }
0xae: {  	s13 =	sshll.u32 s26, $0x1;
	_ =	strace $0x80000046;
	[dreg:$0x1] =	wrdreg $0xFFFFFFFF  }
0xaf: {  	s28 =	simm.s32 $_size_execute0_lowered;
	s11 =	sadd.s32 s11, s13;
	[dreg:$0x0] =	wrdreg $0x0  }
0xb0: {  	s13 =	sshll.u32 s28, $0x1;
	[dreg:$0x2] =	wrdreg s11  }
0xb1: {  	[dreg:$0x3] =	wrdreg s13  }
0xb2: {  	[dreg:$0x4] =	wrdreg $0xC0  }
0xb3: {  	_ =	task [dreg:s15], $0x5FFFF  }
0xb4: {  	[dreg:$0x1] =	wrdreg $0xFFFFFFFF  }
0xb5: {  	[dreg:$0x0] =	wrdreg $0x60  }
0xb6: {  	[dreg:$0x2] =	wrdreg s2  }
0xb7: {  	[dreg:$0x3] =	wrdreg s18  }
0xb8: {  	[dreg:$0x4] =	wrdreg s4  }
0xb9: {  	[dreg:$0x5] =	wrdreg s5  }
0xba: {  	[dreg:$0x6] =	wrdreg s24  }
0xbb: {  	[dreg:$0x7] =	wrdreg s6  }
0xbc: {  	[dreg:$0x8] =	wrdreg s7  }
0xbd: {  	[dreg:$0x9] =	wrdreg s8  }
0xbe: {  	[dreg:$0xa] =	wrdreg s9  }
0xbf: {  	[dreg:$0xb] =	wrdreg s10  }
0xc0: {  	[dreg:$0xc] =	wrdreg $0x9  }
0xc1: {  	_ =	task.clear_ibuf [dreg:s15], $0xDFFFF;
	_ =	strace $0x90000046  }
0xc2: {  	s29 =	simm.s32 $0x9;
	_ =	strace $0x80000048  }
0xc3: {  	_ =	swait.ge [sflag:s29], $0x1  }
0xc4: {  	[sflag:s29] =	ssyncadd.s32 $0xFFFFFFFF  }
0xc5: {  	_ =	strace $0x90000048  }
0xc6: {  	_ =	sfence  }
0xc7: {  	s30 =	sld [smem:$0x0];
	_ =	sdelay $0x2  }
0xc8: {  	s31 =	sshll.u32 s1, $0xD;
	s1 =	sshrl.u32 s1, $0x2  }
0xc9: {  	s3 =	sand.u32 $0x4000, s31;
	s1 =	sadd.s32 s1, s30  }
0xca: {  	s0 =	sor.u32 s3, s0;
	s1 =	sshll.u32 s1, $0x11  }
0xcb: {  	s0 =	sor.u32 s1, s0  }
0xcc: {  	s0 =	sadd.s32 $0x8F2B, s0  }
0xcd: {  	[sflag:s0] =	ssyncadd.remote.s32 $0x1  }
0xce: {  	_ =	sfence.sel $0xFFFF  }
0xcf: {  	[dreg:$0x0] =	wrdreg $0xFFFFFFFF;
	(pc) =	sbr.abs _section_cstart, $3  }
0xd0: {  	[dreg:$0x1] =	wrdreg $0xFFFFFFFF  }
0xd1: {  	_ =	task.clear_ibuf [dreg:s15], $0x2FFFF;
	_ =	strace $0x9FFFFFFF  }
0xd2: {  	(tm) =	ssettm $0x7FFFFFFF  }
0xd3: {  	_ =	shalt  }
tec
execute0_lowered:
.L_overlay_start_1:
0x0: {  	(tag) =	ssettag $0x1  }
0x1: {  	s0 =	rddreg [dreg:$0x4]  }
0x2: {  	s1 =	rddreg [dreg:$0x9];
	s9 =	simm.s32 $0x0  }
0x3: {  	s2 =	srdreg.scid;
	s6 =	stileid.u32;
	s23 =	simm.s32 $0x1  }
0x4: {  	s7 =	simm.s32 $0xA000;
	s24 =	simm.s32 $0x0;
	[smem:$0x7FF] =	sst s9  }
0x5: {  	s10 =	sadd.s32 $0x1200, s0;
	s11 =	sadd.s32 $0x1000, s0;
	s13 =	sadd.s32 $0xE00, s0  }
0x6: {  	s14 =	sadd.s32 $0xC00, s0;
	s2 =	sand.u32 $0x1, s2;
	s15 =	sadd.s32 $0xA00, s0  }
0x7: {  	s16 =	sadd.s32 $0x800, s0;
	s5 =	sshll.u32 s6, $0x1;
	s17 =	sadd.s32 $0x1400, s0  }
0x8: {  	s28 =	sshrl.u32 s6, $0x3;
	s6 =	simm.s32 $0x8000;
	s3 =	ssub.s32 $0x2, s2  }
0x9: {  	_ =	strace $0x80000047;
	s2 =	sor.u32 s2, s5;
	s4 =	sshrl.u32 s3, $0x1  }
0xa: {  	s29 =	sshll.u32 s2, $0x3;
	s5 =	sor.u32 $0x20, s2;
	s2 =	sshll.u32 s2, $0xD  }
.Ltmp0:
0xb: {  	s26 =	ssub.s32 s3, s4;
	s18 =	sand.u32 $0x78, s29;
	(pc) =	sbr.rel .LBB2_1-.Ltmp0, $4  }
0xc: {  	s30 =	sshll.u32 s5, $0xD;
	s19 =	sadd.s32 s1, s2;
	s22 =	sshrl.u32 s5, $0x4  }
0xd: {  	v2 =	vlaneseq.u32;
	s2 =	simm.s32 $0x2000;
	s3 =	simm.s32 $0x4000;
	s5 =	simm.s32 $0x6000  }
0xe: {  	v5 =	vadd.s32 $0xA, v2;
	v0 =	vmov s28;
	s31 =	sadd.s32 $0xFFFFFFF6, s18;
	s20 =	sadd.s32 s1, s30;
	s8 =	sadd.s32 $0x11, s18  }
0xf: {  	s21 =	smax.u32 s26, $0x1;
	v4 =	vmov s22;
	s22 =	simm.s32 $0xE000;
	v1 =	vmov s31;
	v3 =	vmov s8;
	s8 =	simm.s32 $0xC000  }
.LBB2_27:
0x10: {  	s24 =	sadd.s32 $0x1, s24  }
0x11: {  	p0 =	sne.s32 s24, s21  }
.Ltmp1:
0x12: {  	_ = 	snop;
	(pc) =	sbr.rel @!p0 .LBB2_28-.Ltmp1, $4  }
0x13: {  	[hbm4b:s20+s9] =	stream.linear.scatter [tilespmem:s9], [sflag:$0x1], $0x10000, $0x38;
	[tilespmem:$0x15280] =	vst v63  }
0x14: {  	_ =	swait.ge [sflag:s23], $0x10000  }
0x15: {  	[sflag:s23] =	ssyncset.done $0x0  }
0x16: {  	[sflag:s23] =	ssyncadd.s32 $0xFFFF0000  }
.LBB2_1:
0x17: {  	s0 =	rddreg [dreg:$0x0];
	s1 =	simm.s32 $0x10000  }
0x18: {  	[tilespmem:s1], [sflag:$0x1] =	stream.linear.gather [hbm4b:s0+s9], $0x7D0, $0x38;
	[tilespmem:$0x15280] =	vst v63  }
0x19: {  	_ =	swait.ge [sflag:s23], $0x7D0  }
0x1a: {  	[sflag:s23] =	ssyncset.done $0x0  }
0x1b: {  	[sflag:s23] =	ssyncadd.s32 $0xFFFFF830  }
0x1c: {  	s31 =	simm.s32 $0x10800;
	s30 =	rddreg [dreg:$0x1]  }
0x1d: {  	[tilespmem:s31], [sflag:$0x1] =	stream.linear.gather [hbm4b:s30+s9], $0x7D0, $0x38;
	[tilespmem:$0x15280] =	vst v63  }
0x1e: {  	_ =	swait.ge [sflag:s23], $0x7D0  }
0x1f: {  	[sflag:s23] =	ssyncset.done $0x0  }
0x20: {  	[sflag:s23] =	ssyncadd.s32 $0xFFFFF830  }
0x21: {  	s12 =	simm.s32 $0x11000;
	s4 =	rddreg [dreg:$0x2]  }
0x22: {  	[tilespmem:s12], [sflag:$0x1] =	stream.linear.gather [hbm4b:s4+s9], $0x7D0, $0x38;
	[tilespmem:$0x15280] =	vst v63  }
0x23: {  	_ =	swait.ge [sflag:s23], $0x7D0  }
0x24: {  	[sflag:s23] =	ssyncset.done $0x0  }
0x25: {  	[sflag:s23] =	ssyncadd.s32 $0xFFFFF830  }
0x26: {  	s26 =	simm.s32 $0x11800;
	s25 =	rddreg [dreg:$0x3]  }
0x27: {  	[tilespmem:s26], [sflag:$0x1] =	stream.linear.gather [hbm4b:s25+s9], $0x7D0, $0x38;
	[tilespmem:$0x15280] =	vst v63  }
0x28: {  	_ =	swait.ge [sflag:s23], $0x7D0  }
0x29: {  	[sflag:s23] =	ssyncset.done $0x0  }
0x2a: {  	[sflag:s23] =	ssyncadd.s32 $0xFFFFF830  }
0x2b: {  	s4 =	simm.s32 $0x12000;
	s30 =	rddreg [dreg:$0x5]  }
0x2c: {  	[tilespmem:s4], [sflag:$0x1] =	stream.linear.gather [hbm4b:s30+s9], $0x7D0, $0x38;
	[tilespmem:$0x15280] =	vst v63  }
0x2d: {  	_ =	swait.ge [sflag:s23], $0x7D0  }
0x2e: {  	[sflag:s23] =	ssyncset.done $0x0  }
0x2f: {  	[sflag:s23] =	ssyncadd.s32 $0xFFFFF830  }
0x30: {  	s25 =	simm.s32 $0x12800;
	s31 =	rddreg [dreg:$0x6]  }
0x31: {  	[tilespmem:s25], [sflag:$0x1] =	stream.linear.gather [hbm4b:s31+s9], $0x7D0, $0x38;
	[tilespmem:$0x15280] =	vst v63  }
0x32: {  	_ =	swait.ge [sflag:s23], $0x7D0  }
0x33: {  	[sflag:s23] =	ssyncset.done $0x0  }
0x34: {  	[sflag:s23] =	ssyncadd.s32 $0xFFFFF830  }
0x35: {  	s12 =	simm.s32 $0x13000;
	s1 =	rddreg [dreg:$0x7]  }
0x36: {  	[tilespmem:s12], [sflag:$0x1] =	stream.linear.gather [hbm4b:s1+s9], $0x7D0, $0x38;
	[tilespmem:$0x15280] =	vst v63  }
0x37: {  	_ =	swait.ge [sflag:s23], $0x7D0  }
0x38: {  	[sflag:s23] =	ssyncset.done $0x0  }
0x39: {  	[sflag:s23] =	ssyncadd.s32 $0xFFFFF830  }
0x3a: {  	s30 =	simm.s32 $0x13800;
	s26 =	rddreg [dreg:$0x8]  }
0x3b: {  	[tilespmem:s30], [sflag:$0x1] =	stream.linear.gather [hbm4b:s26+s9], $0x7D0, $0x38;
	[tilespmem:$0x15280] =	vst v63  }
0x3c: {  	_ =	swait.ge [sflag:s23], $0x7D0  }
0x3d: {  	[sflag:s23] =	ssyncset.done $0x0  }
0x3e: {  	s31 =	simm.s32 $0x14000;
	[sflag:s23] =	ssyncadd.s32 $0xFFFFF830  }
0x3f: {  	[tilespmem:s31], [sflag:$0x1] =	stream.linear.gather [hbm4b:s11+s9], $0x200, $0x38;
	[tilespmem:$0x15280] =	vst v63  }
0x40: {  	_ =	swait.ge [sflag:s23], $0x200  }
0x41: {  	[sflag:s23] =	ssyncset.done $0x0  }
0x42: {  	s1 =	simm.s32 $0x14200;
	[sflag:s23] =	ssyncadd.s32 $0xFFFFFE00  }
0x43: {  	[tilespmem:s1], [sflag:$0x1] =	stream.linear.gather [hbm4b:s13+s9], $0x200, $0x38;
	[tilespmem:$0x15280] =	vst v63  }
0x44: {  	_ =	swait.ge [sflag:s23], $0x200  }
0x45: {  	[sflag:s23] =	ssyncset.done $0x0  }
0x46: {  	s12 =	simm.s32 $0x14400;
	[sflag:s23] =	ssyncadd.s32 $0xFFFFFE00  }
0x47: {  	[tilespmem:s12], [sflag:$0x1] =	stream.linear.gather [hbm4b:s14+s9], $0x200, $0x38;
	[tilespmem:$0x15280] =	vst v63  }
0x48: {  	_ =	swait.ge [sflag:s23], $0x200  }
0x49: {  	[sflag:s23] =	ssyncset.done $0x0  }
0x4a: {  	s26 =	simm.s32 $0x14600;
	[sflag:s23] =	ssyncadd.s32 $0xFFFFFE00  }
0x4b: {  	[tilespmem:s26], [sflag:$0x1] =	stream.linear.gather [hbm4b:s15+s9], $0x200, $0x38;
	[tilespmem:$0x15280] =	vst v63  }
0x4c: {  	_ =	swait.ge [sflag:s23], $0x200  }
0x4d: {  	[sflag:s23] =	ssyncset.done $0x0  }
0x4e: {  	s30 =	simm.s32 $0x14800;
	[sflag:s23] =	ssyncadd.s32 $0xFFFFFE00  }
0x4f: {  	[tilespmem:s30], [sflag:$0x1] =	stream.linear.gather [hbm4b:s16+s9], $0x200, $0x38;
	[tilespmem:$0x15280] =	vst v63  }
0x50: {  	_ =	swait.ge [sflag:s23], $0x200  }
0x51: {  	[sflag:s23] =	ssyncset.done $0x0  }
0x52: {  	s31 =	simm.s32 $0x15200;
	[sflag:s23] =	ssyncadd.s32 $0xFFFFFE00  }
0x53: {  	[tilespmem:s31], [sflag:$0x1] =	stream.linear.gather [hbm4b:s10+s9], $0x80, $0x38;
	[tilespmem:$0x15280] =	vst v63  }
0x54: {  	_ =	swait.ge [sflag:s23], $0x80  }
0x55: {  	[sflag:s23] =	ssyncset.done $0x0  }
0x56: {  	[sflag:s23] =	ssyncadd.s32 $0xFFFFFF80  }
0x57: {  	v6 =	vld [tilespmem:$0x15200];
	[tilespmem:s9], [sflag:$0x1] =	stream.linear.gather [hbm4b:s17+s9], $0x10000, $0x38  }
0x58: {  	_ =	swait.ge [sflag:s23], $0x10000  }
0x59: {  	[sflag:s23] =	ssyncset.done $0x0  }
0x5a: {  	[sflag:s23] =	ssyncadd.s32 $0xFFFF0000  }
0x5b: {  	v7 =	vld [tilespmem:s4+$0x0]  }
0x5c: {  	v8 =	vld [tilespmem:s25+$0x0];
	_ =	sdelay $0x4  }
0x5d: {  	vm0 =	veq.s32 v7, v0;
	vm1 =	vge.s32 v8, v1  }
0x5e: {  	vm15 =	vle.s32 v8, v3;
	vm0 =	vmand vm0, vm1  }
0x5f: {  	vm0 =	vmand vm15, vm0  }
0x60: {  	v8 =	vmpcnt.ones.xlane vm0;
	_ =	sdelay $0x1  }
0x61: {  	(v2sf) =	vpush v8, $0x0;
	_ =	sdelay $0x2  }
0x62: {  	v7 =	vor.u32 s9, v2  }
0x63: {  	s26 =	simm.s32 $0x12010;
	[tilespmem:s9+$0x14A00] =	vst.msk vm0, v7  }
0x64: {  	s28 =	simm.s32 $0x12810;
	v7 =	vld [tilespmem:s26+$0x0]  }
0x65: {  	s29 =	simm.s32 $0x20;
	s4 =	simm.s32 $0x10;
	s25 =	simm.s32 $0x0;
	v8 =	vld [tilespmem:s28+$0x0]  }
.LBB2_2:
0x66: {  	p0 =	sne.s32 s29, $0x7C0;
	_ =	sdelay $0x3  }
0x67: {  	vm0 =	veq.s32 v7, v0;
	vm1 =	vge.s32 v8, v1  }
0x68: {  	vm0 =	vmand vm0, vm1;
	vm1 =	vle.s32 v8, v3  }
0x69: {  	vm0 =	vmand vm1, vm0  }
0x6a: {  	v7 =	vmpcnt.ones.xlane vm0  }
0x6b: {  	s30 =	spop (v2sf)  }
0x6c: {  	v8 =	vor.u32 s4, v2;
	s4 =	smov.u32 s29;
	(v2sf) =	vpush v7, $0x0;
	s25 =	sadd.s32 s25, s30  }
0x6d: {  	[tilespmem:s25+$0x14A00] =	vst.msk vm0, v8  }
.Ltmp2:
0x6e: {  	(pc) =	sbr.rel @p0 .LBB2_2-.Ltmp2, $4  }
0x6f: {  	_ = 	snop  }
0x70: {  	s26 =	sadd.s32 $0x10, s26  }
0x71: {  	s28 =	sadd.s32 $0x10, s28;
	v7 =	vld [tilespmem:s26+$0x0]  }
0x72: {  	s29 =	sadd.s32 $0x10, s29;
	v8 =	vld [tilespmem:s28+$0x0]  }
0x73: {  	_ =	sdelay $0x1  }
0x74: {  	v6 =	vmul.f32 v6, v6;
	_ =	sdelay $0x1  }
0x75: {  	(erf) = vrcp.f32 v6;
	vm0 =	veq.s32 v7, v0;
	vm1 =	vge.s32 v8, v1  }
0x76: {  	vm15 =	vle.s32 v8, v3;
	vm0 =	vmand vm0, vm1  }
0x77: {  	vm0 =	vmand vm15, vm0  }
0x78: {  	v6 =	vmpcnt.ones.xlane vm0;
	_ =	sdelay $0x1  }
0x79: {  	(v2sf) =	vpush v6, $0x0;
	_ =	sdelay $0x3  }
0x7a: {  	v6 =	vpop (erf)  }
0x7b: {  	v6 =	vmul.f32 $5.000000000e-01, v6;
	_ =	sdelay $0x1  }
0x7c: {  	(v2sf) =	vpush v6, $0x0;
	_ =	sdelay $0x6  }
0x7d: {  	s26 =	spop (v2sf)  }
0x7e: {  	s29 =	sadd.s32 s25, s26;
	s28 =	spop (v2sf)  }
0x7f: {  	s26 =	sadd.s32 s29, s28  }
0x80: {  	s28 =	sshrl.u32 s26, $0x1F  }
0x81: {  	s28 =	sadd.s32 s28, s26  }
0x82: {  	s28 =	sand.u32 $0xFFFFFFFE, s28  }
0x83: {  	p0 =	slt.s32 s28, $0x1  }
.Ltmp3:
0x84: {  	_ = 	snop;
	(pc) =	sbr.rel @p0 .LBB2_10-.Ltmp3, $4  }
0x85: {  	s25 =	spop (v2sf)  }
0x86: {  	s30 =	ssub.f32 $0.0e+00, s25  }
0x87: {  	v7 =	vor.u32 s4, v2  }
0x88: {  	[tilespmem:s29+$0x14A00] =	vst.msk vm0, v7;
	v7 =	vmov s30  }
0x89: {  	s29 =	simm.s32 $0x0  }
.LBB2_5:
0x8a: {  	v8 =	vld [tilespmem:s29+$0x14A00];
	_ =	sdelay $0x4  }
0x8b: {  	(v2sf) =	vpush v8, $0x0;
	_ =	sdelay $0xe  }
0x8c: {  	s4 =	spop (v2sf)  }
0x8d: {  	v8 =	vld [tilespmem:s4+$0x12800];
	_ =	sdelay $0x4  }
0x8e: {  	(v2sf) =	vpush v8, $0x0  }
0x8f: {  	v8 =	vld [tilespmem:s4+$0x11000];
	_ =	sdelay $0x4  }
0x90: {  	v9 =	vld [tilespmem:s4+$0x10800];
	(v2sf) =	vpush v8, $0x0;
	_ =	sdelay $0x3  }
0x91: {  	v10 =	vld [tilespmem:s4+$0x10000]  }
0x92: {  	(v2sf) =	vpush v9, $0x0;
	_ =	sdelay $0x3  }
0x93: {  	s30 =	spop (v2sf);
	(v2sf) =	vpush v10, $0x0  }
0x94: {  	v11 =	vld [tilespmem:s4+$0x11800];
	s30 =	ssub.s32 s18, s30  }
0x95: {  	v12 =	vadd.s32 s30, v2  }
0x96: {  	v8 =	vbroadcast v8, $0x0;
	v12 =	vcvt.s32.f32 v12;
	_ =	sdelay $0x1  }
0x97: {  	v8 =	vsub.f32 v12, v8  }
0x98: {  	s1 =	simm.s32 $0x14420;
	s31 =	spop (v2sf);
	(v2sf) =	vpush v11, $0x0  }
0x99: {  	v16 =	vld [tilespmem:s1+$0x0];
	s31 =	smul.f32 s31, s31;
	v8 =	vmul.f32 v8, v8  }
0x9a: {  	v19 =	vld [tilespmem:s1+$0xFFFFFFF0]  }
0x9b: {  	v22 =	vld [tilespmem:s1+$0xFFFFFFE0];
	v8 =	vsub.f32 s31, v8;
	_ =	sdelay $0x1  }
0x9c: {  	v34 =	vld [tilespmem:s1+$0x10];
	s31 =	spop (v2sf);
	v8 =	vmul.f32 v8, v6  }
0x9d: {  	s1 =	simm.s32 $0x14460;
	v18 =	vmul.f32 v16, v7;
	v9 =	vadd.s32 s30, v5;
	s30 =	sadd.f32 s31, s31  }
0x9e: {  	v42 =	vld [tilespmem:s1+$0xFFFFFFE0];
	v20 =	vtrunc.f32 v19;
	s31 =	simm.s32 $0x14620;
	v8 =	vmul.f32 $1.442695020e+00, v8  }
0x9f: {  	v24 =	vtrunc.f32 v16;
	v31 =	vmul.f32 v22, v7;
	v21 =	vld [tilespmem:s31+$0x0];
	s30 =	smul.f32 s30, s25  }
0xa0: {  	v32 =	vtrunc.f32 v22;
	(erf) = vpow2.f32 v8;
	s12 =	spop (v2sf)  }
0xa1: {  	v60 =	vmul.f32 v34, v7;
	v25 =	vcvt.f32.s32 v20;
	v23 =	vld [tilespmem:s31+$0xFFFFFFE0];
	v17 =	vmov s30;
	s12 =	sadd.f32 s12, s12  }
0xa2: {  	v24 =	vcvt.f32.s32 v24;
	v32 =	vcvt.f32.s32 v32;
	v27 =	vld [tilespmem:s31+$0x10];
	v20 =	vadd.f32 v18, v17  }
0xa3: {  	v52 =	vtrunc.f32 v42;
	v53 =	vmul.f32 v42, v7;
	v26 =	vld [tilespmem:s31+$0xFFFFFFF0];
	s12 =	smul.f32 s12, s25  }
0xa4: {  	vm0 =	vlt.u32 v9, $0x15;
	v28 =	vmul.f32 v21, v7;
	v29 =	vmul.f32 v20, v16;
	v16 =	vld.msk [tilespmem:s4+$0x13000 ss:$0x0], $0xffff  }
0xa5: {  	v53 =	vadd.f32 v53, v17;
	v20 =	vmul.f32 v19, v7;
	v18 =	vmov s12  }
0xa6: {  	v30 =	vtrunc.f32 v21;
	v35 =	vmul.f32 v23, v7;
	s0 =	spop (v2sf);
	s12 =	simm.s32 $0x14660;
	v28 =	vadd.f32 v28, v18  }
0xa7: {  	v36 =	vmul.f32 v27, v7;
	v30 =	vcvt.f32.s32 v30;
	v33 =	vadd.f32 v20, v17;
	s0 =	smax.f32 s0, $0.0e+00;
	v47 =	vld [tilespmem:s12+$0x10]  }
0xa8: {  	v35 =	vadd.f32 v35, v18;
	s0 =	smul.f32 $1.000000000e+04, s0;
	v21 =	vmul.f32 v28, v21;
	v28 =	vadd.f32 v31, v17  }
0xa9: {  	v19 =	vmul.f32 v33, v19;
	v25 =	vadd.s32 v25, v16;
	v31 =	vmul.f32 v26, v7;
	v8 =	vpop (erf)  }
0xaa: {  	vm1 =	vlt.u32 v25, $0x80;
	v8 =	vmul.f32 s0, v8;
	v22 =	vmul.f32 v28, v22  }
0xab: {  	v31 =	vadd.f32 v31, v18;
	v28 =	vmul.f32 v35, v23;
	v23 =	vtrunc.f32 v23  }
0xac: {  	v21 =	vadd.f32 v21, v29;
	v23 =	vcvt.f32.s32 v23;
	v56 =	vmul.f32 v47, v7  }
0xad: {  	v25 =	vshll.u32 v25, $0x6;
	v57 =	vtrunc.f32 v47;
	v31 =	vmul.f32 v31, v26  }
0xae: {  	v15 =	vnsel vm0, $0x0, v8;
	v26 =	vtrunc.f32 v26;
	v21 =	vmul.f32 $1.442695020e+00, v21  }
0xaf: {  	v20 =	vld.msk [tilespmem:s4+$0x13800 ss:$0x0], $0xffff;
	v22 =	vadd.f32 v28, v22;
	v8 =	vbroadcast v15, $0x0;
	v9 =	vbroadcast v15, $0x1  }
0xb0: {  	v28 =	vadd.s32 v24, v16;
	v10 =	vbroadcast v15, $0x2;
	v11 =	vbroadcast v15, $0x3  }
0xb1: {  	v24 =	vadd.f32 v60, v17;
	v13 =	vbroadcast v15, $0x4;
	v12 =	vbroadcast v15, $0x5  }
0xb2: {  	v14 =	vbroadcast v15, $0x6;
	v15 =	vbroadcast v15, $0x7;
	v19 =	vadd.f32 v31, v19  }
0xb3: {  	v26 =	vcvt.f32.s32 v26;
	v31 =	vadd.f32 v36, v18;
	v22 =	vmul.f32 $1.442695020e+00, v22  }
0xb4: {  	v30 =	vadd.s32 v30, v20;
	v24 =	vmul.f32 v24, v34;
	v19 =	vmul.f32 $1.442695020e+00, v19  }
0xb5: {  	vm0 =	vlt.u32 v30, $0x40;
	(erf) = vpow2.f32 v22;
	v22 =	vmul.f32 v31, v27  }
0xb6: {  	v23 =	vadd.s32 v23, v20;
	(erf) = vpow2.f32 v19;
	v19 =	vtrunc.f32 v27  }
0xb7: {  	v22 =	vadd.f32 v22, v24;
	v24 =	vadd.s32 v26, v20;
	v26 =	vtrunc.f32 v34  }
0xb8: {  	vm5 =	vlt.u32 v23, $0x40;
	v27 =	vld [tilespmem:s1+$0x0];
	v19 =	vcvt.f32.s32 v19;
	v26 =	vcvt.f32.s32 v26  }
0xb9: {  	v61 =	vld [tilespmem:s1+$0xFFFFFFF0];
	vm2 =	vlt.u32 v24, $0x40;
	v24 =	vadd.s32 v24, v25;
	v22 =	vmul.f32 $1.442695020e+00, v22  }
0xba: {  	vm1 =	vmand vm1, vm2;
	v19 =	vadd.s32 v19, v20;
	v25 =	vadd.s32 v26, v16  }
0xbb: {  	v26 =	vadd.s32 v32, v16;
	(erf) = vpow2.f32 v22;
	v22 =	vshll.u32 v25, $0x6  }
0xbc: {  	vm2 =	vlt.u32 v19, $0x40;
	v29 =	vshll.u32 v26, $0x6;
	v31 =	vadd.s32 v19, v22  }
0xbd: {  	v19 =	vtrunc.f32 v27;
	v22 =	vmul.f32 v27, v7;
	v23 =	vadd.s32 v23, v29;
	v29 =	vld [tilespmem:s12+$0x0]  }
0xbe: {  	vm3 =	vlt.u32 v28, $0x80;
	v46 =	vcvt.f32.s32 v19;
	v19 =	vmul.f32 v61, v7  }
0xbf: {  	vm3 =	vmand vm3, vm0;
	v32 =	vsel vm1, v24, v2;
	v22 =	vadd.f32 v22, v17  }
0xc0: {  	vm4 =	vlt.u32 v26, $0x80;
	vm0 =	vlt.u32 v25, $0x80;
	v24 =	vpop (erf);
	v19 =	vadd.f32 v19, v17  }
0xc1: {  	v26 =	vpop (erf);
	v27 =	vmul.f32 v22, v27;
	v22 =	vshll.u32 v28, $0x6;
	(erf) = vpow2.f32 v21  }
0xc2: {  	v26 =	vnsel vm1, $0x0, v26;
	v43 =	vmul.f32 v29, v7;
	v28 =	vtrunc.f32 v29  }
0xc3: {  	v21 =	vadd.s32 v46, v16;
	v33 =	vmul.f32 v19, v61;
	v35 =	vmul.f32 v26, v15  }
0xc4: {  	vm1 =	vmand vm4, vm5;
	v38 =	vmul.f32 v26, v14;
	v62 =	vmul.f32 v26, v10  }
0xc5: {  	v39 =	vsel vm1, v23, v2;
	v37 =	vmul.f32 v26, v12;
	v23 =	vtrunc.f32 v61  }
0xc6: {  	v22 =	vadd.s32 v30, v22;
	v44 =	vmul.f32 v26, v11;
	v48 =	vmul.f32 v26, v13  }
0xc7: {  	v51 =	vld [tilespmem:s12+$0xFFFFFFF0];
	v36 =	vnsel vm1, $0x0, v24;
	v50 =	vmul.f32 v26, v8;
	v28 =	vcvt.f32.s32 v28  }
0xc8: {  	v54 =	vld [tilespmem:s1+$0x10];
	vm1 =	vmand vm0, vm2;
	v26 =	vmul.f32 v26, v9;
	v40 =	vmul.f32 v36, v12  }
0xc9: {  	v22 =	vsel vm3, v22, v2;
	v25 =	vmul.f32 v36, v10;
	v41 =	vmul.f32 v36, v11  }
0xca: {  	v30 =	vld [tilespmem:s12+$0xFFFFFFE0];
	v49 =	vmul.f32 v36, v9;
	v43 =	vadd.f32 v43, v18;
	v55 =	vmul.f32 v36, v8  }
0xcb: {  	v23 =	vcvt.f32.s32 v23;
	v61 =	vmul.f32 v36, v14;
	v24 =	vpop (erf);
	v19 =	vadd.s32 v28, v20;
	[tilespmem:v32+s9+$0x0] =	vst.idx.add.f32.msk $0xffff, v50  }
0xcc: {  	v28 =	vtrunc.f32 v51;
	v24 =	vnsel vm1, $0x0, v24;
	v43 =	vmul.f32 v43, v29;
	[tilespmem:v32+s2+$0x0] =	vst.idx.add.f32.msk $0xffff, v26  }
0xcd: {  	v45 =	vadd.s32 v23, v16;
	v29 =	vcvt.f32.s32 v52;
	v26 =	vmul.f32 v54, v7;
	[tilespmem:v32+s3+$0x0] =	vst.idx.add.f32.msk $0xffff, v62  }
0xce: {  	vm0 =	vlt.u32 v19, $0x40;
	v52 =	vadd.f32 v56, v18;
	v23 =	vmul.f32 v24, v15;
	[tilespmem:v39+s9+$0x0] =	vst.idx.add.f32.msk $0xffff, v55  }
0xcf: {  	v28 =	vcvt.f32.s32 v28;
	v63 =	vmul.f32 v30, v7;
	v43 =	vadd.f32 v43, v27;
	[tilespmem:v32+s5+$0x0] =	vst.idx.add.f32.msk $0xffff, v44  }
0xd0: {  	vm2 =	vlt.u32 v45, $0x80;
	v27 =	vmul.f32 v53, v42;
	v53 =	vmul.f32 v51, v7;
	[tilespmem:v39+s2+$0x0] =	vst.idx.add.f32.msk $0xffff, v49  }
0xd1: {  	v45 =	vshll.u32 v45, $0x6;
	v62 =	vmul.f32 v36, v15;
	v34 =	vadd.f32 v63, v18;
	[tilespmem:v32+s6+$0x0] =	vst.idx.add.f32.msk $0xffff, v48  }
0xd2: {  	v56 =	vtrunc.f32 v30;
	v55 =	vmul.f32 v36, v13;
	[tilespmem:v39+s3+$0x0] =	vst.idx.add.f32.msk $0xffff, v25;
	v25 =	vadd.f32 v53, v18  }
0xd3: {  	v28 =	vadd.s32 v28, v20;
	v58 =	vcvt.f32.s32 v56;
	[tilespmem:v32+s7+$0x0] =	vst.idx.add.f32.msk $0xffff, v37;
	v30 =	vmul.f32 v34, v30  }
0xd4: {  	v59 =	vadd.f32 v26, v17;
	vm15 =	vlt.u32 v28, $0x40;
	[tilespmem:v39+s5+$0x0] =	vst.idx.add.f32.msk $0xffff, v41;
	v25 =	vmul.f32 v25, v51  }
0xd5: {  	vm2 =	vmand vm2, vm15;
	v37 =	vtrunc.f32 v54;
	[tilespmem:v32+s8+$0x0] =	vst.idx.add.f32.msk $0xffff, v38;
	v27 =	vadd.f32 v30, v27  }
0xd6: {  	v34 =	vadd.s32 v28, v45;
	v28 =	vcvt.f32.s32 v57;
	[tilespmem:v39+s6+$0x0] =	vst.idx.add.f32.msk $0xffff, v55;
	v25 =	vadd.f32 v25, v33  }
0xd7: {  	v26 =	vadd.s32 v58, v20;
	v38 =	vmul.f32 v59, v54;
	v63 =	vpop (erf);
	[tilespmem:v32+s22+$0x0] =	vst.idx.add.f32.msk $0xffff, v35;
	v60 =	vmul.f32 $1.442695020e+00, v27  }
0xd8: {  	v36 =	vnsel vm3, $0x0, v63;
	[tilespmem:v39+s7+$0x0] =	vst.idx.add.f32.msk $0xffff, v40;
	v27 =	vsel vm1, v31, v2;
	v31 =	vmul.f32 $1.442695020e+00, v25  }
0xd9: {  	v30 =	vadd.s32 v28, v20;
	v28 =	vmul.f32 v52, v47;
	[tilespmem:v39+s8+$0x0] =	vst.idx.add.f32.msk $0xffff, v61;
	(erf) = vpow2.f32 v60  }
0xda: {  	s31 =	simm.s32 $0x146A0;
	s30 =	simm.s32 $0x4;
	s4 =	simm.s32 $0x144A0;
	vm1 =	vlt.u32 v30, $0x40;
	[tilespmem:v39+s22+$0x0] =	vst.idx.add.f32.msk $0xffff, v62;
	v25 =	vmul.f32 $1.442695020e+00, v43;
	(erf) = vpow2.f32 v31  }
.LBB2_6:
0xdb: {  	v39 =	vld [tilespmem:s31+$0x0];
	s30 =	sadd.s32 $0x4, s30;
	v29 =	vadd.s32 v29, v16;
	v31 =	vcvt.f32.s32 v37;
	v32 =	vmul.f32 v24, v8  }
0xdc: {  	v33 =	vmul.f32 v24, v12;
	v37 =	vld [tilespmem:s4+$0x0];
	p0 =	slt.u32 s30, $0x18;
	v28 =	vadd.f32 v28, v38;
	v38 =	vmul.f32 v24, v14  }
0xdd: {  	vm3 =	vlt.u32 v21, $0x80;
	v35 =	vmul.f32 v24, v10;
	[tilespmem:v27+s9+$0x0] =	vst.idx.add.f32.msk $0xffff, v32;
	v32 =	vmul.f32 v24, v9  }
0xde: {  	v42 =	vmul.f32 v36, v15;
	v41 =	vadd.s32 v31, v16;
	v40 =	vld [tilespmem:s4+$0xFFFFFFF0];
	v28 =	vmul.f32 $1.442695020e+00, v28  }
0xdf: {  	v31 =	vshll.u32 v41, $0x6;
	[tilespmem:v27+s2+$0x0] =	vst.idx.add.f32.msk $0xffff, v32;
	v32 =	vmul.f32 v24, v11;
	v24 =	vmul.f32 v24, v13  }
0xe0: {  	v43 =	vmul.f32 v36, v14;
	v30 =	vadd.s32 v30, v31;
	(erf) = vpow2.f32 v28;
	[tilespmem:v27+s3+$0x0] =	vst.idx.add.f32.msk $0xffff, v35  }
0xe1: {  	v31 =	vsel vm2, v34, v2;
	v44 =	vld [tilespmem:s4+$0xFFFFFFE0];
	v45 =	vtrunc.f32 v37;
	v46 =	vmul.f32 v37, v7  }
0xe2: {  	v48 =	vmul.f32 v36, v13;
	v49 =	vmul.f32 v36, v12;
	v35 =	vshll.u32 v29, $0x6;
	v28 =	vld [tilespmem:s31+$0x10];
	v47 =	vpop (erf)  }
0xe3: {  	v50 =	vmul.f32 v36, v11;
	vm4 =	vlt.u32 v29, $0x80;
	v29 =	vadd.s32 v26, v35;
	v34 =	vpop (erf);
	[tilespmem:v27+s5+$0x0] =	vst.idx.add.f32.msk $0xffff, v32  }
0xe4: {  	vm5 =	vlt.u32 v26, $0x40;
	v26 =	vnsel vm2, $0x0, v34;
	v34 =	vmul.f32 v36, v10;
	[tilespmem:v27+s6+$0x0] =	vst.idx.add.f32.msk $0xffff, v24  }
0xe5: {  	vm2 =	vmand vm4, vm5;
	v24 =	vmul.f32 v36, v9;
	v35 =	vmul.f32 v26, v15;
	[tilespmem:v27+s7+$0x0] =	vst.idx.add.f32.msk $0xffff, v33  }
0xe6: {  	v51 =	vmul.f32 v36, v8;
	v33 =	vnsel vm2, $0x0, v47;
	v32 =	vsel vm2, v29, v2;
	[tilespmem:v27+s8+$0x0] =	vst.idx.add.f32.msk $0xffff, v38  }
0xe7: {  	vm3 =	vmand vm3, vm0;
	v36 =	vmul.f32 v33, v12;
	v38 =	vmul.f32 v26, v14;
	[tilespmem:v27+s22+$0x0] =	vst.idx.add.f32.msk $0xffff, v23  }
0xe8: {  	vm0 =	vlt.u32 v41, $0x80;
	v47 =	vmul.f32 v26, v12;
	v27 =	vmul.f32 v26, v10;
	[tilespmem:v22+s9+$0x0] =	vst.idx.add.f32.msk $0xffff, v51  }
0xe9: {  	vm1 =	vmand vm0, vm1;
	v41 =	vmul.f32 v33, v10;
	v23 =	vtrunc.f32 v40;
	v29 =	vpop (erf);
	[tilespmem:v22+s2+$0x0] =	vst.idx.add.f32.msk $0xffff, v24  }
0xea: {  	v23 =	vcvt.f32.s32 v23;
	v51 =	vmul.f32 v33, v11;
	v24 =	vnsel vm1, $0x0, v29;
	[tilespmem:v22+s3+$0x0] =	vst.idx.add.f32.msk $0xffff, v34  }
0xeb: {  	v52 =	vmul.f32 v26, v11;
	v29 =	vadd.f32 v46, v17;
	v46 =	vmul.f32 v39, v7;
	v34 =	vld [tilespmem:s31+$0xFFFFFFF0]  }
0xec: {  	v45 =	vcvt.f32.s32 v45;
	v53 =	vadd.s32 v23, v16;
	v23 =	vmul.f32 v24, v15;
	[tilespmem:v22+s5+$0x0] =	vst.idx.add.f32.msk $0xffff, v50  }
0xed: {  	vm2 =	vlt.u32 v53, $0x80;
	v37 =	vmul.f32 v29, v37;
	v50 =	vmul.f32 v26, v13;
	[tilespmem:v22+s6+$0x0] =	vst.idx.add.f32.msk $0xffff, v48  }
0xee: {  	v21 =	vshll.u32 v21, $0x6;
	v29 =	vmul.f32 v40, v7;
	v48 =	vmul.f32 v33, v9;
	[tilespmem:v22+s7+$0x0] =	vst.idx.add.f32.msk $0xffff, v49  }
0xef: {  	v54 =	vmul.f32 v26, v8;
	v46 =	vadd.f32 v46, v18;
	v49 =	vtrunc.f32 v39;
	[tilespmem:v22+s8+$0x0] =	vst.idx.add.f32.msk $0xffff, v43  }
0xf0: {  	v55 =	vmul.f32 v44, v7;
	v56 =	vadd.f32 v29, v17;
	v43 =	vtrunc.f32 v44;
	[tilespmem:v22+s22+$0x0] =	vst.idx.add.f32.msk $0xffff, v42  }
0xf1: {  	v19 =	vadd.s32 v19, v21;
	v39 =	vmul.f32 v46, v39;
	v22 =	vmul.f32 v33, v8;
	v42 =	vld [tilespmem:s4+$0x10]  }
0xf2: {  	v55 =	vadd.f32 v55, v17;
	v21 =	vcvt.f32.s32 v49;
	v49 =	vmul.f32 v28, v7;
	v46 =	vld [tilespmem:s31+$0xFFFFFFE0]  }
0xf3: {  	v26 =	vmul.f32 v26, v9;
	v29 =	vcvt.f32.s32 v43;
	[tilespmem:v32+s9+$0x0] =	vst.idx.add.f32.msk $0xffff, v22;
	v22 =	vsel vm3, v19, v2  }
0xf4: {  	v40 =	vmul.f32 v56, v40;
	v19 =	vadd.s32 v21, v20;
	[tilespmem:v31+s9+$0x0] =	vst.idx.add.f32.msk $0xffff, v54;
	(erf) = vpow2.f32 v25  }
0xf5: {  	v39 =	vadd.f32 v39, v37;
	v21 =	vadd.s32 v45, v16;
	v25 =	vtrunc.f32 v34;
	[tilespmem:v31+s2+$0x0] =	vst.idx.add.f32.msk $0xffff, v26  }
0xf6: {  	v37 =	vmul.f32 v55, v44;
	vm0 =	vlt.u32 v19, $0x40;
	v26 =	vmul.f32 v42, v7;
	[tilespmem:v31+s3+$0x0] =	vst.idx.add.f32.msk $0xffff, v27  }
0xf7: {  	v43 =	vadd.f32 v49, v18;
	v25 =	vcvt.f32.s32 v25;
	v27 =	vmul.f32 v46, v7;
	[tilespmem:v31+s5+$0x0] =	vst.idx.add.f32.msk $0xffff, v52  }
0xf8: {  	v44 =	vmul.f32 v34, v7;
	v45 =	vshll.u32 v53, $0x6;
	[tilespmem:v32+s2+$0x0] =	vst.idx.add.f32.msk $0xffff, v48;
	v48 =	vmul.f32 v33, v13  }
0xf9: {  	v49 =	vtrunc.f32 v46;
	v25 =	vadd.s32 v25, v20;
	v27 =	vadd.f32 v27, v18;
	[tilespmem:v32+s3+$0x0] =	vst.idx.add.f32.msk $0xffff, v41  }
0xfa: {  	vm4 =	vlt.u32 v25, $0x40;
	v41 =	vadd.f32 v44, v18;
	v44 =	vtrunc.f32 v28;
	[tilespmem:v32+s5+$0x0] =	vst.idx.add.f32.msk $0xffff, v51  }
0xfb: {  	v49 =	vcvt.f32.s32 v49;
	v27 =	vmul.f32 v27, v46;
	v46 =	vadd.f32 v26, v17;
	[tilespmem:v31+s6+$0x0] =	vst.idx.add.f32.msk $0xffff, v50  }
0xfc: {  	vm2 =	vmand vm2, vm4;
	v41 =	vmul.f32 v41, v34;
	v34 =	vadd.s32 v25, v45;
	[tilespmem:v31+s7+$0x0] =	vst.idx.add.f32.msk $0xffff, v47  }
0xfd: {  	v26 =	vadd.s32 v49, v20;
	v25 =	vadd.f32 v27, v37;
	v37 =	vtrunc.f32 v42;
	[tilespmem:v31+s8+$0x0] =	vst.idx.add.f32.msk $0xffff, v38;
	v45 =	vpop (erf)  }
.Ltmp4:
0xfe: {  	v40 =	vadd.f32 v41, v40;
	v41 =	vcvt.f32.s32 v44;
	v38 =	vmul.f32 v46, v42;
	[tilespmem:v32+s6+$0x0] =	vst.idx.add.f32.msk $0xffff, v48;
	(pc) =	sbr.rel @p0 .LBB2_6-.Ltmp4, $4  }
0xff: {  	v44 =	vmul.f32 v33, v14;
	v27 =	vsel vm1, v30, v2;
	v42 =	vmul.f32 $1.442695020e+00, v25;
	[tilespmem:v31+s22+$0x0] =	vst.idx.add.f32.msk $0xffff, v35  }
0x100: {  	v33 =	vmul.f32 v33, v15;
	v31 =	vmul.f32 $1.442695020e+00, v40;
	v30 =	vadd.s32 v41, v20;
	[tilespmem:v32+s7+$0x0] =	vst.idx.add.f32.msk $0xffff, v36  }
0x101: {  	v25 =	vmul.f32 $1.442695020e+00, v39;
	vm1 =	vlt.u32 v30, $0x40;
	(erf) = vpow2.f32 v42;
	[tilespmem:v32+s8+$0x0] =	vst.idx.add.f32.msk $0xffff, v44  }
0x102: {  	s4 =	sadd.s32 $0x40, s4;
	s31 =	sadd.s32 $0x40, s31;
	v28 =	vmul.f32 v43, v28;
	v36 =	vnsel vm3, $0x0, v45;
	(erf) = vpow2.f32 v31;
	[tilespmem:v32+s22+$0x0] =	vst.idx.add.f32.msk $0xffff, v33  }
0x103: {  	v17 =	vld [tilespmem:s29+$0x14A01];
	_ =	sdelay $0x4  }
0x104: {  	(v2sf) =	vpush v17, $0x0;
	_ =	sdelay $0xe  }
0x105: {  	v31 =	vmul.f32 v24, v8;
	s4 =	spop (v2sf)  }
0x106: {  	v35 =	vmul.f32 v24, v9;
	v17 =	vld [tilespmem:s4+$0x12800]  }
0x107: {  	v54 =	vmul.f32 v24, v10;
	[tilespmem:v27+s9+$0x0] =	vst.idx.add.f32.msk $0xffff, v31  }
0x108: {  	v32 =	vmul.f32 v24, v12;
	v40 =	vmul.f32 v24, v11;
	[tilespmem:v27+s2+$0x0] =	vst.idx.add.f32.msk $0xffff, v35  }
0x109: {  	v33 =	vmul.f32 v24, v14;
	v24 =	vmul.f32 v24, v13;
	[tilespmem:v27+s3+$0x0] =	vst.idx.add.f32.msk $0xffff, v54  }
0x10a: {  	[tilespmem:v27+s5+$0x0] =	vst.idx.add.f32.msk $0xffff, v40  }
0x10b: {  	[tilespmem:v27+s6+$0x0] =	vst.idx.add.f32.msk $0xffff, v24;
	(v2sf) =	vpush v17, $0x0  }
0x10c: {  	s1 =	simm.s32 $0x14420;
	v24 =	vmul.f32 v36, v8;
	v17 =	vld [tilespmem:s4+$0x11000]  }
0x10d: {  	v60 =	vmul.f32 v36, v9;
	v54 =	vld [tilespmem:s1+$0xFFFFFFF0]  }
0x10e: {  	v59 =	vmul.f32 v36, v10;
	[tilespmem:v22+s9+$0x0] =	vst.idx.add.f32.msk $0xffff, v24  }
0x10f: {  	v58 =	vmul.f32 v36, v11;
	[tilespmem:v22+s2+$0x0] =	vst.idx.add.f32.msk $0xffff, v60  }
0x110: {  	v57 =	vmul.f32 v36, v13;
	[tilespmem:v22+s3+$0x0] =	vst.idx.add.f32.msk $0xffff, v59  }
0x111: {  	v43 =	vmul.f32 v36, v12;
	[tilespmem:v22+s5+$0x0] =	vst.idx.add.f32.msk $0xffff, v58;
	(v2sf) =	vpush v17, $0x0  }
0x112: {  	v41 =	vmul.f32 v36, v14;
	[tilespmem:v22+s6+$0x0] =	vst.idx.add.f32.msk $0xffff, v57  }
0x113: {  	v55 =	vmul.f32 v36, v15;
	[tilespmem:v22+s7+$0x0] =	vst.idx.add.f32.msk $0xffff, v43  }
0x114: {  	v20 =	vcvt.f32.s32 v37;
	[tilespmem:v22+s8+$0x0] =	vst.idx.add.f32.msk $0xffff, v41  }
0x115: {  	[tilespmem:v22+s22+$0x0] =	vst.idx.add.f32.msk $0xffff, v55  }
0x116: {  	v18 =	vadd.s32 v29, v16;
	v16 =	vadd.s32 v20, v16;
	v20 =	vld [tilespmem:s4+$0x10800]  }
0x117: {  	v28 =	vadd.f32 v28, v38;
	v55 =	vld [tilespmem:s1+$0x0]  }
0x118: {  	vm3 =	vlt.u32 v18, $0x80  }
0x119: {  	v18 =	vshll.u32 v18, $0x6;
	v29 =	vmul.f32 $1.442695020e+00, v28;
	v28 =	vshll.u32 v16, $0x6  }
0x11a: {  	vm4 =	vlt.u32 v26, $0x40;
	v18 =	vadd.s32 v26, v18;
	v28 =	vadd.s32 v30, v28;
	v39 =	vld [tilespmem:s4+$0x10000];
	s0 =	spop (v2sf)  }
0x11b: {  	(erf) = vpow2.f32 v29;
	v63 =	vmul.f32 v54, v7;
	v30 =	vld [tilespmem:s4+$0x11800];
	(v2sf) =	vpush v20, $0x0;
	s30 =	ssub.s32 s18, s0  }
0x11c: {  	v36 =	vmul.f32 v55, v7;
	v17 =	vbroadcast v17, $0x0;
	v20 =	vpop (erf);
	v42 =	vadd.s32 s30, v2  }
0x11d: {  	v29 =	vsel vm2, v34, v2;
	v31 =	vpop (erf);
	(erf) = vpow2.f32 v25;
	v56 =	vcvt.s32.f32 v42  }
0x11e: {  	[tilespmem:v27+s7+$0x0] =	vst.idx.add.f32.msk $0xffff, v32;
	v31 =	vnsel vm2, $0x0, v31;
	vm2 =	vmand vm3, vm4;
	vm3 =	vlt.u32 v16, $0x80  }
0x11f: {  	[tilespmem:v27+s8+$0x0] =	vst.idx.add.f32.msk $0xffff, v33;
	v61 =	vmul.f32 v31, v14;
	(v2sf) =	vpush v39, $0x0;
	v17 =	vsub.f32 v56, v17  }
0x120: {  	[tilespmem:v27+s22+$0x0] =	vst.idx.add.f32.msk $0xffff, v23;
	v23 =	vmul.f32 v31, v10;
	v62 =	vmul.f32 v31, v12;
	s12 =	spop (v2sf);
	(v2sf) =	vpush v30, $0x0  }
0x121: {  	v20 =	vnsel vm2, $0x0, v20;
	v25 =	vmul.f32 v31, v11;
	s0 =	smul.f32 s12, s12;
	v17 =	vmul.f32 v17, v17  }
0x122: {  	v34 =	vsel vm2, v18, v2;
	v18 =	vmul.f32 v31, v8;
	v26 =	vmul.f32 v31, v9  }
0x123: {  	v50 =	vld [tilespmem:s1+$0xFFFFFFE0];
	v44 =	vmul.f32 v20, v10;
	v45 =	vmul.f32 v20, v11;
	v17 =	vsub.f32 s0, v17  }
0x124: {  	vm1 =	vmand vm3, vm1;
	v35 =	vmul.f32 v20, v9;
	v37 =	vmul.f32 v20, v8;
	[tilespmem:v29+s9+$0x0] =	vst.idx.add.f32.msk $0xffff, v18  }
0x125: {  	v60 =	vtrunc.f32 v54;
	v16 =	vpop (erf);
	v28 =	vsel vm1, v28, v2;
	[tilespmem:v29+s2+$0x0] =	vst.idx.add.f32.msk $0xffff, v26;
	v17 =	vmul.f32 v17, v6  }
0x126: {  	v16 =	vnsel vm1, $0x0, v16;
	v41 =	vmul.f32 v20, v14;
	v43 =	vmul.f32 v20, v15;
	[tilespmem:v29+s3+$0x0] =	vst.idx.add.f32.msk $0xffff, v23  }
0x127: {  	v24 =	vmul.f32 v16, v15;
	[tilespmem:v29+s5+$0x0] =	vst.idx.add.f32.msk $0xffff, v25;
	v17 =	vmul.f32 $1.442695020e+00, v17  }
0x128: {  	v38 =	vmul.f32 v16, v8;
	v32 =	vmul.f32 v16, v12;
	[tilespmem:v34+s9+$0x0] =	vst.idx.add.f32.msk $0xffff, v37  }
0x129: {  	v46 =	vmul.f32 v16, v9;
	[tilespmem:v34+s2+$0x0] =	vst.idx.add.f32.msk $0xffff, v35;
	(erf) = vpow2.f32 v17  }
0x12a: {  	vm2 =	vlt.u32 v21, $0x80;
	v47 =	vmul.f32 v16, v10;
	v48 =	vmul.f32 v16, v11;
	[tilespmem:v28+s9+$0x0] =	vst.idx.add.f32.msk $0xffff, v38;
	s0 =	spop (v2sf)  }
0x12b: {  	vm0 =	vmand vm2, vm0;
	[tilespmem:v34+s3+$0x0] =	vst.idx.add.f32.msk $0xffff, v44;
	v42 =	vmul.f32 v20, v13;
	v30 =	vmul.f32 v20, v12;
	v20 =	vpop (erf);
	s0 =	sadd.f32 s0, s0  }
0x12c: {  	v49 =	vmul.f32 v16, v13;
	v39 =	vmul.f32 v31, v15;
	[tilespmem:v28+s2+$0x0] =	vst.idx.add.f32.msk $0xffff, v46;
	v18 =	vnsel vm0, $0x0, v20  }
0x12d: {  	[tilespmem:v34+s5+$0x0] =	vst.idx.add.f32.msk $0xffff, v45;
	v20 =	vmul.f32 v18, v15;
	s0 =	smul.f32 s0, s25;
	v17 =	vmul.f32 v31, v13  }
0x12e: {  	[tilespmem:v28+s3+$0x0] =	vst.idx.add.f32.msk $0xffff, v47;
	v22 =	vmul.f32 v18, v14;
	v25 =	vmul.f32 v18, v13;
	s12 =	spop (v2sf)  }
0x12f: {  	v23 =	vmul.f32 v18, v12;
	v26 =	vmul.f32 v18, v11;
	[tilespmem:v29+s6+$0x0] =	vst.idx.add.f32.msk $0xffff, v17;
	v17 =	vmov s0;
	s31 =	spop (v2sf)  }
0x130: {  	v60 =	vcvt.f32.s32 v60;
	v27 =	vmul.f32 v18, v10;
	[tilespmem:v29+s7+$0x0] =	vst.idx.add.f32.msk $0xffff, v62;
	v40 =	vadd.f32 v63, v17;
	s31 =	smax.f32 s31, $0.0e+00  }
0x131: {  	v31 =	vmul.f32 v16, v14;
	v16 =	vmul.f32 v50, v7;
	[tilespmem:v29+s8+$0x0] =	vst.idx.add.f32.msk $0xffff, v61;
	s31 =	smul.f32 $1.000000000e+04, s31  }
0x132: {  	v33 =	vmul.f32 v18, v9;
	v40 =	vmul.f32 v40, v54;
	v54 =	vld [tilespmem:s1+$0x10];
	v13 =	vpop (erf)  }
0x133: {  	v57 =	vadd.f32 v16, v17;
	[tilespmem:v29+s22+$0x0] =	vst.idx.add.f32.msk $0xffff, v39;
	v12 =	vmul.f32 s31, v13;
	v13 =	vadd.s32 s30, v5;
	s30 =	simm.s32 $0x14620  }
0x134: {  	v52 =	vmul.f32 v18, v8;
	v10 =	vshll.u32 v21, $0x6;
	v36 =	vadd.f32 v36, v17;
	v51 =	vld [tilespmem:s30+$0xFFFFFFE0]  }
0x135: {  	v57 =	vmul.f32 v57, v50;
	v29 =	vtrunc.f32 v55;
	vm2 =	vlt.u32 v13, $0x15;
	v53 =	vld [tilespmem:s30+$0x0]  }
0x136: {  	v36 =	vmul.f32 v36, v55;
	v29 =	vcvt.f32.s32 v29;
	v56 =	vld [tilespmem:s30+$0xFFFFFFF0];
	v14 =	vnsel vm2, $0x0, v12  }
0x137: {  	[tilespmem:v28+s5+$0x0] =	vst.idx.add.f32.msk $0xffff, v48;
	s12 =	sadd.f32 s12, s12;
	s1 =	simm.s32 $0x14460;
	v62 =	vmul.f32 v54, v7;
	v12 =	vadd.s32 v19, v10;
	v9 =	vbroadcast v14, $0x0  }
0x138: {  	v47 =	vld [tilespmem:s1+$0xFFFFFFE0];
	v8 =	vbroadcast v14, $0x1;
	v11 =	vbroadcast v14, $0x2;
	v21 =	vsel vm0, v12, v2  }
0x139: {  	s12 =	smul.f32 s12, s25;
	v16 =	vld.msk [tilespmem:s4+$0x13000 ss:$0x0], $0xffff;
	v10 =	vbroadcast v14, $0x3;
	v13 =	vbroadcast v14, $0x4  }
0x13a: {  	[tilespmem:v28+s6+$0x0] =	vst.idx.add.f32.msk $0xffff, v49;
	v19 =	vmul.f32 v51, v7;
	v58 =	vmul.f32 v53, v7  }
0x13b: {  	[tilespmem:v34+s6+$0x0] =	vst.idx.add.f32.msk $0xffff, v42;
	v18 =	vmov s12;
	v12 =	vbroadcast v14, $0x5;
	v61 =	vmul.f32 v56, v7  }
0x13c: {  	[tilespmem:v28+s7+$0x0] =	vst.idx.add.f32.msk $0xffff, v32;
	v15 =	vbroadcast v14, $0x6;
	v19 =	vadd.f32 v19, v18;
	v58 =	vadd.f32 v58, v18  }
0x13d: {  	v14 =	vbroadcast v14, $0x7;
	v61 =	vadd.f32 v61, v18;
	[tilespmem:v21+s9+$0x0] =	vst.idx.add.f32.msk $0xffff, v52;
	v52 =	vtrunc.f32 v47  }
0x13e: {  	v37 =	vadd.s32 v60, v16;
	v59 =	vmul.f32 v19, v51;
	v39 =	vmul.f32 v58, v53  }
0x13f: {  	[tilespmem:v34+s7+$0x0] =	vst.idx.add.f32.msk $0xffff, v30;
	v29 =	vadd.s32 v29, v16;
	v53 =	vtrunc.f32 v53;
	v58 =	vmul.f32 v61, v56  }
0x140: {  	v19 =	vld.msk [tilespmem:s4+$0x13800 ss:$0x0], $0xffff;
	v61 =	vtrunc.f32 v50;
	v50 =	vadd.f32 v62, v17;
	v62 =	vtrunc.f32 v54  }
0x141: {  	[tilespmem:v34+s8+$0x0] =	vst.idx.add.f32.msk $0xffff, v41;
	vm1 =	vlt.u32 v37, $0x80;
	v60 =	vcvt.f32.s32 v53;
	v44 =	vcvt.f32.s32 v61  }
0x142: {  	v53 =	vtrunc.f32 v56;
	v57 =	vadd.f32 v59, v57;
	v59 =	vld [tilespmem:s30+$0x10];
	v40 =	vadd.f32 v58, v40  }
0x143: {  	[tilespmem:v34+s22+$0x0] =	vst.idx.add.f32.msk $0xffff, v43;
	v30 =	vcvt.f32.s32 v53;
	v36 =	vadd.f32 v39, v36;
	v39 =	vcvt.f32.s32 v62  }
0x144: {  	[tilespmem:v28+s8+$0x0] =	vst.idx.add.f32.msk $0xffff, v31;
	v37 =	vshll.u32 v37, $0x6;
	v56 =	vmul.f32 $1.442695020e+00, v57;
	v57 =	vmul.f32 v50, v54  }
0x145: {  	[tilespmem:v28+s22+$0x0] =	vst.idx.add.f32.msk $0xffff, v24;
	v40 =	vmul.f32 $1.442695020e+00, v40;
	v35 =	vadd.s32 v60, v19;
	v60 =	vtrunc.f32 v51  }
0x146: {  	vm3 =	vlt.u32 v29, $0x80;
	[tilespmem:v21+s2+$0x0] =	vst.idx.add.f32.msk $0xffff, v33;
	(erf) = vpow2.f32 v56;
	v38 =	vcvt.f32.s32 v60  }
0x147: {  	s12 =	simm.s32 $0x14660;
	[tilespmem:v21+s3+$0x0] =	vst.idx.add.f32.msk $0xffff, v27;
	v31 =	vadd.s32 v44, v16;
	v63 =	vmul.f32 v59, v7;
	(erf) = vpow2.f32 v40  }
0x148: {  	v62 =	vld [tilespmem:s12+$0xFFFFFFE0];
	v39 =	vadd.s32 v39, v16;
	v32 =	vmul.f32 $1.442695020e+00, v36;
	vm14 =	vlt.u32 v31, $0x80  }
0x149: {  	v30 =	vadd.s32 v30, v19;
	v51 =	vadd.s32 v38, v19;
	v38 =	vld [tilespmem:s1+$0xFFFFFFF0];
	v55 =	vadd.f32 v63, v18  }
0x14a: {  	v54 =	vshll.u32 v39, $0x6;
	vm0 =	vlt.u32 v35, $0x40;
	vm2 =	vlt.u32 v30, $0x40;
	v63 =	vld [tilespmem:s1+$0x0]  }
0x14b: {  	[tilespmem:v21+s5+$0x0] =	vst.idx.add.f32.msk $0xffff, v26;
	v30 =	vadd.s32 v30, v37;
	v61 =	vtrunc.f32 v59;
	v58 =	vmul.f32 v55, v59  }
0x14c: {  	[tilespmem:v21+s6+$0x0] =	vst.idx.add.f32.msk $0xffff, v25;
	v56 =	vshll.u32 v31, $0x6;
	vm2 =	vmand vm1, vm2;
	v40 =	vcvt.f32.s32 v61  }
0x14d: {  	[tilespmem:v21+s7+$0x0] =	vst.idx.add.f32.msk $0xffff, v23;
	v37 =	vadd.s32 v51, v56;
	v56 =	vtrunc.f32 v62;
	v34 =	vadd.f32 v58, v57  }
0x14e: {  	[tilespmem:v21+s8+$0x0] =	vst.idx.add.f32.msk $0xffff, v22;
	vm3 =	vmand vm3, vm0;
	v59 =	vmul.f32 v47, v7;
	v22 =	vmul.f32 v38, v7  }
0x14f: {  	v30 =	vsel vm2, v30, v2;
	v57 =	vld [tilespmem:s12+$0x0];
	v28 =	vtrunc.f32 v63;
	v34 =	vmul.f32 $1.442695020e+00, v34;
	v24 =	vpop (erf)  }
0x150: {  	vm5 =	vlt.u32 v51, $0x40;
	v55 =	vmul.f32 v63, v7;
	v28 =	vcvt.f32.s32 v28;
	v31 =	vpop (erf)  }
0x151: {  	(erf) = vpow2.f32 v34;
	v31 =	vnsel vm2, $0x0, v31;
	vm2 =	vmand vm14, vm5  }
0x152: {  	v42 =	vmul.f32 v31, v14;
	v44 =	vsel vm2, v37, v2;
	v37 =	vmul.f32 v31, v15  }
0x153: {  	v60 =	vadd.f32 v22, v17;
	v27 =	vmul.f32 v31, v11;
	v45 =	vmul.f32 v31, v12  }
0x154: {  	v43 =	vnsel vm2, $0x0, v24;
	v24 =	vtrunc.f32 v38;
	v58 =	vmul.f32 v57, v7  }
0x155: {  	vm0 =	vlt.u32 v39, $0x80;
	v48 =	vmul.f32 v31, v10;
	v50 =	vmul.f32 v31, v13  }
0x156: {  	[tilespmem:v21+s22+$0x0] =	vst.idx.add.f32.msk $0xffff, v20;
	v53 =	vadd.s32 v40, v19;
	v20 =	vtrunc.f32 v57;
	v38 =	vmul.f32 v60, v38  }
0x157: {  	vm1 =	vlt.u32 v53, $0x40;
	(erf) = vpow2.f32 v32;
	v33 =	vmul.f32 v43, v12  }
0x158: {  	v36 =	vld [tilespmem:s12+$0xFFFFFFF0];
	v39 =	vmul.f32 v43, v11;
	v25 =	vcvt.f32.s32 v24;
	v21 =	vadd.f32 v58, v18  }
0x159: {  	vm1 =	vmand vm0, vm1;
	v46 =	vmul.f32 v43, v10;
	v51 =	vmul.f32 v43, v8  }
0x15a: {  	v34 =	vadd.s32 v53, v54;
	v40 =	vmul.f32 v21, v57;
	v21 =	vmul.f32 v43, v9  }
0x15b: {  	v49 =	vld [tilespmem:s12+$0x10];
	v53 =	vadd.f32 v59, v17;
	v20 =	vcvt.f32.s32 v20;
	v54 =	vmul.f32 v43, v13;
	v26 =	vpop (erf)  }
0x15c: {  	v25 =	vadd.s32 v25, v16;
	[tilespmem:v44+s9+$0x0] =	vst.idx.add.f32.msk $0xffff, v21;
	v24 =	vnsel vm1, $0x0, v26;
	v26 =	vadd.f32 v55, v17  }
0x15d: {  	v61 =	vld [tilespmem:s1+$0x10];
	v21 =	vadd.s32 v28, v16;
	v28 =	vmul.f32 v53, v47;
	v53 =	vmul.f32 v36, v7  }
0x15e: {  	[tilespmem:v44+s2+$0x0] =	vst.idx.add.f32.msk $0xffff, v51;
	v41 =	vmul.f32 v26, v63;
	v26 =	vshll.u32 v29, $0x6;
	v29 =	vmul.f32 v31, v9  }
0x15f: {  	v58 =	vcvt.f32.s32 v56;
	[tilespmem:v44+s3+$0x0] =	vst.idx.add.f32.msk $0xffff, v39;
	v32 =	vadd.f32 v53, v18;
	v31 =	vmul.f32 v31, v8  }
0x160: {  	v20 =	vadd.s32 v20, v19;
	vm2 =	vlt.u32 v25, $0x80;
	v57 =	vtrunc.f32 v49;
	[tilespmem:v30+s9+$0x0] =	vst.idx.add.f32.msk $0xffff, v29  }
0x161: {  	vm0 =	vlt.u32 v20, $0x40;
	v23 =	vmul.f32 v24, v14;
	v60 =	vmul.f32 v32, v36;
	[tilespmem:v30+s2+$0x0] =	vst.idx.add.f32.msk $0xffff, v31  }
0x162: {  	v25 =	vshll.u32 v25, $0x6;
	v63 =	vmul.f32 v49, v7;
	[tilespmem:v30+s3+$0x0] =	vst.idx.add.f32.msk $0xffff, v27;
	v27 =	vmul.f32 v62, v7  }
0x163: {  	[tilespmem:v44+s5+$0x0] =	vst.idx.add.f32.msk $0xffff, v46;
	v22 =	vadd.s32 v35, v26;
	v26 =	vcvt.f32.s32 v52;
	v29 =	vtrunc.f32 v36  }
0x164: {  	[tilespmem:v44+s6+$0x0] =	vst.idx.add.f32.msk $0xffff, v54;
	v22 =	vsel vm3, v22, v2;
	v29 =	vcvt.f32.s32 v29;
	v27 =	vadd.f32 v27, v18  }
0x165: {  	v40 =	vadd.f32 v40, v41;
	v52 =	vadd.f32 v63, v18;
	v31 =	vmul.f32 v61, v7  }
0x166: {  	[tilespmem:v44+s7+$0x0] =	vst.idx.add.f32.msk $0xffff, v33;
	v36 =	vtrunc.f32 v61;
	v63 =	vpop (erf);
	v29 =	vadd.s32 v29, v19;
	v27 =	vmul.f32 v27, v62  }
0x167: {  	[tilespmem:v30+s5+$0x0] =	vst.idx.add.f32.msk $0xffff, v48;
	v59 =	vadd.f32 v31, v17;
	v31 =	vadd.s32 v58, v19;
	v35 =	vnsel vm3, $0x0, v63  }
0x168: {  	vm15 =	vlt.u32 v29, $0x40;
	[tilespmem:v30+s6+$0x0] =	vst.idx.add.f32.msk $0xffff, v50;
	v32 =	vadd.s32 v29, v25;
	v25 =	vadd.f32 v27, v28  }
0x169: {  	[tilespmem:v30+s7+$0x0] =	vst.idx.add.f32.msk $0xffff, v45;
	v27 =	vadd.f32 v60, v38;
	v28 =	vcvt.f32.s32 v57;
	v38 =	vmul.f32 v59, v61  }
0x16a: {  	vm2 =	vmand vm2, vm15;
	[tilespmem:v30+s8+$0x0] =	vst.idx.add.f32.msk $0xffff, v37;
	v61 =	vmul.f32 v43, v15;
	v29 =	vmul.f32 $1.442695020e+00, v25  }
0x16b: {  	v37 =	vsel vm1, v34, v2;
	v62 =	vmul.f32 v43, v14;
	[tilespmem:v30+s22+$0x0] =	vst.idx.add.f32.msk $0xffff, v42;
	v30 =	vmul.f32 $1.442695020e+00, v27  }
0x16c: {  	v28 =	vadd.s32 v28, v19;
	v25 =	vmul.f32 $1.442695020e+00, v40;
	[tilespmem:v44+s8+$0x0] =	vst.idx.add.f32.msk $0xffff, v61;
	(erf) = vpow2.f32 v29  }
0x16d: {  	s31 =	simm.s32 $0x146A0;
	s4 =	simm.s32 $0x144A0;
	s30 =	simm.s32 $0x4;
	v27 =	vmul.f32 v52, v49;
	vm1 =	vlt.u32 v28, $0x40;
	[tilespmem:v44+s22+$0x0] =	vst.idx.add.f32.msk $0xffff, v62;
	(erf) = vpow2.f32 v30  }
.LBB2_8:
0x16e: {  	v39 =	vld [tilespmem:s31+$0x0];
	s30 =	sadd.s32 $0x4, s30;
	v26 =	vadd.s32 v26, v16;
	v29 =	vcvt.f32.s32 v36;
	v30 =	vmul.f32 v24, v9  }
0x16f: {  	v33 =	vmul.f32 v24, v12;
	v36 =	vld [tilespmem:s4+$0x0];
	p0 =	slt.u32 s30, $0x18;
	v27 =	vadd.f32 v27, v38;
	v38 =	vmul.f32 v24, v15  }
0x170: {  	vm3 =	vlt.u32 v21, $0x80;
	v34 =	vmul.f32 v24, v11;
	[tilespmem:v37+s9+$0x0] =	vst.idx.add.f32.msk $0xffff, v30;
	v30 =	vmul.f32 v24, v8  }
0x171: {  	v42 =	vmul.f32 v35, v14;
	v41 =	vadd.s32 v29, v16;
	v40 =	vld [tilespmem:s4+$0xFFFFFFF0];
	v27 =	vmul.f32 $1.442695020e+00, v27  }
0x172: {  	v29 =	vshll.u32 v41, $0x6;
	[tilespmem:v37+s2+$0x0] =	vst.idx.add.f32.msk $0xffff, v30;
	v30 =	vmul.f32 v24, v10;
	v24 =	vmul.f32 v24, v13  }
0x173: {  	v43 =	vmul.f32 v35, v15;
	v28 =	vadd.s32 v28, v29;
	(erf) = vpow2.f32 v27;
	[tilespmem:v37+s3+$0x0] =	vst.idx.add.f32.msk $0xffff, v34  }
0x174: {  	v29 =	vsel vm2, v32, v2;
	v44 =	vld [tilespmem:s4+$0xFFFFFFE0];
	v45 =	vtrunc.f32 v36;
	v46 =	vmul.f32 v36, v7  }
0x175: {  	v48 =	vmul.f32 v35, v13;
	v49 =	vmul.f32 v35, v12;
	v34 =	vshll.u32 v26, $0x6;
	v27 =	vld [tilespmem:s31+$0x10];
	v47 =	vpop (erf)  }
0x176: {  	v50 =	vmul.f32 v35, v10;
	vm4 =	vlt.u32 v26, $0x80;
	v26 =	vadd.s32 v31, v34;
	v32 =	vpop (erf);
	[tilespmem:v37+s5+$0x0] =	vst.idx.add.f32.msk $0xffff, v30  }
0x177: {  	vm5 =	vlt.u32 v31, $0x40;
	v31 =	vnsel vm2, $0x0, v32;
	v32 =	vmul.f32 v35, v11;
	[tilespmem:v37+s6+$0x0] =	vst.idx.add.f32.msk $0xffff, v24  }
0x178: {  	vm2 =	vmand vm4, vm5;
	v24 =	vmul.f32 v35, v8;
	v34 =	vmul.f32 v31, v14;
	[tilespmem:v37+s7+$0x0] =	vst.idx.add.f32.msk $0xffff, v33  }
0x179: {  	v51 =	vmul.f32 v35, v9;
	v33 =	vnsel vm2, $0x0, v47;
	v30 =	vsel vm2, v26, v2;
	[tilespmem:v37+s8+$0x0] =	vst.idx.add.f32.msk $0xffff, v38  }
0x17a: {  	vm3 =	vmand vm3, vm0;
	v35 =	vmul.f32 v33, v12;
	v38 =	vmul.f32 v31, v15;
	[tilespmem:v37+s22+$0x0] =	vst.idx.add.f32.msk $0xffff, v23  }
0x17b: {  	vm0 =	vlt.u32 v41, $0x80;
	v47 =	vmul.f32 v31, v12;
	v37 =	vmul.f32 v31, v11;
	[tilespmem:v22+s9+$0x0] =	vst.idx.add.f32.msk $0xffff, v51  }
0x17c: {  	vm1 =	vmand vm0, vm1;
	v41 =	vmul.f32 v33, v11;
	v23 =	vtrunc.f32 v40;
	v26 =	vpop (erf);
	[tilespmem:v22+s2+$0x0] =	vst.idx.add.f32.msk $0xffff, v24  }
0x17d: {  	v23 =	vcvt.f32.s32 v23;
	v51 =	vmul.f32 v33, v10;
	v24 =	vnsel vm1, $0x0, v26;
	[tilespmem:v22+s3+$0x0] =	vst.idx.add.f32.msk $0xffff, v32  }
0x17e: {  	v52 =	vmul.f32 v31, v10;
	v26 =	vadd.f32 v46, v17;
	v46 =	vmul.f32 v39, v7;
	v32 =	vld [tilespmem:s31+$0xFFFFFFF0]  }
0x17f: {  	v45 =	vcvt.f32.s32 v45;
	v53 =	vadd.s32 v23, v16;
	v23 =	vmul.f32 v24, v14;
	[tilespmem:v22+s5+$0x0] =	vst.idx.add.f32.msk $0xffff, v50  }
0x180: {  	vm2 =	vlt.u32 v53, $0x80;
	v36 =	vmul.f32 v26, v36;
	v50 =	vmul.f32 v31, v13;
	[tilespmem:v22+s6+$0x0] =	vst.idx.add.f32.msk $0xffff, v48  }
0x181: {  	v21 =	vshll.u32 v21, $0x6;
	v26 =	vmul.f32 v40, v7;
	v48 =	vmul.f32 v33, v8;
	[tilespmem:v22+s7+$0x0] =	vst.idx.add.f32.msk $0xffff, v49  }
0x182: {  	v54 =	vmul.f32 v31, v9;
	v46 =	vadd.f32 v46, v18;
	v49 =	vtrunc.f32 v39;
	[tilespmem:v22+s8+$0x0] =	vst.idx.add.f32.msk $0xffff, v43  }
0x183: {  	v55 =	vmul.f32 v44, v7;
	v56 =	vadd.f32 v26, v17;
	v43 =	vtrunc.f32 v44;
	[tilespmem:v22+s22+$0x0] =	vst.idx.add.f32.msk $0xffff, v42  }
0x184: {  	v20 =	vadd.s32 v20, v21;
	v39 =	vmul.f32 v46, v39;
	v22 =	vmul.f32 v33, v9;
	v42 =	vld [tilespmem:s4+$0x10]  }
0x185: {  	v55 =	vadd.f32 v55, v17;
	v21 =	vcvt.f32.s32 v49;
	v49 =	vmul.f32 v27, v7;
	v46 =	vld [tilespmem:s31+$0xFFFFFFE0]  }
0x186: {  	v31 =	vmul.f32 v31, v8;
	v26 =	vcvt.f32.s32 v43;
	[tilespmem:v30+s9+$0x0] =	vst.idx.add.f32.msk $0xffff, v22;
	v22 =	vsel vm3, v20, v2  }
0x187: {  	v40 =	vmul.f32 v56, v40;
	v20 =	vadd.s32 v21, v19;
	[tilespmem:v29+s9+$0x0] =	vst.idx.add.f32.msk $0xffff, v54;
	(erf) = vpow2.f32 v25  }
0x188: {  	v39 =	vadd.f32 v39, v36;
	v21 =	vadd.s32 v45, v16;
	v25 =	vtrunc.f32 v32;
	[tilespmem:v29+s2+$0x0] =	vst.idx.add.f32.msk $0xffff, v31  }
0x189: {  	v36 =	vmul.f32 v55, v44;
	vm0 =	vlt.u32 v20, $0x40;
	v31 =	vmul.f32 v42, v7;
	[tilespmem:v29+s3+$0x0] =	vst.idx.add.f32.msk $0xffff, v37  }
0x18a: {  	v43 =	vadd.f32 v49, v18;
	v25 =	vcvt.f32.s32 v25;
	v37 =	vmul.f32 v46, v7;
	[tilespmem:v29+s5+$0x0] =	vst.idx.add.f32.msk $0xffff, v52  }
0x18b: {  	v44 =	vmul.f32 v32, v7;
	v45 =	vshll.u32 v53, $0x6;
	[tilespmem:v30+s2+$0x0] =	vst.idx.add.f32.msk $0xffff, v48;
	v48 =	vmul.f32 v33, v13  }
0x18c: {  	v49 =	vtrunc.f32 v46;
	v25 =	vadd.s32 v25, v19;
	v37 =	vadd.f32 v37, v18;
	[tilespmem:v30+s3+$0x0] =	vst.idx.add.f32.msk $0xffff, v41  }
0x18d: {  	vm4 =	vlt.u32 v25, $0x40;
	v41 =	vadd.f32 v44, v18;
	v44 =	vtrunc.f32 v27;
	[tilespmem:v30+s5+$0x0] =	vst.idx.add.f32.msk $0xffff, v51  }
0x18e: {  	v49 =	vcvt.f32.s32 v49;
	v37 =	vmul.f32 v37, v46;
	v46 =	vadd.f32 v31, v17;
	[tilespmem:v29+s6+$0x0] =	vst.idx.add.f32.msk $0xffff, v50  }
0x18f: {  	vm2 =	vmand vm2, vm4;
	v41 =	vmul.f32 v41, v32;
	v32 =	vadd.s32 v25, v45;
	[tilespmem:v29+s7+$0x0] =	vst.idx.add.f32.msk $0xffff, v47  }
0x190: {  	v31 =	vadd.s32 v49, v19;
	v25 =	vadd.f32 v37, v36;
	v36 =	vtrunc.f32 v42;
	[tilespmem:v29+s8+$0x0] =	vst.idx.add.f32.msk $0xffff, v38;
	v45 =	vpop (erf)  }
.Ltmp5:
0x191: {  	v40 =	vadd.f32 v41, v40;
	v41 =	vcvt.f32.s32 v44;
	v38 =	vmul.f32 v46, v42;
	[tilespmem:v30+s6+$0x0] =	vst.idx.add.f32.msk $0xffff, v48;
	(pc) =	sbr.rel @p0 .LBB2_8-.Ltmp5, $4  }
0x192: {  	v44 =	vmul.f32 v33, v15;
	v37 =	vsel vm1, v28, v2;
	v42 =	vmul.f32 $1.442695020e+00, v25;
	[tilespmem:v29+s22+$0x0] =	vst.idx.add.f32.msk $0xffff, v34  }
0x193: {  	v33 =	vmul.f32 v33, v14;
	v29 =	vmul.f32 $1.442695020e+00, v40;
	v28 =	vadd.s32 v41, v19;
	[tilespmem:v30+s7+$0x0] =	vst.idx.add.f32.msk $0xffff, v35  }
0x194: {  	v25 =	vmul.f32 $1.442695020e+00, v39;
	vm1 =	vlt.u32 v28, $0x40;
	(erf) = vpow2.f32 v42;
	[tilespmem:v30+s8+$0x0] =	vst.idx.add.f32.msk $0xffff, v44  }
0x195: {  	s4 =	sadd.s32 $0x40, s4;
	s31 =	sadd.s32 $0x40, s31;
	v27 =	vmul.f32 v43, v27;
	v35 =	vnsel vm3, $0x0, v45;
	(erf) = vpow2.f32 v29;
	[tilespmem:v30+s22+$0x0] =	vst.idx.add.f32.msk $0xffff, v33  }
0x196: {  	_ =	sdelay $0x1  }
0x197: {  	v17 =	vmul.f32 v24, v9  }
0x198: {  	v47 =	vmul.f32 v35, v9  }
0x199: {  	v18 =	vmul.f32 v24, v8;
	[tilespmem:v37+s9+$0x0] =	vst.idx.add.f32.msk $0xffff, v17  }
0x19a: {  	v49 =	vmul.f32 v35, v8;
	[tilespmem:v22+s9+$0x0] =	vst.idx.add.f32.msk $0xffff, v47  }
0x19b: {  	v43 =	vmul.f32 v24, v11;
	[tilespmem:v37+s2+$0x0] =	vst.idx.add.f32.msk $0xffff, v18  }
0x19c: {  	v51 =	vmul.f32 v35, v11;
	[tilespmem:v22+s2+$0x0] =	vst.idx.add.f32.msk $0xffff, v49  }
0x19d: {  	v44 =	vmul.f32 v24, v10;
	[tilespmem:v37+s3+$0x0] =	vst.idx.add.f32.msk $0xffff, v43  }
0x19e: {  	v52 =	vmul.f32 v35, v10;
	[tilespmem:v22+s3+$0x0] =	vst.idx.add.f32.msk $0xffff, v51  }
0x19f: {  	v19 =	vmul.f32 v24, v13;
	[tilespmem:v37+s5+$0x0] =	vst.idx.add.f32.msk $0xffff, v44  }
0x1a0: {  	v53 =	vmul.f32 v35, v13;
	[tilespmem:v22+s5+$0x0] =	vst.idx.add.f32.msk $0xffff, v52  }
0x1a1: {  	v45 =	vmul.f32 v24, v12;
	v48 =	vadd.s32 v26, v16;
	vm4 =	vlt.u32 v31, $0x40;
	[tilespmem:v37+s6+$0x0] =	vst.idx.add.f32.msk $0xffff, v19  }
0x1a2: {  	v55 =	vmul.f32 v35, v12;
	v50 =	vshll.u32 v48, $0x6;
	vm3 =	vlt.u32 v48, $0x80;
	[tilespmem:v22+s6+$0x0] =	vst.idx.add.f32.msk $0xffff, v53  }
0x1a3: {  	v46 =	vmul.f32 v24, v15;
	v54 =	vadd.s32 v31, v50;
	vm3 =	vmand vm3, vm4;
	[tilespmem:v37+s7+$0x0] =	vst.idx.add.f32.msk $0xffff, v45  }
0x1a4: {  	v56 =	vmul.f32 v35, v15;
	v19 =	vsel vm3, v54, v2;
	[tilespmem:v22+s7+$0x0] =	vst.idx.add.f32.msk $0xffff, v55  }
0x1a5: {  	v57 =	vsel vm2, v32, v2;
	v58 =	vpop (erf);
	[tilespmem:v37+s8+$0x0] =	vst.idx.add.f32.msk $0xffff, v46  }
0x1a6: {  	v59 =	vmul.f32 v35, v14;
	v29 =	vpop (erf);
	v26 =	vnsel vm3, $0x0, v58;
	[tilespmem:v22+s8+$0x0] =	vst.idx.add.f32.msk $0xffff, v56  }
0x1a7: {  	[tilespmem:v37+s22+$0x0] =	vst.idx.add.f32.msk $0xffff, v23;
	v60 =	vnsel vm2, $0x0, v29;
	v61 =	vmul.f32 v26, v9  }
0x1a8: {  	v27 =	vadd.f32 v27, v38;
	[tilespmem:v22+s22+$0x0] =	vst.idx.add.f32.msk $0xffff, v59;
	v29 =	vmul.f32 v60, v9  }
0x1a9: {  	v32 =	vmul.f32 v26, v8;
	[tilespmem:v19+s9+$0x0] =	vst.idx.add.f32.msk $0xffff, v61  }
0x1aa: {  	v63 =	vmul.f32 $1.442695020e+00, v27;
	v62 =	vmul.f32 v60, v8;
	[tilespmem:v57+s9+$0x0] =	vst.idx.add.f32.msk $0xffff, v29  }
0x1ab: {  	v33 =	vmul.f32 v26, v11;
	[tilespmem:v19+s2+$0x0] =	vst.idx.add.f32.msk $0xffff, v32  }
0x1ac: {  	(erf) = vpow2.f32 v63;
	v30 =	vmul.f32 v60, v11;
	[tilespmem:v57+s2+$0x0] =	vst.idx.add.f32.msk $0xffff, v62  }
0x1ad: {  	v34 =	vmul.f32 v26, v10;
	[tilespmem:v19+s3+$0x0] =	vst.idx.add.f32.msk $0xffff, v33  }
0x1ae: {  	v31 =	vmul.f32 v60, v10;
	[tilespmem:v57+s3+$0x0] =	vst.idx.add.f32.msk $0xffff, v30  }
0x1af: {  	v35 =	vcvt.f32.s32 v36;
	v41 =	vmul.f32 v26, v13;
	[tilespmem:v19+s5+$0x0] =	vst.idx.add.f32.msk $0xffff, v34  }
0x1b0: {  	(erf) = vpow2.f32 v25;
	v36 =	vmul.f32 v60, v13;
	[tilespmem:v57+s5+$0x0] =	vst.idx.add.f32.msk $0xffff, v31  }
0x1b1: {  	v38 =	vadd.s32 v35, v16;
	v44 =	vmul.f32 v26, v12;
	[tilespmem:v19+s6+$0x0] =	vst.idx.add.f32.msk $0xffff, v41  }
0x1b2: {  	v40 =	vshll.u32 v38, $0x6;
	vm14 =	vlt.u32 v38, $0x80;
	v37 =	vmul.f32 v60, v12;
	[tilespmem:v57+s6+$0x0] =	vst.idx.add.f32.msk $0xffff, v36  }
0x1b3: {  	v42 =	vadd.s32 v28, v40;
	vm1 =	vmand vm14, vm1;
	v47 =	vmul.f32 v26, v15;
	[tilespmem:v19+s7+$0x0] =	vst.idx.add.f32.msk $0xffff, v44  }
0x1b4: {  	v45 =	vsel vm1, v42, v2;
	v39 =	vmul.f32 v60, v15;
	[tilespmem:v57+s7+$0x0] =	vst.idx.add.f32.msk $0xffff, v37  }
0x1b5: {  	vm15 =	vlt.u32 v21, $0x80;
	v48 =	vmul.f32 v26, v14;
	v46 =	vpop (erf);
	[tilespmem:v19+s8+$0x0] =	vst.idx.add.f32.msk $0xffff, v47  }
0x1b6: {  	v52 =	vshll.u32 v21, $0x6;
	v43 =	vmul.f32 v60, v14;
	v18 =	vnsel vm1, $0x0, v46;
	[tilespmem:v57+s8+$0x0] =	vst.idx.add.f32.msk $0xffff, v39  }
0x1b7: {  	vm0 =	vmand vm15, vm0;
	v20 =	vadd.s32 v20, v52;
	v49 =	vmul.f32 v18, v9;
	[tilespmem:v19+s22+$0x0] =	vst.idx.add.f32.msk $0xffff, v48  }
0x1b8: {  	v55 =	vsel vm0, v20, v2;
	v50 =	vmul.f32 v18, v8;
	[tilespmem:v57+s22+$0x0] =	vst.idx.add.f32.msk $0xffff, v43  }
0x1b9: {  	v51 =	vmul.f32 v18, v11;
	v57 =	vpop (erf);
	[tilespmem:v45+s9+$0x0] =	vst.idx.add.f32.msk $0xffff, v49  }
0x1ba: {  	v53 =	vmul.f32 v18, v10;
	v17 =	vnsel vm0, $0x0, v57;
	[tilespmem:v45+s2+$0x0] =	vst.idx.add.f32.msk $0xffff, v50  }
0x1bb: {  	v59 =	vmul.f32 v17, v9;
	[tilespmem:v45+s3+$0x0] =	vst.idx.add.f32.msk $0xffff, v51  }
0x1bc: {  	v54 =	vmul.f32 v18, v13;
	[tilespmem:v45+s5+$0x0] =	vst.idx.add.f32.msk $0xffff, v53  }
0x1bd: {  	v8 =	vmul.f32 v17, v8;
	[tilespmem:v55+s9+$0x0] =	vst.idx.add.f32.msk $0xffff, v59  }
0x1be: {  	v56 =	vmul.f32 v18, v12;
	[tilespmem:v45+s6+$0x0] =	vst.idx.add.f32.msk $0xffff, v54  }
0x1bf: {  	v60 =	vmul.f32 v17, v11;
	[tilespmem:v55+s2+$0x0] =	vst.idx.add.f32.msk $0xffff, v8  }
0x1c0: {  	v58 =	vmul.f32 v18, v15;
	[tilespmem:v45+s7+$0x0] =	vst.idx.add.f32.msk $0xffff, v56  }
0x1c1: {  	v61 =	vmul.f32 v17, v10;
	[tilespmem:v55+s3+$0x0] =	vst.idx.add.f32.msk $0xffff, v60  }
0x1c2: {  	s29 =	sadd.s32 $0x2, s29;
	v18 =	vmul.f32 v18, v14;
	[tilespmem:v45+s8+$0x0] =	vst.idx.add.f32.msk $0xffff, v58  }
0x1c3: {  	p0 =	slt.s32 s29, s28;
	v8 =	vmul.f32 v17, v13;
	[tilespmem:v55+s5+$0x0] =	vst.idx.add.f32.msk $0xffff, v61  }
.Ltmp6:
0x1c4: {  	v62 =	vmul.f32 v17, v12;
	[tilespmem:v45+s22+$0x0] =	vst.idx.add.f32.msk $0xffff, v18;
	(pc) =	sbr.rel @p0 .LBB2_5-.Ltmp6, $4  }
0x1c5: {  	v63 =	vmul.f32 v17, v15;
	[tilespmem:v55+s6+$0x0] =	vst.idx.add.f32.msk $0xffff, v8  }
0x1c6: {  	v8 =	vmul.f32 v17, v14;
	[tilespmem:v55+s7+$0x0] =	vst.idx.add.f32.msk $0xffff, v62  }
0x1c7: {  	[tilespmem:v55+s8+$0x0] =	vst.idx.add.f32.msk $0xffff, v63  }
0x1c8: {  	[tilespmem:v55+s22+$0x0] =	vst.idx.add.f32.msk $0xffff, v8  }
.LBB2_10:
0x1c9: {  	p0 =	sge.s32 s28, s26  }
.Ltmp7:
0x1ca: {  	_ = 	snop;
	(pc) =	sbr.rel @p0 .LBB2_14-.Ltmp7, $1  }
0x1cb: {  	_ =	sdelay $0x3  }
.LBB2_11:
0x1cc: {  	v8 =	vld [tilespmem:s28+$0x14A00];
	_ =	sdelay $0x4  }
0x1cd: {  	(v2sf) =	vpush v8, $0x0;
	_ =	sdelay $0xe  }
0x1ce: {  	s4 =	spop (v2sf)  }
0x1cf: {  	v8 =	vld [tilespmem:s4+$0x12800];
	_ =	sdelay $0x4  }
0x1d0: {  	(v2sf) =	vpush v8, $0x0  }
0x1d1: {  	v8 =	vld [tilespmem:s4+$0x11000];
	_ =	sdelay $0x4  }
0x1d2: {  	(v2sf) =	vpush v8, $0x0;
	_ =	sdelay $0x2  }
0x1d3: {  	v9 =	vld [tilespmem:s4+$0x10800];
	_ =	sdelay $0x2  }
0x1d4: {  	v10 =	vld [tilespmem:s4+$0x10000];
	_ =	sdelay $0x1  }
0x1d5: {  	(v2sf) =	vpush v9, $0x0  }
0x1d6: {  	s0 =	spop (v2sf)  }
0x1d7: {  	v11 =	vld [tilespmem:s4+$0x11800];
	s0 =	ssub.s32 s18, s0  }
0x1d8: {  	(v2sf) =	vpush v10, $0x0;
	v12 =	vadd.s32 s0, v2  }
0x1d9: {  	v8 =	vbroadcast v8, $0x0;
	v12 =	vcvt.s32.f32 v12;
	_ =	sdelay $0x1  }
0x1da: {  	v8 =	vsub.f32 v12, v8  }
0x1db: {  	s1 =	spop (v2sf);
	(v2sf) =	vpush v11, $0x0  }
0x1dc: {  	s1 =	smul.f32 s1, s1;
	v8 =	vmul.f32 v8, v8;
	_ =	sdelay $0x1  }
0x1dd: {  	v8 =	vsub.f32 s1, v8;
	_ =	sdelay $0x1  }
0x1de: {  	v8 =	vmul.f32 v8, v6  }
0x1df: {  	v9 =	vadd.s32 s0, v5;
	s0 =	simm.s32 $0x14420  }
0x1e0: {  	v16 =	vld [tilespmem:s0+$0x0];
	v8 =	vmul.f32 $1.442695020e+00, v8  }
0x1e1: {  	v20 =	vld [tilespmem:s0+$0xFFFFFFF0];
	s31 =	spop (v2sf)  }
0x1e2: {  	s1 =	sadd.f32 s31, s31;
	(erf) = vpow2.f32 v8;
	_ =	sdelay $0x1  }
0x1e3: {  	s1 =	smul.f32 s1, s25;
	s12 =	spop (v2sf)  }
0x1e4: {  	v22 =	vld [tilespmem:s0+$0xFFFFFFE0];
	v18 =	vmul.f32 v16, v7;
	s12 =	sadd.f32 s12, s12  }
0x1e5: {  	v34 =	vld [tilespmem:s0+$0x10];
	v19 =	vtrunc.f32 v20;
	v17 =	vmov s1  }
0x1e6: {  	v25 =	vcvt.f32.s32 v19;
	v19 =	vadd.f32 v18, v17;
	s31 =	smul.f32 s12, s25  }
0x1e7: {  	s12 =	simm.s32 $0x14460;
	s29 =	spop (v2sf)  }
0x1e8: {  	v29 =	vmul.f32 v19, v16;
	v19 =	vmul.f32 v20, v7;
	v42 =	vld [tilespmem:s12+$0xFFFFFFE0];
	v18 =	vmov s31;
	s31 =	simm.s32 $0x14660;
	s29 =	smax.f32 s29, $0.0e+00  }
0x1e9: {  	v24 =	vtrunc.f32 v16;
	v31 =	vmul.f32 v22, v7;
	v47 =	vld [tilespmem:s31+$0x10];
	s29 =	smul.f32 $1.000000000e+04, s29  }
0x1ea: {  	v32 =	vtrunc.f32 v22;
	v60 =	vmul.f32 v34, v7;
	v33 =	vadd.f32 v19, v17;
	v8 =	vpop (erf)  }
0x1eb: {  	v24 =	vcvt.f32.s32 v24;
	v16 =	vld.msk [tilespmem:s4+$0x13000 ss:$0x0], $0xffff;
	v8 =	vmul.f32 s29, v8;
	s29 =	simm.s32 $0x14620  }
0x1ec: {  	v32 =	vcvt.f32.s32 v32;
	v20 =	vmul.f32 v33, v20;
	v21 =	vld [tilespmem:s29+$0x0]  }
0x1ed: {  	vm0 =	vlt.u32 v9, $0x15;
	v52 =	vtrunc.f32 v42;
	v53 =	vmul.f32 v42, v7  }
0x1ee: {  	v19 =	vld.msk [tilespmem:s4+$0x13800 ss:$0x0], $0xffff;
	v56 =	vmul.f32 v47, v7;
	v58 =	vtrunc.f32 v47;
	v15 =	vnsel vm0, $0x0, v8  }
0x1ef: {  	v23 =	vld [tilespmem:s29+$0xFFFFFFE0];
	v14 =	vbroadcast v15, $0x0;
	v11 =	vbroadcast v15, $0x1  }
0x1f0: {  	v25 =	vadd.s32 v25, v16;
	v51 =	vld [tilespmem:s31+$0xFFFFFFF0];
	v12 =	vbroadcast v15, $0x2;
	v8 =	vbroadcast v15, $0x3  }
0x1f1: {  	v26 =	vld [tilespmem:s29+$0xFFFFFFF0];
	v53 =	vadd.f32 v53, v17;
	v13 =	vbroadcast v15, $0x4;
	v28 =	vmul.f32 v21, v7  }
0x1f2: {  	vm1 =	vlt.u32 v25, $0x80;
	v27 =	vld [tilespmem:s29+$0x10];
	v9 =	vbroadcast v15, $0x5;
	v10 =	vbroadcast v15, $0x6  }
0x1f3: {  	v15 =	vbroadcast v15, $0x7;
	v42 =	vmul.f32 v53, v42;
	v28 =	vadd.f32 v28, v18  }
0x1f4: {  	v25 =	vshll.u32 v25, $0x6;
	v30 =	vtrunc.f32 v21;
	v35 =	vmul.f32 v23, v7  }
0x1f5: {  	v30 =	vcvt.f32.s32 v30;
	v21 =	vmul.f32 v28, v21;
	v28 =	vadd.f32 v31, v17  }
0x1f6: {  	v53 =	vmul.f32 v51, v7;
	v35 =	vadd.f32 v35, v18;
	v31 =	vmul.f32 v26, v7  }
0x1f7: {  	v36 =	vmul.f32 v27, v7;
	v30 =	vadd.s32 v30, v19;
	v22 =	vmul.f32 v28, v22  }
0x1f8: {  	v31 =	vadd.f32 v31, v18;
	v28 =	vmul.f32 v35, v23;
	v23 =	vtrunc.f32 v23  }
0x1f9: {  	v54 =	vld [tilespmem:s12+$0x10];
	vm0 =	vlt.u32 v30, $0x40;
	v21 =	vadd.f32 v21, v29;
	v23 =	vcvt.f32.s32 v23  }
0x1fa: {  	v31 =	vmul.f32 v31, v26;
	v26 =	vtrunc.f32 v26;
	v22 =	vadd.f32 v28, v22  }
0x1fb: {  	v28 =	vadd.s32 v24, v16;
	v24 =	vadd.f32 v60, v17;
	v21 =	vmul.f32 $1.442695020e+00, v21  }
0x1fc: {  	v26 =	vcvt.f32.s32 v26;
	v23 =	vadd.s32 v23, v19;
	v20 =	vadd.f32 v31, v20  }
0x1fd: {  	v31 =	vadd.f32 v36, v18;
	v22 =	vmul.f32 $1.442695020e+00, v22;
	v24 =	vmul.f32 v24, v34  }
0x1fe: {  	vm3 =	vlt.u32 v28, $0x80;
	v36 =	vtrunc.f32 v54;
	v20 =	vmul.f32 $1.442695020e+00, v20  }
0x1ff: {  	vm5 =	vlt.u32 v23, $0x40;
	(erf) = vpow2.f32 v22;
	v22 =	vmul.f32 v31, v27  }
0x200: {  	vm3 =	vmand vm3, vm0;
	(erf) = vpow2.f32 v20;
	v20 =	vtrunc.f32 v27  }
0x201: {  	v22 =	vadd.f32 v22, v24;
	v24 =	vadd.s32 v26, v19;
	v26 =	vtrunc.f32 v34;
	v27 =	vld [tilespmem:s12+$0x0]  }
0x202: {  	v31 =	vld [tilespmem:s12+$0xFFFFFFF0];
	v20 =	vcvt.f32.s32 v20;
	vm2 =	vlt.u32 v24, $0x40;
	v26 =	vcvt.f32.s32 v26  }
0x203: {  	v24 =	vadd.s32 v24, v25;
	v22 =	vmul.f32 $1.442695020e+00, v22;
	vm1 =	vmand vm1, vm2  }
0x204: {  	v20 =	vadd.s32 v20, v19;
	v25 =	vadd.s32 v26, v16;
	v26 =	vadd.s32 v32, v16  }
0x205: {  	(erf) = vpow2.f32 v22;
	vm2 =	vlt.u32 v20, $0x40;
	v22 =	vshll.u32 v25, $0x6  }
0x206: {  	v29 =	vadd.s32 v20, v22;
	v20 =	vtrunc.f32 v27;
	v22 =	vmul.f32 v27, v7  }
0x207: {  	v33 =	vsel vm1, v24, v2;
	v46 =	vcvt.f32.s32 v20;
	v20 =	vmul.f32 v31, v7  }
0x208: {  	v32 =	vshll.u32 v26, $0x6;
	vm4 =	vlt.u32 v26, $0x80;
	v24 =	vpop (erf);
	v22 =	vadd.f32 v22, v17  }
0x209: {  	vm0 =	vlt.u32 v25, $0x80;
	v23 =	vadd.s32 v23, v32;
	v20 =	vadd.f32 v20, v17;
	v26 =	vpop (erf)  }
0x20a: {  	v27 =	vmul.f32 v22, v27;
	(erf) = vpow2.f32 v21;
	v61 =	vnsel vm1, $0x0, v26  }
0x20b: {  	v22 =	vshll.u32 v28, $0x6;
	v63 =	vmul.f32 v20, v31;
	v34 =	vmul.f32 v61, v15  }
0x20c: {  	vm1 =	vmand vm4, vm5;
	v37 =	vmul.f32 v61, v10;
	v62 =	vmul.f32 v61, v12  }
0x20d: {  	v39 =	vsel vm1, v23, v2;
	v38 =	vmul.f32 v61, v9;
	v23 =	vtrunc.f32 v31  }
0x20e: {  	v21 =	vadd.s32 v46, v16;
	v26 =	vld [tilespmem:s31+$0x0];
	v44 =	vmul.f32 v61, v8;
	v48 =	vmul.f32 v61, v13  }
0x20f: {  	v35 =	vnsel vm1, $0x0, v24;
	v50 =	vmul.f32 v61, v14;
	v32 =	vmul.f32 v61, v11  }
0x210: {  	v22 =	vadd.s32 v30, v22;
	v30 =	vld [tilespmem:s31+$0xFFFFFFE0];
	v31 =	vmul.f32 v54, v7;
	v40 =	vmul.f32 v35, v9  }
0x211: {  	v22 =	vsel vm3, v22, v2;
	v25 =	vmul.f32 v35, v12;
	v23 =	vcvt.f32.s32 v23;
	[tilespmem:v33+s9+$0x0] =	vst.idx.add.f32.msk $0xffff, v50  }
0x212: {  	vm1 =	vmand vm0, vm2;
	v41 =	vmul.f32 v35, v8;
	v55 =	vmul.f32 v35, v14;
	v24 =	vpop (erf);
	[tilespmem:v33+s2+$0x0] =	vst.idx.add.f32.msk $0xffff, v32  }
0x213: {  	v49 =	vmul.f32 v35, v11;
	v24 =	vnsel vm1, $0x0, v24;
	v43 =	vmul.f32 v26, v7;
	[tilespmem:v33+s3+$0x0] =	vst.idx.add.f32.msk $0xffff, v62  }
0x214: {  	v45 =	vadd.s32 v23, v16;
	v23 =	vmul.f32 v24, v15;
	v28 =	vtrunc.f32 v26;
	[tilespmem:v39+s9+$0x0] =	vst.idx.add.f32.msk $0xffff, v55  }
0x215: {  	v60 =	vadd.f32 v31, v17;
	v50 =	vmul.f32 v30, v7;
	v57 =	vtrunc.f32 v30;
	[tilespmem:v33+s5+$0x0] =	vst.idx.add.f32.msk $0xffff, v44  }
0x216: {  	vm2 =	vlt.u32 v45, $0x80;
	v62 =	vmul.f32 v35, v10;
	v28 =	vcvt.f32.s32 v28;
	[tilespmem:v39+s2+$0x0] =	vst.idx.add.f32.msk $0xffff, v49  }
0x217: {  	v59 =	vcvt.f32.s32 v57;
	v43 =	vadd.f32 v43, v18;
	v32 =	vadd.f32 v50, v18;
	[tilespmem:v33+s6+$0x0] =	vst.idx.add.f32.msk $0xffff, v48  }
0x218: {  	v20 =	vadd.s32 v28, v19;
	v28 =	vtrunc.f32 v51;
	[tilespmem:v39+s3+$0x0] =	vst.idx.add.f32.msk $0xffff, v25;
	v25 =	vadd.f32 v53, v18  }
0x219: {  	[tilespmem:v33+s7+$0x0] =	vst.idx.add.f32.msk $0xffff, v38;
	v31 =	vadd.s32 v59, v19;
	v43 =	vmul.f32 v43, v26;
	v28 =	vcvt.f32.s32 v28  }
0x21a: {  	v55 =	vshll.u32 v45, $0x6;
	v38 =	vmul.f32 v60, v54;
	[tilespmem:v39+s5+$0x0] =	vst.idx.add.f32.msk $0xffff, v41;
	v30 =	vmul.f32 v32, v30  }
0x21b: {  	v25 =	vmul.f32 v25, v51;
	v27 =	vadd.f32 v43, v27;
	v28 =	vadd.s32 v28, v19  }
0x21c: {  	[tilespmem:v33+s8+$0x0] =	vst.idx.add.f32.msk $0xffff, v37;
	v43 =	vadd.f32 v56, v18;
	v56 =	vmul.f32 v35, v13;
	vm15 =	vlt.u32 v28, $0x40  }
0x21d: {  	v32 =	vadd.s32 v28, v55;
	v28 =	vadd.f32 v30, v42;
	v25 =	vadd.f32 v25, v63  }
0x21e: {  	v26 =	vcvt.f32.s32 v52;
	vm0 =	vlt.u32 v20, $0x40;
	[tilespmem:v33+s22+$0x0] =	vst.idx.add.f32.msk $0xffff, v34;
	v30 =	vcvt.f32.s32 v58  }
0x21f: {  	v37 =	vsel vm1, v29, v2;
	[tilespmem:v39+s6+$0x0] =	vst.idx.add.f32.msk $0xffff, v56;
	v61 =	vmul.f32 $1.442695020e+00, v28;
	v29 =	vmul.f32 $1.442695020e+00, v25  }
0x220: {  	v28 =	vadd.s32 v30, v19;
	[tilespmem:v39+s7+$0x0] =	vst.idx.add.f32.msk $0xffff, v40;
	v30 =	vmul.f32 v35, v15;
	v25 =	vmul.f32 $1.442695020e+00, v27  }
0x221: {  	v63 =	vpop (erf);
	vm2 =	vmand vm2, vm15;
	v27 =	vmul.f32 v43, v47;
	[tilespmem:v39+s8+$0x0] =	vst.idx.add.f32.msk $0xffff, v62;
	(erf) = vpow2.f32 v61  }
0x222: {  	s30 =	simm.s32 $0x146A0;
	s4 =	simm.s32 $0x144A0;
	s29 =	simm.s32 $0x4;
	v35 =	vnsel vm3, $0x0, v63;
	vm1 =	vlt.u32 v28, $0x40;
	[tilespmem:v39+s22+$0x0] =	vst.idx.add.f32.msk $0xffff, v30;
	(erf) = vpow2.f32 v29  }
.LBB2_12:
0x223: {  	v39 =	vld [tilespmem:s30+$0x0];
	s29 =	sadd.s32 $0x4, s29;
	v26 =	vadd.s32 v26, v16;
	v29 =	vcvt.f32.s32 v36;
	v30 =	vmul.f32 v24, v14  }
0x224: {  	v33 =	vmul.f32 v24, v9;
	v36 =	vld [tilespmem:s4+$0x0];
	p0 =	slt.u32 s29, $0x18;
	v27 =	vadd.f32 v27, v38;
	v38 =	vmul.f32 v24, v10  }
0x225: {  	vm3 =	vlt.u32 v21, $0x80;
	v34 =	vmul.f32 v24, v12;
	[tilespmem:v37+s9+$0x0] =	vst.idx.add.f32.msk $0xffff, v30;
	v30 =	vmul.f32 v24, v11  }
0x226: {  	v42 =	vmul.f32 v35, v15;
	v41 =	vadd.s32 v29, v16;
	v40 =	vld [tilespmem:s4+$0xFFFFFFF0];
	v27 =	vmul.f32 $1.442695020e+00, v27  }
0x227: {  	v29 =	vshll.u32 v41, $0x6;
	[tilespmem:v37+s2+$0x0] =	vst.idx.add.f32.msk $0xffff, v30;
	v30 =	vmul.f32 v24, v8;
	v24 =	vmul.f32 v24, v13  }
0x228: {  	v43 =	vmul.f32 v35, v10;
	v28 =	vadd.s32 v28, v29;
	(erf) = vpow2.f32 v27;
	[tilespmem:v37+s3+$0x0] =	vst.idx.add.f32.msk $0xffff, v34  }
0x229: {  	v29 =	vsel vm2, v32, v2;
	v44 =	vld [tilespmem:s4+$0xFFFFFFE0];
	v45 =	vtrunc.f32 v36;
	v46 =	vmul.f32 v36, v7  }
0x22a: {  	v48 =	vmul.f32 v35, v13;
	v49 =	vmul.f32 v35, v9;
	v34 =	vshll.u32 v26, $0x6;
	v27 =	vld [tilespmem:s30+$0x10];
	v47 =	vpop (erf)  }
0x22b: {  	v50 =	vmul.f32 v35, v8;
	vm4 =	vlt.u32 v26, $0x80;
	v26 =	vadd.s32 v31, v34;
	v32 =	vpop (erf);
	[tilespmem:v37+s5+$0x0] =	vst.idx.add.f32.msk $0xffff, v30  }
0x22c: {  	vm5 =	vlt.u32 v31, $0x40;
	v31 =	vnsel vm2, $0x0, v32;
	v32 =	vmul.f32 v35, v12;
	[tilespmem:v37+s6+$0x0] =	vst.idx.add.f32.msk $0xffff, v24  }
0x22d: {  	vm2 =	vmand vm4, vm5;
	v24 =	vmul.f32 v35, v11;
	v34 =	vmul.f32 v31, v15;
	[tilespmem:v37+s7+$0x0] =	vst.idx.add.f32.msk $0xffff, v33  }
0x22e: {  	v51 =	vmul.f32 v35, v14;
	v33 =	vnsel vm2, $0x0, v47;
	v30 =	vsel vm2, v26, v2;
	[tilespmem:v37+s8+$0x0] =	vst.idx.add.f32.msk $0xffff, v38  }
0x22f: {  	vm3 =	vmand vm3, vm0;
	v35 =	vmul.f32 v33, v9;
	v38 =	vmul.f32 v31, v10;
	[tilespmem:v37+s22+$0x0] =	vst.idx.add.f32.msk $0xffff, v23  }
0x230: {  	vm0 =	vlt.u32 v41, $0x80;
	v47 =	vmul.f32 v31, v9;
	v37 =	vmul.f32 v31, v12;
	[tilespmem:v22+s9+$0x0] =	vst.idx.add.f32.msk $0xffff, v51  }
0x231: {  	vm1 =	vmand vm0, vm1;
	v41 =	vmul.f32 v33, v12;
	v23 =	vtrunc.f32 v40;
	v26 =	vpop (erf);
	[tilespmem:v22+s2+$0x0] =	vst.idx.add.f32.msk $0xffff, v24  }
0x232: {  	v23 =	vcvt.f32.s32 v23;
	v51 =	vmul.f32 v33, v8;
	v24 =	vnsel vm1, $0x0, v26;
	[tilespmem:v22+s3+$0x0] =	vst.idx.add.f32.msk $0xffff, v32  }
0x233: {  	v52 =	vmul.f32 v31, v8;
	v26 =	vadd.f32 v46, v17;
	v46 =	vmul.f32 v39, v7;
	v32 =	vld [tilespmem:s30+$0xFFFFFFF0]  }
0x234: {  	v45 =	vcvt.f32.s32 v45;
	v53 =	vadd.s32 v23, v16;
	v23 =	vmul.f32 v24, v15;
	[tilespmem:v22+s5+$0x0] =	vst.idx.add.f32.msk $0xffff, v50  }
0x235: {  	vm2 =	vlt.u32 v53, $0x80;
	v36 =	vmul.f32 v26, v36;
	v50 =	vmul.f32 v31, v13;
	[tilespmem:v22+s6+$0x0] =	vst.idx.add.f32.msk $0xffff, v48  }
0x236: {  	v21 =	vshll.u32 v21, $0x6;
	v26 =	vmul.f32 v40, v7;
	v48 =	vmul.f32 v33, v11;
	[tilespmem:v22+s7+$0x0] =	vst.idx.add.f32.msk $0xffff, v49  }
0x237: {  	v54 =	vmul.f32 v31, v14;
	v46 =	vadd.f32 v46, v18;
	v49 =	vtrunc.f32 v39;
	[tilespmem:v22+s8+$0x0] =	vst.idx.add.f32.msk $0xffff, v43  }
0x238: {  	v55 =	vmul.f32 v44, v7;
	v56 =	vadd.f32 v26, v17;
	v43 =	vtrunc.f32 v44;
	[tilespmem:v22+s22+$0x0] =	vst.idx.add.f32.msk $0xffff, v42  }
0x239: {  	v20 =	vadd.s32 v20, v21;
	v39 =	vmul.f32 v46, v39;
	v22 =	vmul.f32 v33, v14;
	v42 =	vld [tilespmem:s4+$0x10]  }
0x23a: {  	v55 =	vadd.f32 v55, v17;
	v21 =	vcvt.f32.s32 v49;
	v49 =	vmul.f32 v27, v7;
	v46 =	vld [tilespmem:s30+$0xFFFFFFE0]  }
0x23b: {  	v31 =	vmul.f32 v31, v11;
	v26 =	vcvt.f32.s32 v43;
	[tilespmem:v30+s9+$0x0] =	vst.idx.add.f32.msk $0xffff, v22;
	v22 =	vsel vm3, v20, v2  }
0x23c: {  	v40 =	vmul.f32 v56, v40;
	v20 =	vadd.s32 v21, v19;
	[tilespmem:v29+s9+$0x0] =	vst.idx.add.f32.msk $0xffff, v54;
	(erf) = vpow2.f32 v25  }
0x23d: {  	v39 =	vadd.f32 v39, v36;
	v21 =	vadd.s32 v45, v16;
	v25 =	vtrunc.f32 v32;
	[tilespmem:v29+s2+$0x0] =	vst.idx.add.f32.msk $0xffff, v31  }
0x23e: {  	v36 =	vmul.f32 v55, v44;
	vm0 =	vlt.u32 v20, $0x40;
	v31 =	vmul.f32 v42, v7;
	[tilespmem:v29+s3+$0x0] =	vst.idx.add.f32.msk $0xffff, v37  }
0x23f: {  	v43 =	vadd.f32 v49, v18;
	v25 =	vcvt.f32.s32 v25;
	v37 =	vmul.f32 v46, v7;
	[tilespmem:v29+s5+$0x0] =	vst.idx.add.f32.msk $0xffff, v52  }
0x240: {  	v44 =	vmul.f32 v32, v7;
	v45 =	vshll.u32 v53, $0x6;
	[tilespmem:v30+s2+$0x0] =	vst.idx.add.f32.msk $0xffff, v48;
	v48 =	vmul.f32 v33, v13  }
0x241: {  	v49 =	vtrunc.f32 v46;
	v25 =	vadd.s32 v25, v19;
	v37 =	vadd.f32 v37, v18;
	[tilespmem:v30+s3+$0x0] =	vst.idx.add.f32.msk $0xffff, v41  }
0x242: {  	vm4 =	vlt.u32 v25, $0x40;
	v41 =	vadd.f32 v44, v18;
	v44 =	vtrunc.f32 v27;
	[tilespmem:v30+s5+$0x0] =	vst.idx.add.f32.msk $0xffff, v51  }
0x243: {  	v49 =	vcvt.f32.s32 v49;
	v37 =	vmul.f32 v37, v46;
	v46 =	vadd.f32 v31, v17;
	[tilespmem:v29+s6+$0x0] =	vst.idx.add.f32.msk $0xffff, v50  }
0x244: {  	vm2 =	vmand vm2, vm4;
	v41 =	vmul.f32 v41, v32;
	v32 =	vadd.s32 v25, v45;
	[tilespmem:v29+s7+$0x0] =	vst.idx.add.f32.msk $0xffff, v47  }
0x245: {  	v31 =	vadd.s32 v49, v19;
	v25 =	vadd.f32 v37, v36;
	v36 =	vtrunc.f32 v42;
	[tilespmem:v29+s8+$0x0] =	vst.idx.add.f32.msk $0xffff, v38;
	v45 =	vpop (erf)  }
.Ltmp8:
0x246: {  	v40 =	vadd.f32 v41, v40;
	v41 =	vcvt.f32.s32 v44;
	v38 =	vmul.f32 v46, v42;
	[tilespmem:v30+s6+$0x0] =	vst.idx.add.f32.msk $0xffff, v48;
	(pc) =	sbr.rel @p0 .LBB2_12-.Ltmp8, $4  }
0x247: {  	v44 =	vmul.f32 v33, v10;
	v37 =	vsel vm1, v28, v2;
	v42 =	vmul.f32 $1.442695020e+00, v25;
	[tilespmem:v29+s22+$0x0] =	vst.idx.add.f32.msk $0xffff, v34  }
0x248: {  	v33 =	vmul.f32 v33, v15;
	v29 =	vmul.f32 $1.442695020e+00, v40;
	v28 =	vadd.s32 v41, v19;
	[tilespmem:v30+s7+$0x0] =	vst.idx.add.f32.msk $0xffff, v35  }
0x249: {  	v25 =	vmul.f32 $1.442695020e+00, v39;
	vm1 =	vlt.u32 v28, $0x40;
	(erf) = vpow2.f32 v42;
	[tilespmem:v30+s8+$0x0] =	vst.idx.add.f32.msk $0xffff, v44  }
0x24a: {  	s4 =	sadd.s32 $0x40, s4;
	s30 =	sadd.s32 $0x40, s30;
	v27 =	vmul.f32 v43, v27;
	v35 =	vnsel vm3, $0x0, v45;
	(erf) = vpow2.f32 v29;
	[tilespmem:v30+s22+$0x0] =	vst.idx.add.f32.msk $0xffff, v33  }
0x24b: {  	_ =	sdelay $0x1  }
0x24c: {  	v17 =	vmul.f32 v24, v14  }
0x24d: {  	v46 =	vmul.f32 v35, v14  }
0x24e: {  	v18 =	vmul.f32 v24, v11;
	[tilespmem:v37+s9+$0x0] =	vst.idx.add.f32.msk $0xffff, v17  }
0x24f: {  	v48 =	vmul.f32 v35, v11;
	[tilespmem:v22+s9+$0x0] =	vst.idx.add.f32.msk $0xffff, v46  }
0x250: {  	v42 =	vmul.f32 v24, v12;
	[tilespmem:v37+s2+$0x0] =	vst.idx.add.f32.msk $0xffff, v18  }
0x251: {  	v50 =	vmul.f32 v35, v12;
	[tilespmem:v22+s2+$0x0] =	vst.idx.add.f32.msk $0xffff, v48  }
0x252: {  	v43 =	vmul.f32 v24, v8;
	[tilespmem:v37+s3+$0x0] =	vst.idx.add.f32.msk $0xffff, v42  }
0x253: {  	v51 =	vmul.f32 v35, v8;
	[tilespmem:v22+s3+$0x0] =	vst.idx.add.f32.msk $0xffff, v50  }
0x254: {  	v19 =	vmul.f32 v24, v13;
	[tilespmem:v37+s5+$0x0] =	vst.idx.add.f32.msk $0xffff, v43  }
0x255: {  	v52 =	vmul.f32 v35, v13;
	[tilespmem:v22+s5+$0x0] =	vst.idx.add.f32.msk $0xffff, v51  }
0x256: {  	v44 =	vmul.f32 v24, v9;
	v47 =	vadd.s32 v26, v16;
	vm4 =	vlt.u32 v31, $0x40;
	[tilespmem:v37+s6+$0x0] =	vst.idx.add.f32.msk $0xffff, v19  }
0x257: {  	v54 =	vmul.f32 v35, v9;
	v49 =	vshll.u32 v47, $0x6;
	vm3 =	vlt.u32 v47, $0x80;
	[tilespmem:v22+s6+$0x0] =	vst.idx.add.f32.msk $0xffff, v52  }
0x258: {  	v45 =	vmul.f32 v24, v10;
	v53 =	vadd.s32 v31, v49;
	vm3 =	vmand vm3, vm4;
	[tilespmem:v37+s7+$0x0] =	vst.idx.add.f32.msk $0xffff, v44  }
0x259: {  	v55 =	vmul.f32 v35, v10;
	v19 =	vsel vm3, v53, v2;
	[tilespmem:v22+s7+$0x0] =	vst.idx.add.f32.msk $0xffff, v54  }
0x25a: {  	v56 =	vsel vm2, v32, v2;
	v57 =	vpop (erf);
	[tilespmem:v37+s8+$0x0] =	vst.idx.add.f32.msk $0xffff, v45  }
0x25b: {  	v58 =	vmul.f32 v35, v15;
	v29 =	vpop (erf);
	v26 =	vnsel vm3, $0x0, v57;
	[tilespmem:v22+s8+$0x0] =	vst.idx.add.f32.msk $0xffff, v55  }
0x25c: {  	[tilespmem:v37+s22+$0x0] =	vst.idx.add.f32.msk $0xffff, v23;
	v59 =	vnsel vm2, $0x0, v29;
	v60 =	vmul.f32 v26, v14  }
0x25d: {  	v27 =	vadd.f32 v27, v38;
	[tilespmem:v22+s22+$0x0] =	vst.idx.add.f32.msk $0xffff, v58;
	v29 =	vmul.f32 v59, v14  }
0x25e: {  	v31 =	vmul.f32 v26, v11;
	[tilespmem:v19+s9+$0x0] =	vst.idx.add.f32.msk $0xffff, v60  }
0x25f: {  	v62 =	vmul.f32 $1.442695020e+00, v27;
	v61 =	vmul.f32 v59, v11;
	[tilespmem:v56+s9+$0x0] =	vst.idx.add.f32.msk $0xffff, v29  }
0x260: {  	v32 =	vmul.f32 v26, v12;
	[tilespmem:v19+s2+$0x0] =	vst.idx.add.f32.msk $0xffff, v31  }
0x261: {  	(erf) = vpow2.f32 v62;
	v63 =	vmul.f32 v59, v12;
	[tilespmem:v56+s2+$0x0] =	vst.idx.add.f32.msk $0xffff, v61  }
0x262: {  	v33 =	vmul.f32 v26, v8;
	[tilespmem:v19+s3+$0x0] =	vst.idx.add.f32.msk $0xffff, v32  }
0x263: {  	v30 =	vmul.f32 v59, v8;
	[tilespmem:v56+s3+$0x0] =	vst.idx.add.f32.msk $0xffff, v63  }
0x264: {  	v34 =	vcvt.f32.s32 v36;
	v40 =	vmul.f32 v26, v13;
	[tilespmem:v19+s5+$0x0] =	vst.idx.add.f32.msk $0xffff, v33  }
0x265: {  	(erf) = vpow2.f32 v25;
	v35 =	vmul.f32 v59, v13;
	[tilespmem:v56+s5+$0x0] =	vst.idx.add.f32.msk $0xffff, v30  }
0x266: {  	v37 =	vadd.s32 v34, v16;
	v43 =	vmul.f32 v26, v9;
	[tilespmem:v19+s6+$0x0] =	vst.idx.add.f32.msk $0xffff, v40  }
0x267: {  	v36 =	vmul.f32 v59, v9;
	v39 =	vshll.u32 v37, $0x6;
	vm14 =	vlt.u32 v37, $0x80;
	[tilespmem:v56+s6+$0x0] =	vst.idx.add.f32.msk $0xffff, v35  }
0x268: {  	v46 =	vmul.f32 v26, v10;
	v41 =	vadd.s32 v28, v39;
	vm1 =	vmand vm14, vm1;
	[tilespmem:v19+s7+$0x0] =	vst.idx.add.f32.msk $0xffff, v43  }
0x269: {  	v38 =	vmul.f32 v59, v10;
	v44 =	vsel vm1, v41, v2;
	[tilespmem:v56+s7+$0x0] =	vst.idx.add.f32.msk $0xffff, v36  }
0x26a: {  	vm15 =	vlt.u32 v21, $0x80;
	v47 =	vmul.f32 v26, v15;
	v45 =	vpop (erf);
	[tilespmem:v19+s8+$0x0] =	vst.idx.add.f32.msk $0xffff, v46  }
0x26b: {  	v51 =	vshll.u32 v21, $0x6;
	v42 =	vmul.f32 v59, v15;
	v18 =	vnsel vm1, $0x0, v45;
	[tilespmem:v56+s8+$0x0] =	vst.idx.add.f32.msk $0xffff, v38  }
0x26c: {  	vm0 =	vmand vm15, vm0;
	v20 =	vadd.s32 v20, v51;
	v48 =	vmul.f32 v18, v14;
	[tilespmem:v19+s22+$0x0] =	vst.idx.add.f32.msk $0xffff, v47  }
0x26d: {  	v54 =	vsel vm0, v20, v2;
	v49 =	vmul.f32 v18, v11;
	[tilespmem:v56+s22+$0x0] =	vst.idx.add.f32.msk $0xffff, v42  }
0x26e: {  	v50 =	vmul.f32 v18, v12;
	v56 =	vpop (erf);
	[tilespmem:v44+s9+$0x0] =	vst.idx.add.f32.msk $0xffff, v48  }
0x26f: {  	v52 =	vmul.f32 v18, v8;
	v17 =	vnsel vm0, $0x0, v56;
	[tilespmem:v44+s2+$0x0] =	vst.idx.add.f32.msk $0xffff, v49  }
0x270: {  	v58 =	vmul.f32 v17, v14;
	[tilespmem:v44+s3+$0x0] =	vst.idx.add.f32.msk $0xffff, v50  }
0x271: {  	v53 =	vmul.f32 v18, v13;
	[tilespmem:v44+s5+$0x0] =	vst.idx.add.f32.msk $0xffff, v52  }
0x272: {  	v59 =	vmul.f32 v17, v11;
	[tilespmem:v54+s9+$0x0] =	vst.idx.add.f32.msk $0xffff, v58  }
0x273: {  	v55 =	vmul.f32 v18, v9;
	[tilespmem:v44+s6+$0x0] =	vst.idx.add.f32.msk $0xffff, v53  }
0x274: {  	v60 =	vmul.f32 v17, v12;
	[tilespmem:v54+s2+$0x0] =	vst.idx.add.f32.msk $0xffff, v59  }
0x275: {  	v57 =	vmul.f32 v18, v10;
	[tilespmem:v44+s7+$0x0] =	vst.idx.add.f32.msk $0xffff, v55  }
0x276: {  	v8 =	vmul.f32 v17, v8;
	[tilespmem:v54+s3+$0x0] =	vst.idx.add.f32.msk $0xffff, v60  }
0x277: {  	s28 =	sadd.s32 $0x1, s28;
	v18 =	vmul.f32 v18, v15;
	[tilespmem:v44+s8+$0x0] =	vst.idx.add.f32.msk $0xffff, v57  }
0x278: {  	p0 =	sne.s32 s28, s26;
	v61 =	vmul.f32 v17, v13;
	[tilespmem:v54+s5+$0x0] =	vst.idx.add.f32.msk $0xffff, v8  }
.Ltmp9:
0x279: {  	v62 =	vmul.f32 v17, v9;
	[tilespmem:v44+s22+$0x0] =	vst.idx.add.f32.msk $0xffff, v18;
	(pc) =	sbr.rel @p0 .LBB2_11-.Ltmp9, $4  }
0x27a: {  	v8 =	vmul.f32 v17, v10;
	[tilespmem:v54+s6+$0x0] =	vst.idx.add.f32.msk $0xffff, v61  }
0x27b: {  	v63 =	vmul.f32 v17, v15;
	[tilespmem:v54+s7+$0x0] =	vst.idx.add.f32.msk $0xffff, v62  }
0x27c: {  	[tilespmem:v54+s8+$0x0] =	vst.idx.add.f32.msk $0xffff, v8  }
0x27d: {  	[tilespmem:v54+s22+$0x0] =	vst.idx.add.f32.msk $0xffff, v63  }
.LBB2_14:
0x27e: {  	s4 =	simm.s32 $0x0  }
0x27f: {  	[hbm4b:s19+s4] =	stream.linear.scatter [tilespmem:s4], [sflag:$0x1], $0x10000, $0x38;
	[tilespmem:$0x15280] =	vst v63  }
0x280: {  	_ =	swait.ge [sflag:s23], $0x10000  }
0x281: {  	[sflag:s23] =	ssyncset.done $0x0  }
0x282: {  	[sflag:s23] =	ssyncadd.s32 $0xFFFF0000  }
0x283: {  	[tilespmem:s4], [sflag:$0x1] =	stream.linear.gather [hbm4b:s17+s4], $0x10000, $0x38;
	[tilespmem:$0x15280] =	vst v63  }
0x284: {  	_ =	swait.ge [sflag:s23], $0x10000  }
0x285: {  	[sflag:s23] =	ssyncset.done $0x0  }
0x286: {  	s0 =	simm.s32 $0x12000;
	[sflag:s23] =	ssyncadd.s32 $0xFFFF0000  }
0x287: {  	s1 =	simm.s32 $0x12800;
	v8 =	vld [tilespmem:s0+$0x0]  }
0x288: {  	v9 =	vld [tilespmem:s1+$0x0];
	_ =	sdelay $0x4  }
0x289: {  	vm0 =	veq.s32 v8, v4;
	vm1 =	vge.s32 v9, v1  }
0x28a: {  	vm15 =	vle.s32 v9, v3;
	vm0 =	vmand vm0, vm1  }
0x28b: {  	vm0 =	vmand vm15, vm0  }
0x28c: {  	v9 =	vmpcnt.ones.xlane vm0;
	_ =	sdelay $0x1  }
0x28d: {  	(v2sf) =	vpush v9, $0x0;
	_ =	sdelay $0x2  }
0x28e: {  	v8 =	vor.u32 s4, v2  }
0x28f: {  	s26 =	simm.s32 $0x12010;
	[tilespmem:s4+$0x14A00] =	vst.msk vm0, v8  }
0x290: {  	s28 =	simm.s32 $0x12810;
	v8 =	vld [tilespmem:s26+$0x0]  }
0x291: {  	s29 =	simm.s32 $0x10;
	s30 =	simm.s32 $0x20;
	v9 =	vld [tilespmem:s28+$0x0]  }
.LBB2_15:
0x292: {  	p0 =	sne.s32 s30, $0x7C0;
	_ =	sdelay $0x3  }
0x293: {  	vm0 =	veq.s32 v8, v4;
	vm1 =	vge.s32 v9, v1  }
0x294: {  	vm0 =	vmand vm0, vm1;
	vm1 =	vle.s32 v9, v3  }
0x295: {  	vm0 =	vmand vm1, vm0  }
0x296: {  	v8 =	vmpcnt.ones.xlane vm0  }
0x297: {  	s0 =	spop (v2sf)  }
0x298: {  	v9 =	vor.u32 s29, v2;
	s29 =	smov.u32 s30;
	(v2sf) =	vpush v8, $0x0;
	s4 =	sadd.s32 s4, s0  }
0x299: {  	[tilespmem:s4+$0x14A00] =	vst.msk vm0, v9  }
.Ltmp10:
0x29a: {  	(pc) =	sbr.rel @p0 .LBB2_15-.Ltmp10, $4  }
0x29b: {  	_ = 	snop  }
0x29c: {  	s26 =	sadd.s32 $0x10, s26  }
0x29d: {  	s28 =	sadd.s32 $0x10, s28;
	v8 =	vld [tilespmem:s26+$0x0]  }
0x29e: {  	s30 =	sadd.s32 $0x10, s30;
	v9 =	vld [tilespmem:s28+$0x0]  }
0x29f: {  	_ =	sdelay $0x3  }
0x2a0: {  	vm0 =	veq.s32 v8, v4;
	vm1 =	vge.s32 v9, v1  }
0x2a1: {  	vm15 =	vle.s32 v9, v3;
	vm0 =	vmand vm0, vm1  }
0x2a2: {  	vm0 =	vmand vm15, vm0  }
0x2a3: {  	v8 =	vmpcnt.ones.xlane vm0;
	_ =	sdelay $0x1  }
0x2a4: {  	(v2sf) =	vpush v8, $0x0;
	_ =	sdelay $0xd  }
0x2a5: {  	s0 =	spop (v2sf)  }
0x2a6: {  	s0 =	sadd.s32 s4, s0;
	s1 =	spop (v2sf)  }
0x2a7: {  	s26 =	sadd.s32 s0, s1  }
0x2a8: {  	s1 =	sshrl.u32 s26, $0x1F  }
0x2a9: {  	s1 =	sadd.s32 s1, s26  }
0x2aa: {  	s28 =	sand.u32 $0xFFFFFFFE, s1  }
0x2ab: {  	p0 =	slt.s32 s28, $0x1  }
.Ltmp11:
0x2ac: {  	_ = 	snop;
	(pc) =	sbr.rel @p0 .LBB2_23-.Ltmp11, $3  }
0x2ad: {  	_ =	sdelay $0x1  }
0x2ae: {  	v8 =	vor.u32 s29, v2  }
0x2af: {  	[tilespmem:s0+$0x14A00] =	vst.msk vm0, v8  }
0x2b0: {  	s29 =	simm.s32 $0x0  }
.LBB2_18:
0x2b1: {  	v8 =	vld [tilespmem:s29+$0x14A00];
	_ =	sdelay $0x4  }
0x2b2: {  	(v2sf) =	vpush v8, $0x0;
	_ =	sdelay $0xe  }
0x2b3: {  	s4 =	spop (v2sf)  }
0x2b4: {  	v8 =	vld [tilespmem:s4+$0x12800];
	_ =	sdelay $0x4  }
0x2b5: {  	(v2sf) =	vpush v8, $0x0  }
0x2b6: {  	v8 =	vld [tilespmem:s4+$0x11000];
	_ =	sdelay $0x4  }
0x2b7: {  	(v2sf) =	vpush v8, $0x0;
	_ =	sdelay $0x4  }
0x2b8: {  	v9 =	vld [tilespmem:s4+$0x10800];
	_ =	sdelay $0x1  }
0x2b9: {  	v10 =	vld [tilespmem:s4+$0x10000];
	_ =	sdelay $0x1  }
0x2ba: {  	s0 =	spop (v2sf)  }
0x2bb: {  	v11 =	vld [tilespmem:s4+$0x11800];
	(v2sf) =	vpush v9, $0x0;
	s0 =	ssub.s32 s18, s0  }
0x2bc: {  	v12 =	vadd.s32 s0, v2  }
0x2bd: {  	v8 =	vbroadcast v8, $0x0;
	(v2sf) =	vpush v10, $0x0;
	v12 =	vcvt.s32.f32 v12;
	_ =	sdelay $0x1  }
0x2be: {  	v8 =	vsub.f32 v12, v8  }
0x2bf: {  	s1 =	spop (v2sf);
	(v2sf) =	vpush v11, $0x0  }
0x2c0: {  	s1 =	smul.f32 s1, s1;
	v8 =	vmul.f32 v8, v8;
	_ =	sdelay $0x1  }
0x2c1: {  	v8 =	vsub.f32 s1, v8;
	_ =	sdelay $0x1  }
0x2c2: {  	v8 =	vmul.f32 v8, v6;
	_ =	sdelay $0x1  }
0x2c3: {  	v8 =	vmul.f32 $1.442695020e+00, v8  }
0x2c4: {  	v9 =	vadd.s32 s0, v5;
	s0 =	simm.s32 $0x14420  }
0x2c5: {  	v16 =	vld [tilespmem:s0+$0x0];
	(erf) = vpow2.f32 v8  }
0x2c6: {  	v19 =	vld [tilespmem:s0+$0xFFFFFFF0];
	s1 =	spop (v2sf)  }
0x2c7: {  	s1 =	sadd.f32 s1, s1  }
0x2c8: {  	v22 =	vld [tilespmem:s0+$0xFFFFFFE0];
	s12 =	spop (v2sf)  }
0x2c9: {  	s1 =	smul.f32 s1, s25;
	s12 =	sadd.f32 s12, s12  }
0x2ca: {  	v18 =	vmul.f32 v16, v7  }
0x2cb: {  	v34 =	vld [tilespmem:s0+$0x10];
	v20 =	vtrunc.f32 v19;
	v17 =	vmov s1;
	s1 =	simm.s32 $0x14460;
	s12 =	smul.f32 s12, s25;
	s30 =	spop (v2sf)  }
0x2cc: {  	v25 =	vcvt.f32.s32 v20;
	v20 =	vadd.f32 v18, v17;
	v42 =	vld [tilespmem:s1+$0xFFFFFFE0];
	s30 =	smax.f32 s30, $0.0e+00  }
0x2cd: {  	v24 =	vtrunc.f32 v16;
	v31 =	vmul.f32 v22, v7;
	v18 =	vmov s12;
	s12 =	simm.s32 $0x14660;
	s30 =	smul.f32 $1.000000000e+04, s30  }
0x2ce: {  	v29 =	vmul.f32 v20, v16;
	v20 =	vmul.f32 v19, v7;
	v47 =	vld [tilespmem:s12+$0x10];
	v8 =	vpop (erf)  }
0x2cf: {  	v32 =	vtrunc.f32 v22;
	v16 =	vld.msk [tilespmem:s4+$0x13000 ss:$0x0], $0xffff;
	v8 =	vmul.f32 s30, v8;
	s30 =	simm.s32 $0x14620  }
0x2d0: {  	v60 =	vmul.f32 v34, v7;
	v24 =	vcvt.f32.s32 v24;
	v33 =	vadd.f32 v20, v17;
	v21 =	vld [tilespmem:s30+$0x0]  }
0x2d1: {  	v32 =	vcvt.f32.s32 v32;
	v52 =	vtrunc.f32 v42  }
0x2d2: {  	vm0 =	vlt.u32 v9, $0x15;
	v53 =	vmul.f32 v42, v7;
	v19 =	vmul.f32 v33, v19  }
0x2d3: {  	v23 =	vld [tilespmem:s30+$0xFFFFFFE0];
	v56 =	vmul.f32 v47, v7;
	v57 =	vtrunc.f32 v47;
	v15 =	vnsel vm0, $0x0, v8  }
0x2d4: {  	v26 =	vld [tilespmem:s30+$0xFFFFFFF0];
	v8 =	vbroadcast v15, $0x0;
	v9 =	vbroadcast v15, $0x1  }
0x2d5: {  	v25 =	vadd.s32 v25, v16;
	v27 =	vld [tilespmem:s30+$0x10];
	v10 =	vbroadcast v15, $0x2;
	v28 =	vmul.f32 v21, v7  }
0x2d6: {  	v53 =	vadd.f32 v53, v17;
	v11 =	vbroadcast v15, $0x3;
	v13 =	vbroadcast v15, $0x4  }
0x2d7: {  	v12 =	vbroadcast v15, $0x5;
	v14 =	vbroadcast v15, $0x6;
	v28 =	vadd.f32 v28, v18  }
0x2d8: {  	vm1 =	vlt.u32 v25, $0x80;
	v30 =	vtrunc.f32 v21;
	v35 =	vmul.f32 v23, v7  }
0x2d9: {  	v21 =	vmul.f32 v28, v21;
	v28 =	vadd.f32 v31, v17;
	v31 =	vmul.f32 v26, v7  }
0x2da: {  	v15 =	vbroadcast v15, $0x7;
	v36 =	vmul.f32 v27, v7;
	v35 =	vadd.f32 v35, v18  }
0x2db: {  	v30 =	vcvt.f32.s32 v30;
	v31 =	vadd.f32 v31, v18;
	v22 =	vmul.f32 v28, v22  }
0x2dc: {  	v20 =	vld.msk [tilespmem:s4+$0x13800 ss:$0x0], $0xffff;
	v25 =	vshll.u32 v25, $0x6;
	v28 =	vmul.f32 v35, v23;
	v23 =	vtrunc.f32 v23  }
0x2dd: {  	v21 =	vadd.f32 v21, v29;
	v23 =	vcvt.f32.s32 v23;
	v31 =	vmul.f32 v31, v26  }
0x2de: {  	v26 =	vtrunc.f32 v26;
	v22 =	vadd.f32 v28, v22;
	v28 =	vadd.s32 v24, v16  }
0x2df: {  	v24 =	vadd.f32 v60, v17;
	v21 =	vmul.f32 $1.442695020e+00, v21;
	v19 =	vadd.f32 v31, v19  }
0x2e0: {  	v26 =	vcvt.f32.s32 v26;
	v31 =	vadd.f32 v36, v18;
	v22 =	vmul.f32 $1.442695020e+00, v22  }
0x2e1: {  	v30 =	vadd.s32 v30, v20;
	v24 =	vmul.f32 v24, v34;
	v19 =	vmul.f32 $1.442695020e+00, v19  }
0x2e2: {  	vm0 =	vlt.u32 v30, $0x40;
	(erf) = vpow2.f32 v22;
	v22 =	vmul.f32 v31, v27  }
0x2e3: {  	v23 =	vadd.s32 v23, v20;
	(erf) = vpow2.f32 v19;
	v19 =	vtrunc.f32 v27  }
0x2e4: {  	v22 =	vadd.f32 v22, v24;
	v24 =	vadd.s32 v26, v20;
	v26 =	vtrunc.f32 v34  }
0x2e5: {  	vm5 =	vlt.u32 v23, $0x40;
	v27 =	vld [tilespmem:s1+$0x0];
	v19 =	vcvt.f32.s32 v19;
	v26 =	vcvt.f32.s32 v26  }
0x2e6: {  	v61 =	vld [tilespmem:s1+$0xFFFFFFF0];
	vm2 =	vlt.u32 v24, $0x40;
	v24 =	vadd.s32 v24, v25;
	v22 =	vmul.f32 $1.442695020e+00, v22  }
0x2e7: {  	vm1 =	vmand vm1, vm2;
	v19 =	vadd.s32 v19, v20;
	v25 =	vadd.s32 v26, v16  }
0x2e8: {  	v26 =	vadd.s32 v32, v16;
	(erf) = vpow2.f32 v22;
	v22 =	vshll.u32 v25, $0x6  }
0x2e9: {  	vm2 =	vlt.u32 v19, $0x40;
	v29 =	vshll.u32 v26, $0x6;
	v31 =	vadd.s32 v19, v22  }
0x2ea: {  	v19 =	vtrunc.f32 v27;
	v22 =	vmul.f32 v27, v7;
	v23 =	vadd.s32 v23, v29;
	v29 =	vld [tilespmem:s12+$0x0]  }
0x2eb: {  	vm3 =	vlt.u32 v28, $0x80;
	v46 =	vcvt.f32.s32 v19;
	v19 =	vmul.f32 v61, v7  }
0x2ec: {  	vm3 =	vmand vm3, vm0;
	v32 =	vsel vm1, v24, v2;
	v22 =	vadd.f32 v22, v17  }
0x2ed: {  	vm4 =	vlt.u32 v26, $0x80;
	vm0 =	vlt.u32 v25, $0x80;
	v24 =	vpop (erf);
	v19 =	vadd.f32 v19, v17  }
0x2ee: {  	v26 =	vpop (erf);
	v27 =	vmul.f32 v22, v27;
	v22 =	vshll.u32 v28, $0x6;
	(erf) = vpow2.f32 v21  }
0x2ef: {  	v26 =	vnsel vm1, $0x0, v26;
	v43 =	vmul.f32 v29, v7;
	v28 =	vtrunc.f32 v29  }
0x2f0: {  	v21 =	vadd.s32 v46, v16;
	v33 =	vmul.f32 v19, v61;
	v35 =	vmul.f32 v26, v15  }
0x2f1: {  	vm1 =	vmand vm4, vm5;
	v38 =	vmul.f32 v26, v14;
	v62 =	vmul.f32 v26, v10  }
0x2f2: {  	v39 =	vsel vm1, v23, v2;
	v37 =	vmul.f32 v26, v12;
	v23 =	vtrunc.f32 v61  }
0x2f3: {  	v22 =	vadd.s32 v30, v22;
	v44 =	vmul.f32 v26, v11;
	v48 =	vmul.f32 v26, v13  }
0x2f4: {  	v51 =	vld [tilespmem:s12+$0xFFFFFFF0];
	v36 =	vnsel vm1, $0x0, v24;
	v50 =	vmul.f32 v26, v8;
	v28 =	vcvt.f32.s32 v28  }
0x2f5: {  	v54 =	vld [tilespmem:s1+$0x10];
	vm1 =	vmand vm0, vm2;
	v26 =	vmul.f32 v26, v9;
	v40 =	vmul.f32 v36, v12  }
0x2f6: {  	v22 =	vsel vm3, v22, v2;
	v25 =	vmul.f32 v36, v10;
	v41 =	vmul.f32 v36, v11  }
0x2f7: {  	v30 =	vld [tilespmem:s12+$0xFFFFFFE0];
	v49 =	vmul.f32 v36, v9;
	v43 =	vadd.f32 v43, v18;
	v55 =	vmul.f32 v36, v8  }
0x2f8: {  	v23 =	vcvt.f32.s32 v23;
	v61 =	vmul.f32 v36, v14;
	v24 =	vpop (erf);
	v19 =	vadd.s32 v28, v20;
	[tilespmem:v32+s9+$0x0] =	vst.idx.add.f32.msk $0xffff, v50  }
0x2f9: {  	v28 =	vtrunc.f32 v51;
	v24 =	vnsel vm1, $0x0, v24;
	v43 =	vmul.f32 v43, v29;
	[tilespmem:v32+s2+$0x0] =	vst.idx.add.f32.msk $0xffff, v26  }
0x2fa: {  	v45 =	vadd.s32 v23, v16;
	v29 =	vcvt.f32.s32 v52;
	v26 =	vmul.f32 v54, v7;
	[tilespmem:v32+s3+$0x0] =	vst.idx.add.f32.msk $0xffff, v62  }
0x2fb: {  	vm0 =	vlt.u32 v19, $0x40;
	v52 =	vadd.f32 v56, v18;
	v23 =	vmul.f32 v24, v15;
	[tilespmem:v39+s9+$0x0] =	vst.idx.add.f32.msk $0xffff, v55  }
0x2fc: {  	v28 =	vcvt.f32.s32 v28;
	v63 =	vmul.f32 v30, v7;
	v43 =	vadd.f32 v43, v27;
	[tilespmem:v32+s5+$0x0] =	vst.idx.add.f32.msk $0xffff, v44  }
0x2fd: {  	vm2 =	vlt.u32 v45, $0x80;
	v27 =	vmul.f32 v53, v42;
	v53 =	vmul.f32 v51, v7;
	[tilespmem:v39+s2+$0x0] =	vst.idx.add.f32.msk $0xffff, v49  }
0x2fe: {  	v45 =	vshll.u32 v45, $0x6;
	v62 =	vmul.f32 v36, v15;
	v34 =	vadd.f32 v63, v18;
	[tilespmem:v32+s6+$0x0] =	vst.idx.add.f32.msk $0xffff, v48  }
0x2ff: {  	v56 =	vtrunc.f32 v30;
	v55 =	vmul.f32 v36, v13;
	[tilespmem:v39+s3+$0x0] =	vst.idx.add.f32.msk $0xffff, v25;
	v25 =	vadd.f32 v53, v18  }
0x300: {  	v28 =	vadd.s32 v28, v20;
	v58 =	vcvt.f32.s32 v56;
	[tilespmem:v32+s7+$0x0] =	vst.idx.add.f32.msk $0xffff, v37;
	v30 =	vmul.f32 v34, v30  }
0x301: {  	v59 =	vadd.f32 v26, v17;
	vm15 =	vlt.u32 v28, $0x40;
	[tilespmem:v39+s5+$0x0] =	vst.idx.add.f32.msk $0xffff, v41;
	v25 =	vmul.f32 v25, v51  }
0x302: {  	vm2 =	vmand vm2, vm15;
	v37 =	vtrunc.f32 v54;
	[tilespmem:v32+s8+$0x0] =	vst.idx.add.f32.msk $0xffff, v38;
	v27 =	vadd.f32 v30, v27  }
0x303: {  	v34 =	vadd.s32 v28, v45;
	v28 =	vcvt.f32.s32 v57;
	[tilespmem:v39+s6+$0x0] =	vst.idx.add.f32.msk $0xffff, v55;
	v25 =	vadd.f32 v25, v33  }
0x304: {  	v26 =	vadd.s32 v58, v20;
	v38 =	vmul.f32 v59, v54;
	v63 =	vpop (erf);
	[tilespmem:v32+s22+$0x0] =	vst.idx.add.f32.msk $0xffff, v35;
	v60 =	vmul.f32 $1.442695020e+00, v27  }
0x305: {  	v36 =	vnsel vm3, $0x0, v63;
	[tilespmem:v39+s7+$0x0] =	vst.idx.add.f32.msk $0xffff, v40;
	v27 =	vsel vm1, v31, v2;
	v31 =	vmul.f32 $1.442695020e+00, v25  }
0x306: {  	v30 =	vadd.s32 v28, v20;
	v28 =	vmul.f32 v52, v47;
	[tilespmem:v39+s8+$0x0] =	vst.idx.add.f32.msk $0xffff, v61;
	(erf) = vpow2.f32 v60  }
0x307: {  	s31 =	simm.s32 $0x146A0;
	s4 =	simm.s32 $0x144A0;
	s30 =	simm.s32 $0x4;
	vm1 =	vlt.u32 v30, $0x40;
	[tilespmem:v39+s22+$0x0] =	vst.idx.add.f32.msk $0xffff, v62;
	v25 =	vmul.f32 $1.442695020e+00, v43;
	(erf) = vpow2.f32 v31  }
.LBB2_19:
0x308: {  	v39 =	vld [tilespmem:s31+$0x0];
	s30 =	sadd.s32 $0x4, s30;
	v29 =	vadd.s32 v29, v16;
	v31 =	vcvt.f32.s32 v37;
	v32 =	vmul.f32 v24, v8  }
0x309: {  	v33 =	vmul.f32 v24, v12;
	v37 =	vld [tilespmem:s4+$0x0];
	p0 =	slt.u32 s30, $0x18;
	v28 =	vadd.f32 v28, v38;
	v38 =	vmul.f32 v24, v14  }
0x30a: {  	vm3 =	vlt.u32 v21, $0x80;
	v35 =	vmul.f32 v24, v10;
	[tilespmem:v27+s9+$0x0] =	vst.idx.add.f32.msk $0xffff, v32;
	v32 =	vmul.f32 v24, v9  }
0x30b: {  	v42 =	vmul.f32 v36, v15;
	v41 =	vadd.s32 v31, v16;
	v40 =	vld [tilespmem:s4+$0xFFFFFFF0];
	v28 =	vmul.f32 $1.442695020e+00, v28  }
0x30c: {  	v31 =	vshll.u32 v41, $0x6;
	[tilespmem:v27+s2+$0x0] =	vst.idx.add.f32.msk $0xffff, v32;
	v32 =	vmul.f32 v24, v11;
	v24 =	vmul.f32 v24, v13  }
0x30d: {  	v43 =	vmul.f32 v36, v14;
	v30 =	vadd.s32 v30, v31;
	(erf) = vpow2.f32 v28;
	[tilespmem:v27+s3+$0x0] =	vst.idx.add.f32.msk $0xffff, v35  }
0x30e: {  	v31 =	vsel vm2, v34, v2;
	v44 =	vld [tilespmem:s4+$0xFFFFFFE0];
	v45 =	vtrunc.f32 v37;
	v46 =	vmul.f32 v37, v7  }
0x30f: {  	v48 =	vmul.f32 v36, v13;
	v49 =	vmul.f32 v36, v12;
	v35 =	vshll.u32 v29, $0x6;
	v28 =	vld [tilespmem:s31+$0x10];
	v47 =	vpop (erf)  }
0x310: {  	v50 =	vmul.f32 v36, v11;
	vm4 =	vlt.u32 v29, $0x80;
	v29 =	vadd.s32 v26, v35;
	v34 =	vpop (erf);
	[tilespmem:v27+s5+$0x0] =	vst.idx.add.f32.msk $0xffff, v32  }
0x311: {  	vm5 =	vlt.u32 v26, $0x40;
	v26 =	vnsel vm2, $0x0, v34;
	v34 =	vmul.f32 v36, v10;
	[tilespmem:v27+s6+$0x0] =	vst.idx.add.f32.msk $0xffff, v24  }
0x312: {  	vm2 =	vmand vm4, vm5;
	v24 =	vmul.f32 v36, v9;
	v35 =	vmul.f32 v26, v15;
	[tilespmem:v27+s7+$0x0] =	vst.idx.add.f32.msk $0xffff, v33  }
0x313: {  	v51 =	vmul.f32 v36, v8;
	v33 =	vnsel vm2, $0x0, v47;
	v32 =	vsel vm2, v29, v2;
	[tilespmem:v27+s8+$0x0] =	vst.idx.add.f32.msk $0xffff, v38  }
0x314: {  	vm3 =	vmand vm3, vm0;
	v36 =	vmul.f32 v33, v12;
	v38 =	vmul.f32 v26, v14;
	[tilespmem:v27+s22+$0x0] =	vst.idx.add.f32.msk $0xffff, v23  }
0x315: {  	vm0 =	vlt.u32 v41, $0x80;
	v47 =	vmul.f32 v26, v12;
	v27 =	vmul.f32 v26, v10;
	[tilespmem:v22+s9+$0x0] =	vst.idx.add.f32.msk $0xffff, v51  }
0x316: {  	vm1 =	vmand vm0, vm1;
	v41 =	vmul.f32 v33, v10;
	v23 =	vtrunc.f32 v40;
	v29 =	vpop (erf);
	[tilespmem:v22+s2+$0x0] =	vst.idx.add.f32.msk $0xffff, v24  }
0x317: {  	v23 =	vcvt.f32.s32 v23;
	v51 =	vmul.f32 v33, v11;
	v24 =	vnsel vm1, $0x0, v29;
	[tilespmem:v22+s3+$0x0] =	vst.idx.add.f32.msk $0xffff, v34  }
0x318: {  	v52 =	vmul.f32 v26, v11;
	v29 =	vadd.f32 v46, v17;
	v46 =	vmul.f32 v39, v7;
	v34 =	vld [tilespmem:s31+$0xFFFFFFF0]  }
0x319: {  	v45 =	vcvt.f32.s32 v45;
	v53 =	vadd.s32 v23, v16;
	v23 =	vmul.f32 v24, v15;
	[tilespmem:v22+s5+$0x0] =	vst.idx.add.f32.msk $0xffff, v50  }
0x31a: {  	vm2 =	vlt.u32 v53, $0x80;
	v37 =	vmul.f32 v29, v37;
	v50 =	vmul.f32 v26, v13;
	[tilespmem:v22+s6+$0x0] =	vst.idx.add.f32.msk $0xffff, v48  }
0x31b: {  	v21 =	vshll.u32 v21, $0x6;
	v29 =	vmul.f32 v40, v7;
	v48 =	vmul.f32 v33, v9;
	[tilespmem:v22+s7+$0x0] =	vst.idx.add.f32.msk $0xffff, v49  }
0x31c: {  	v54 =	vmul.f32 v26, v8;
	v46 =	vadd.f32 v46, v18;
	v49 =	vtrunc.f32 v39;
	[tilespmem:v22+s8+$0x0] =	vst.idx.add.f32.msk $0xffff, v43  }
0x31d: {  	v55 =	vmul.f32 v44, v7;
	v56 =	vadd.f32 v29, v17;
	v43 =	vtrunc.f32 v44;
	[tilespmem:v22+s22+$0x0] =	vst.idx.add.f32.msk $0xffff, v42  }
0x31e: {  	v19 =	vadd.s32 v19, v21;
	v39 =	vmul.f32 v46, v39;
	v22 =	vmul.f32 v33, v8;
	v42 =	vld [tilespmem:s4+$0x10]  }
0x31f: {  	v55 =	vadd.f32 v55, v17;
	v21 =	vcvt.f32.s32 v49;
	v49 =	vmul.f32 v28, v7;
	v46 =	vld [tilespmem:s31+$0xFFFFFFE0]  }
0x320: {  	v26 =	vmul.f32 v26, v9;
	v29 =	vcvt.f32.s32 v43;
	[tilespmem:v32+s9+$0x0] =	vst.idx.add.f32.msk $0xffff, v22;
	v22 =	vsel vm3, v19, v2  }
0x321: {  	v40 =	vmul.f32 v56, v40;
	v19 =	vadd.s32 v21, v20;
	[tilespmem:v31+s9+$0x0] =	vst.idx.add.f32.msk $0xffff, v54;
	(erf) = vpow2.f32 v25  }
0x322: {  	v39 =	vadd.f32 v39, v37;
	v21 =	vadd.s32 v45, v16;
	v25 =	vtrunc.f32 v34;
	[tilespmem:v31+s2+$0x0] =	vst.idx.add.f32.msk $0xffff, v26  }
0x323: {  	v37 =	vmul.f32 v55, v44;
	vm0 =	vlt.u32 v19, $0x40;
	v26 =	vmul.f32 v42, v7;
	[tilespmem:v31+s3+$0x0] =	vst.idx.add.f32.msk $0xffff, v27  }
0x324: {  	v43 =	vadd.f32 v49, v18;
	v25 =	vcvt.f32.s32 v25;
	v27 =	vmul.f32 v46, v7;
	[tilespmem:v31+s5+$0x0] =	vst.idx.add.f32.msk $0xffff, v52  }
0x325: {  	v44 =	vmul.f32 v34, v7;
	v45 =	vshll.u32 v53, $0x6;
	[tilespmem:v32+s2+$0x0] =	vst.idx.add.f32.msk $0xffff, v48;
	v48 =	vmul.f32 v33, v13  }
0x326: {  	v49 =	vtrunc.f32 v46;
	v25 =	vadd.s32 v25, v20;
	v27 =	vadd.f32 v27, v18;
	[tilespmem:v32+s3+$0x0] =	vst.idx.add.f32.msk $0xffff, v41  }
0x327: {  	vm4 =	vlt.u32 v25, $0x40;
	v41 =	vadd.f32 v44, v18;
	v44 =	vtrunc.f32 v28;
	[tilespmem:v32+s5+$0x0] =	vst.idx.add.f32.msk $0xffff, v51  }
0x328: {  	v49 =	vcvt.f32.s32 v49;
	v27 =	vmul.f32 v27, v46;
	v46 =	vadd.f32 v26, v17;
	[tilespmem:v31+s6+$0x0] =	vst.idx.add.f32.msk $0xffff, v50  }
0x329: {  	vm2 =	vmand vm2, vm4;
	v41 =	vmul.f32 v41, v34;
	v34 =	vadd.s32 v25, v45;
	[tilespmem:v31+s7+$0x0] =	vst.idx.add.f32.msk $0xffff, v47  }
0x32a: {  	v26 =	vadd.s32 v49, v20;
	v25 =	vadd.f32 v27, v37;
	v37 =	vtrunc.f32 v42;
	[tilespmem:v31+s8+$0x0] =	vst.idx.add.f32.msk $0xffff, v38;
	v45 =	vpop (erf)  }
.Ltmp12:
0x32b: {  	v40 =	vadd.f32 v41, v40;
	v41 =	vcvt.f32.s32 v44;
	v38 =	vmul.f32 v46, v42;
	[tilespmem:v32+s6+$0x0] =	vst.idx.add.f32.msk $0xffff, v48;
	(pc) =	sbr.rel @p0 .LBB2_19-.Ltmp12, $4  }
0x32c: {  	v44 =	vmul.f32 v33, v14;
	v27 =	vsel vm1, v30, v2;
	v42 =	vmul.f32 $1.442695020e+00, v25;
	[tilespmem:v31+s22+$0x0] =	vst.idx.add.f32.msk $0xffff, v35  }
0x32d: {  	v33 =	vmul.f32 v33, v15;
	v31 =	vmul.f32 $1.442695020e+00, v40;
	v30 =	vadd.s32 v41, v20;
	[tilespmem:v32+s7+$0x0] =	vst.idx.add.f32.msk $0xffff, v36  }
0x32e: {  	v25 =	vmul.f32 $1.442695020e+00, v39;
	vm1 =	vlt.u32 v30, $0x40;
	(erf) = vpow2.f32 v42;
	[tilespmem:v32+s8+$0x0] =	vst.idx.add.f32.msk $0xffff, v44  }
0x32f: {  	s4 =	sadd.s32 $0x40, s4;
	s31 =	sadd.s32 $0x40, s31;
	v28 =	vmul.f32 v43, v28;
	v36 =	vnsel vm3, $0x0, v45;
	(erf) = vpow2.f32 v31;
	[tilespmem:v32+s22+$0x0] =	vst.idx.add.f32.msk $0xffff, v33  }
0x330: {  	v17 =	vld [tilespmem:s29+$0x14A01];
	_ =	sdelay $0x4  }
0x331: {  	(v2sf) =	vpush v17, $0x0;
	_ =	sdelay $0xe  }
0x332: {  	v31 =	vmul.f32 v24, v8;
	s4 =	spop (v2sf)  }
0x333: {  	v35 =	vmul.f32 v24, v9;
	v17 =	vld [tilespmem:s4+$0x12800]  }
0x334: {  	v54 =	vmul.f32 v24, v10;
	[tilespmem:v27+s9+$0x0] =	vst.idx.add.f32.msk $0xffff, v31  }
0x335: {  	v32 =	vmul.f32 v24, v12;
	v40 =	vmul.f32 v24, v11;
	[tilespmem:v27+s2+$0x0] =	vst.idx.add.f32.msk $0xffff, v35  }
0x336: {  	v33 =	vmul.f32 v24, v14;
	v24 =	vmul.f32 v24, v13;
	[tilespmem:v27+s3+$0x0] =	vst.idx.add.f32.msk $0xffff, v54  }
0x337: {  	[tilespmem:v27+s5+$0x0] =	vst.idx.add.f32.msk $0xffff, v40  }
0x338: {  	[tilespmem:v27+s6+$0x0] =	vst.idx.add.f32.msk $0xffff, v24;
	(v2sf) =	vpush v17, $0x0  }
0x339: {  	s31 =	simm.s32 $0x14420;
	v24 =	vmul.f32 v36, v8;
	v17 =	vld [tilespmem:s4+$0x11000]  }
0x33a: {  	v60 =	vmul.f32 v36, v9;
	v54 =	vld [tilespmem:s31+$0xFFFFFFF0]  }
0x33b: {  	v59 =	vmul.f32 v36, v10;
	[tilespmem:v22+s9+$0x0] =	vst.idx.add.f32.msk $0xffff, v24  }
0x33c: {  	v58 =	vmul.f32 v36, v11;
	[tilespmem:v22+s2+$0x0] =	vst.idx.add.f32.msk $0xffff, v60  }
0x33d: {  	v57 =	vmul.f32 v36, v13;
	[tilespmem:v22+s3+$0x0] =	vst.idx.add.f32.msk $0xffff, v59  }
0x33e: {  	v43 =	vmul.f32 v36, v12;
	[tilespmem:v22+s5+$0x0] =	vst.idx.add.f32.msk $0xffff, v58;
	(v2sf) =	vpush v17, $0x0  }
0x33f: {  	v41 =	vmul.f32 v36, v14;
	[tilespmem:v22+s6+$0x0] =	vst.idx.add.f32.msk $0xffff, v57  }
0x340: {  	v55 =	vmul.f32 v36, v15;
	[tilespmem:v22+s7+$0x0] =	vst.idx.add.f32.msk $0xffff, v43  }
0x341: {  	v20 =	vcvt.f32.s32 v37;
	[tilespmem:v22+s8+$0x0] =	vst.idx.add.f32.msk $0xffff, v41  }
0x342: {  	[tilespmem:v22+s22+$0x0] =	vst.idx.add.f32.msk $0xffff, v55  }
0x343: {  	v18 =	vadd.s32 v29, v16;
	v28 =	vadd.f32 v28, v38;
	v16 =	vadd.s32 v20, v16;
	v20 =	vld [tilespmem:s4+$0x10800]  }
0x344: {  	v55 =	vld [tilespmem:s31+$0x0]  }
0x345: {  	vm3 =	vlt.u32 v18, $0x80;
	v18 =	vshll.u32 v18, $0x6;
	v29 =	vmul.f32 $1.442695020e+00, v28  }
0x346: {  	vm4 =	vlt.u32 v26, $0x40;
	v18 =	vadd.s32 v26, v18;
	v28 =	vshll.u32 v16, $0x6  }
0x347: {  	v28 =	vadd.s32 v30, v28;
	(erf) = vpow2.f32 v29;
	v29 =	vsel vm2, v34, v2;
	v39 =	vld [tilespmem:s4+$0x10000];
	s0 =	spop (v2sf)  }
0x348: {  	v63 =	vmul.f32 v54, v7;
	v60 =	vtrunc.f32 v54;
	v30 =	vld [tilespmem:s4+$0x11800];
	(v2sf) =	vpush v20, $0x0;
	v20 =	vpop (erf);
	s30 =	ssub.s32 s18, s0  }
0x349: {  	v36 =	vmul.f32 v55, v7;
	v17 =	vbroadcast v17, $0x0;
	v31 =	vpop (erf);
	v42 =	vadd.s32 s30, v2  }
0x34a: {  	[tilespmem:v27+s7+$0x0] =	vst.idx.add.f32.msk $0xffff, v32;
	v31 =	vnsel vm2, $0x0, v31;
	vm2 =	vmand vm3, vm4;
	v56 =	vcvt.s32.f32 v42  }
0x34b: {  	[tilespmem:v27+s8+$0x0] =	vst.idx.add.f32.msk $0xffff, v33;
	(erf) = vpow2.f32 v25;
	v20 =	vnsel vm2, $0x0, v20;
	v61 =	vmul.f32 v31, v14  }
0x34c: {  	[tilespmem:v27+s22+$0x0] =	vst.idx.add.f32.msk $0xffff, v23;
	v23 =	vmul.f32 v31, v10;
	(v2sf) =	vpush v39, $0x0;
	v17 =	vsub.f32 v56, v17  }
0x34d: {  	v62 =	vmul.f32 v31, v12;
	v25 =	vmul.f32 v31, v11;
	s12 =	spop (v2sf);
	(v2sf) =	vpush v30, $0x0  }
0x34e: {  	v34 =	vsel vm2, v18, v2;
	v18 =	vmul.f32 v31, v8;
	s0 =	smul.f32 s12, s12;
	v17 =	vmul.f32 v17, v17  }
0x34f: {  	vm3 =	vlt.u32 v16, $0x80;
	v26 =	vmul.f32 v31, v9;
	v44 =	vmul.f32 v20, v10  }
0x350: {  	v50 =	vld [tilespmem:s31+$0xFFFFFFE0];
	v45 =	vmul.f32 v20, v11;
	v35 =	vmul.f32 v20, v9;
	v17 =	vsub.f32 s0, v17  }
0x351: {  	v16 =	vpop (erf);
	vm1 =	vmand vm3, vm1;
	v37 =	vmul.f32 v20, v8;
	v41 =	vmul.f32 v20, v14;
	[tilespmem:v29+s9+$0x0] =	vst.idx.add.f32.msk $0xffff, v18  }
0x352: {  	v16 =	vnsel vm1, $0x0, v16;
	v28 =	vsel vm1, v28, v2;
	[tilespmem:v29+s2+$0x0] =	vst.idx.add.f32.msk $0xffff, v26;
	v17 =	vmul.f32 v17, v6  }
0x353: {  	v43 =	vmul.f32 v20, v15;
	v24 =	vmul.f32 v16, v15;
	[tilespmem:v29+s3+$0x0] =	vst.idx.add.f32.msk $0xffff, v23  }
0x354: {  	v38 =	vmul.f32 v16, v8;
	[tilespmem:v29+s5+$0x0] =	vst.idx.add.f32.msk $0xffff, v25;
	v17 =	vmul.f32 $1.442695020e+00, v17  }
0x355: {  	v32 =	vmul.f32 v16, v12;
	v46 =	vmul.f32 v16, v9;
	[tilespmem:v34+s9+$0x0] =	vst.idx.add.f32.msk $0xffff, v37  }
0x356: {  	vm2 =	vlt.u32 v21, $0x80;
	v47 =	vmul.f32 v16, v10;
	[tilespmem:v34+s2+$0x0] =	vst.idx.add.f32.msk $0xffff, v35;
	(erf) = vpow2.f32 v17  }
0x357: {  	vm0 =	vmand vm2, vm0;
	[tilespmem:v28+s9+$0x0] =	vst.idx.add.f32.msk $0xffff, v38;
	v42 =	vmul.f32 v20, v13;
	v30 =	vmul.f32 v20, v12;
	v20 =	vpop (erf);
	s0 =	spop (v2sf)  }
0x358: {  	v48 =	vmul.f32 v16, v11;
	v49 =	vmul.f32 v16, v13;
	[tilespmem:v34+s3+$0x0] =	vst.idx.add.f32.msk $0xffff, v44;
	v18 =	vnsel vm0, $0x0, v20;
	s0 =	sadd.f32 s0, s0  }
0x359: {  	v39 =	vmul.f32 v31, v15;
	[tilespmem:v28+s2+$0x0] =	vst.idx.add.f32.msk $0xffff, v46;
	v20 =	vmul.f32 v18, v15  }
0x35a: {  	[tilespmem:v34+s5+$0x0] =	vst.idx.add.f32.msk $0xffff, v45;
	v22 =	vmul.f32 v18, v14;
	s0 =	smul.f32 s0, s25;
	v17 =	vmul.f32 v31, v13  }
0x35b: {  	[tilespmem:v28+s3+$0x0] =	vst.idx.add.f32.msk $0xffff, v47;
	v25 =	vmul.f32 v18, v13;
	v23 =	vmul.f32 v18, v12;
	s1 =	spop (v2sf)  }
0x35c: {  	v26 =	vmul.f32 v18, v11;
	v27 =	vmul.f32 v18, v10;
	[tilespmem:v29+s6+$0x0] =	vst.idx.add.f32.msk $0xffff, v17;
	v17 =	vmov s0;
	s12 =	spop (v2sf)  }
0x35d: {  	v60 =	vcvt.f32.s32 v60;
	v33 =	vmul.f32 v18, v9;
	s1 =	sadd.f32 s1, s1;
	[tilespmem:v29+s7+$0x0] =	vst.idx.add.f32.msk $0xffff, v62;
	v40 =	vadd.f32 v63, v17;
	s12 =	smax.f32 s12, $0.0e+00  }
0x35e: {  	v31 =	vmul.f32 v16, v14;
	v16 =	vmul.f32 v50, v7;
	[tilespmem:v29+s8+$0x0] =	vst.idx.add.f32.msk $0xffff, v61;
	s12 =	smul.f32 $1.000000000e+04, s12  }
0x35f: {  	v52 =	vmul.f32 v18, v8;
	s1 =	smul.f32 s1, s25;
	v40 =	vmul.f32 v40, v54;
	v54 =	vld [tilespmem:s31+$0x10];
	v13 =	vpop (erf)  }
0x360: {  	v10 =	vshll.u32 v21, $0x6;
	v57 =	vadd.f32 v16, v17;
	[tilespmem:v29+s22+$0x0] =	vst.idx.add.f32.msk $0xffff, v39;
	v12 =	vmul.f32 s12, v13;
	s12 =	simm.s32 $0x14620  }
0x361: {  	v36 =	vadd.f32 v36, v17;
	v18 =	vmov s1;
	v13 =	vadd.s32 s30, v5;
	v51 =	vld [tilespmem:s12+$0xFFFFFFE0]  }
0x362: {  	v57 =	vmul.f32 v57, v50;
	v29 =	vtrunc.f32 v55;
	vm2 =	vlt.u32 v13, $0x15;
	v53 =	vld [tilespmem:s12+$0x0]  }
0x363: {  	v36 =	vmul.f32 v36, v55;
	v29 =	vcvt.f32.s32 v29;
	v56 =	vld [tilespmem:s12+$0xFFFFFFF0];
	v14 =	vnsel vm2, $0x0, v12  }
0x364: {  	[tilespmem:v28+s5+$0x0] =	vst.idx.add.f32.msk $0xffff, v48;
	s1 =	simm.s32 $0x14460;
	v62 =	vmul.f32 v54, v7;
	v12 =	vadd.s32 v19, v10;
	v9 =	vbroadcast v14, $0x0  }
0x365: {  	v47 =	vld [tilespmem:s1+$0xFFFFFFE0];
	v8 =	vbroadcast v14, $0x1;
	v11 =	vbroadcast v14, $0x2;
	v21 =	vsel vm0, v12, v2  }
0x366: {  	v16 =	vld.msk [tilespmem:s4+$0x13000 ss:$0x0], $0xffff;
	v10 =	vbroadcast v14, $0x3;
	v13 =	vbroadcast v14, $0x4  }
0x367: {  	[tilespmem:v28+s6+$0x0] =	vst.idx.add.f32.msk $0xffff, v49;
	v19 =	vmul.f32 v51, v7;
	v58 =	vmul.f32 v53, v7  }
0x368: {  	[tilespmem:v34+s6+$0x0] =	vst.idx.add.f32.msk $0xffff, v42;
	v12 =	vbroadcast v14, $0x5;
	v61 =	vmul.f32 v56, v7  }
0x369: {  	[tilespmem:v28+s7+$0x0] =	vst.idx.add.f32.msk $0xffff, v32;
	v15 =	vbroadcast v14, $0x6;
	v19 =	vadd.f32 v19, v18;
	v58 =	vadd.f32 v58, v18  }
0x36a: {  	v14 =	vbroadcast v14, $0x7;
	v61 =	vadd.f32 v61, v18;
	[tilespmem:v21+s9+$0x0] =	vst.idx.add.f32.msk $0xffff, v52;
	v52 =	vtrunc.f32 v47  }
0x36b: {  	v37 =	vadd.s32 v60, v16;
	v59 =	vmul.f32 v19, v51;
	v39 =	vmul.f32 v58, v53  }
0x36c: {  	[tilespmem:v34+s7+$0x0] =	vst.idx.add.f32.msk $0xffff, v30;
	v29 =	vadd.s32 v29, v16;
	v53 =	vtrunc.f32 v53;
	v58 =	vmul.f32 v61, v56  }
0x36d: {  	v19 =	vld.msk [tilespmem:s4+$0x13800 ss:$0x0], $0xffff;
	v61 =	vtrunc.f32 v50;
	v50 =	vadd.f32 v62, v17;
	v62 =	vtrunc.f32 v54  }
0x36e: {  	[tilespmem:v34+s8+$0x0] =	vst.idx.add.f32.msk $0xffff, v41;
	vm1 =	vlt.u32 v37, $0x80;
	v60 =	vcvt.f32.s32 v53;
	v44 =	vcvt.f32.s32 v61  }
0x36f: {  	v53 =	vtrunc.f32 v56;
	v57 =	vadd.f32 v59, v57;
	v59 =	vld [tilespmem:s12+$0x10];
	v40 =	vadd.f32 v58, v40  }
0x370: {  	[tilespmem:v34+s22+$0x0] =	vst.idx.add.f32.msk $0xffff, v43;
	v30 =	vcvt.f32.s32 v53;
	v36 =	vadd.f32 v39, v36;
	v39 =	vcvt.f32.s32 v62  }
0x371: {  	[tilespmem:v28+s8+$0x0] =	vst.idx.add.f32.msk $0xffff, v31;
	v37 =	vshll.u32 v37, $0x6;
	v56 =	vmul.f32 $1.442695020e+00, v57;
	v57 =	vmul.f32 v50, v54  }
0x372: {  	[tilespmem:v28+s22+$0x0] =	vst.idx.add.f32.msk $0xffff, v24;
	v40 =	vmul.f32 $1.442695020e+00, v40;
	v35 =	vadd.s32 v60, v19;
	v60 =	vtrunc.f32 v51  }
0x373: {  	vm3 =	vlt.u32 v29, $0x80;
	[tilespmem:v21+s2+$0x0] =	vst.idx.add.f32.msk $0xffff, v33;
	(erf) = vpow2.f32 v56;
	v38 =	vcvt.f32.s32 v60  }
0x374: {  	[tilespmem:v21+s3+$0x0] =	vst.idx.add.f32.msk $0xffff, v27;
	s12 =	simm.s32 $0x14660;
	v31 =	vadd.s32 v44, v16;
	v63 =	vmul.f32 v59, v7;
	(erf) = vpow2.f32 v40  }
0x375: {  	v62 =	vld [tilespmem:s12+$0xFFFFFFE0];
	v39 =	vadd.s32 v39, v16;
	v32 =	vmul.f32 $1.442695020e+00, v36;
	vm14 =	vlt.u32 v31, $0x80  }
0x376: {  	v30 =	vadd.s32 v30, v19;
	v51 =	vadd.s32 v38, v19;
	v38 =	vld [tilespmem:s1+$0xFFFFFFF0];
	v55 =	vadd.f32 v63, v18  }
0x377: {  	v54 =	vshll.u32 v39, $0x6;
	vm0 =	vlt.u32 v35, $0x40;
	vm2 =	vlt.u32 v30, $0x40;
	v63 =	vld [tilespmem:s1+$0x0]  }
0x378: {  	[tilespmem:v21+s5+$0x0] =	vst.idx.add.f32.msk $0xffff, v26;
	v30 =	vadd.s32 v30, v37;
	v61 =	vtrunc.f32 v59;
	v58 =	vmul.f32 v55, v59  }
0x379: {  	[tilespmem:v21+s6+$0x0] =	vst.idx.add.f32.msk $0xffff, v25;
	v56 =	vshll.u32 v31, $0x6;
	vm2 =	vmand vm1, vm2;
	v40 =	vcvt.f32.s32 v61  }
0x37a: {  	[tilespmem:v21+s7+$0x0] =	vst.idx.add.f32.msk $0xffff, v23;
	v37 =	vadd.s32 v51, v56;
	v56 =	vtrunc.f32 v62;
	v34 =	vadd.f32 v58, v57  }
0x37b: {  	[tilespmem:v21+s8+$0x0] =	vst.idx.add.f32.msk $0xffff, v22;
	vm3 =	vmand vm3, vm0;
	v59 =	vmul.f32 v47, v7;
	v22 =	vmul.f32 v38, v7  }
0x37c: {  	v30 =	vsel vm2, v30, v2;
	v57 =	vld [tilespmem:s12+$0x0];
	v28 =	vtrunc.f32 v63;
	v34 =	vmul.f32 $1.442695020e+00, v34;
	v24 =	vpop (erf)  }
0x37d: {  	vm5 =	vlt.u32 v51, $0x40;
	v55 =	vmul.f32 v63, v7;
	v28 =	vcvt.f32.s32 v28;
	v31 =	vpop (erf)  }
0x37e: {  	(erf) = vpow2.f32 v34;
	v31 =	vnsel vm2, $0x0, v31;
	vm2 =	vmand vm14, vm5  }
0x37f: {  	v42 =	vmul.f32 v31, v14;
	v44 =	vsel vm2, v37, v2;
	v37 =	vmul.f32 v31, v15  }
0x380: {  	v60 =	vadd.f32 v22, v17;
	v27 =	vmul.f32 v31, v11;
	v45 =	vmul.f32 v31, v12  }
0x381: {  	v43 =	vnsel vm2, $0x0, v24;
	v24 =	vtrunc.f32 v38;
	v58 =	vmul.f32 v57, v7  }
0x382: {  	vm0 =	vlt.u32 v39, $0x80;
	v48 =	vmul.f32 v31, v10;
	v50 =	vmul.f32 v31, v13  }
0x383: {  	[tilespmem:v21+s22+$0x0] =	vst.idx.add.f32.msk $0xffff, v20;
	v53 =	vadd.s32 v40, v19;
	v20 =	vtrunc.f32 v57;
	v38 =	vmul.f32 v60, v38  }
0x384: {  	vm1 =	vlt.u32 v53, $0x40;
	(erf) = vpow2.f32 v32;
	v33 =	vmul.f32 v43, v12  }
0x385: {  	v36 =	vld [tilespmem:s12+$0xFFFFFFF0];
	v39 =	vmul.f32 v43, v11;
	v25 =	vcvt.f32.s32 v24;
	v21 =	vadd.f32 v58, v18  }
0x386: {  	vm1 =	vmand vm0, vm1;
	v46 =	vmul.f32 v43, v10;
	v51 =	vmul.f32 v43, v8  }
0x387: {  	v34 =	vadd.s32 v53, v54;
	v40 =	vmul.f32 v21, v57;
	v21 =	vmul.f32 v43, v9  }
0x388: {  	v49 =	vld [tilespmem:s12+$0x10];
	v53 =	vadd.f32 v59, v17;
	v20 =	vcvt.f32.s32 v20;
	v54 =	vmul.f32 v43, v13;
	v26 =	vpop (erf)  }
0x389: {  	v25 =	vadd.s32 v25, v16;
	[tilespmem:v44+s9+$0x0] =	vst.idx.add.f32.msk $0xffff, v21;
	v24 =	vnsel vm1, $0x0, v26;
	v26 =	vadd.f32 v55, v17  }
0x38a: {  	v61 =	vld [tilespmem:s1+$0x10];
	v21 =	vadd.s32 v28, v16;
	v28 =	vmul.f32 v53, v47;
	v53 =	vmul.f32 v36, v7  }
0x38b: {  	[tilespmem:v44+s2+$0x0] =	vst.idx.add.f32.msk $0xffff, v51;
	v41 =	vmul.f32 v26, v63;
	v26 =	vshll.u32 v29, $0x6;
	v29 =	vmul.f32 v31, v9  }
0x38c: {  	v58 =	vcvt.f32.s32 v56;
	[tilespmem:v44+s3+$0x0] =	vst.idx.add.f32.msk $0xffff, v39;
	v32 =	vadd.f32 v53, v18;
	v31 =	vmul.f32 v31, v8  }
0x38d: {  	v20 =	vadd.s32 v20, v19;
	vm2 =	vlt.u32 v25, $0x80;
	v57 =	vtrunc.f32 v49;
	[tilespmem:v30+s9+$0x0] =	vst.idx.add.f32.msk $0xffff, v29  }
0x38e: {  	vm0 =	vlt.u32 v20, $0x40;
	v23 =	vmul.f32 v24, v14;
	v60 =	vmul.f32 v32, v36;
	[tilespmem:v30+s2+$0x0] =	vst.idx.add.f32.msk $0xffff, v31  }
0x38f: {  	v25 =	vshll.u32 v25, $0x6;
	v63 =	vmul.f32 v49, v7;
	[tilespmem:v30+s3+$0x0] =	vst.idx.add.f32.msk $0xffff, v27;
	v27 =	vmul.f32 v62, v7  }
0x390: {  	[tilespmem:v44+s5+$0x0] =	vst.idx.add.f32.msk $0xffff, v46;
	v22 =	vadd.s32 v35, v26;
	v26 =	vcvt.f32.s32 v52;
	v29 =	vtrunc.f32 v36  }
0x391: {  	[tilespmem:v44+s6+$0x0] =	vst.idx.add.f32.msk $0xffff, v54;
	v22 =	vsel vm3, v22, v2;
	v29 =	vcvt.f32.s32 v29;
	v27 =	vadd.f32 v27, v18  }
0x392: {  	v40 =	vadd.f32 v40, v41;
	v52 =	vadd.f32 v63, v18;
	v31 =	vmul.f32 v61, v7  }
0x393: {  	[tilespmem:v44+s7+$0x0] =	vst.idx.add.f32.msk $0xffff, v33;
	v36 =	vtrunc.f32 v61;
	v63 =	vpop (erf);
	v29 =	vadd.s32 v29, v19;
	v27 =	vmul.f32 v27, v62  }
0x394: {  	[tilespmem:v30+s5+$0x0] =	vst.idx.add.f32.msk $0xffff, v48;
	v59 =	vadd.f32 v31, v17;
	v31 =	vadd.s32 v58, v19;
	v35 =	vnsel vm3, $0x0, v63  }
0x395: {  	vm15 =	vlt.u32 v29, $0x40;
	[tilespmem:v30+s6+$0x0] =	vst.idx.add.f32.msk $0xffff, v50;
	v32 =	vadd.s32 v29, v25;
	v25 =	vadd.f32 v27, v28  }
0x396: {  	[tilespmem:v30+s7+$0x0] =	vst.idx.add.f32.msk $0xffff, v45;
	v27 =	vadd.f32 v60, v38;
	v28 =	vcvt.f32.s32 v57;
	v38 =	vmul.f32 v59, v61  }
0x397: {  	vm2 =	vmand vm2, vm15;
	[tilespmem:v30+s8+$0x0] =	vst.idx.add.f32.msk $0xffff, v37;
	v61 =	vmul.f32 v43, v15;
	v29 =	vmul.f32 $1.442695020e+00, v25  }
0x398: {  	v37 =	vsel vm1, v34, v2;
	v62 =	vmul.f32 v43, v14;
	[tilespmem:v30+s22+$0x0] =	vst.idx.add.f32.msk $0xffff, v42;
	v30 =	vmul.f32 $1.442695020e+00, v27  }
0x399: {  	v28 =	vadd.s32 v28, v19;
	v25 =	vmul.f32 $1.442695020e+00, v40;
	[tilespmem:v44+s8+$0x0] =	vst.idx.add.f32.msk $0xffff, v61;
	(erf) = vpow2.f32 v29  }
0x39a: {  	s31 =	simm.s32 $0x146A0;
	s30 =	simm.s32 $0x4;
	s4 =	simm.s32 $0x144A0;
	v27 =	vmul.f32 v52, v49;
	vm1 =	vlt.u32 v28, $0x40;
	[tilespmem:v44+s22+$0x0] =	vst.idx.add.f32.msk $0xffff, v62;
	(erf) = vpow2.f32 v30  }
.LBB2_21:
0x39b: {  	v39 =	vld [tilespmem:s31+$0x0];
	s30 =	sadd.s32 $0x4, s30;
	v26 =	vadd.s32 v26, v16;
	v29 =	vcvt.f32.s32 v36;
	v30 =	vmul.f32 v24, v9  }
0x39c: {  	v33 =	vmul.f32 v24, v12;
	v36 =	vld [tilespmem:s4+$0x0];
	p0 =	slt.u32 s30, $0x18;
	v27 =	vadd.f32 v27, v38;
	v38 =	vmul.f32 v24, v15  }
0x39d: {  	vm3 =	vlt.u32 v21, $0x80;
	v34 =	vmul.f32 v24, v11;
	[tilespmem:v37+s9+$0x0] =	vst.idx.add.f32.msk $0xffff, v30;
	v30 =	vmul.f32 v24, v8  }
0x39e: {  	v42 =	vmul.f32 v35, v14;
	v41 =	vadd.s32 v29, v16;
	v40 =	vld [tilespmem:s4+$0xFFFFFFF0];
	v27 =	vmul.f32 $1.442695020e+00, v27  }
0x39f: {  	v29 =	vshll.u32 v41, $0x6;
	[tilespmem:v37+s2+$0x0] =	vst.idx.add.f32.msk $0xffff, v30;
	v30 =	vmul.f32 v24, v10;
	v24 =	vmul.f32 v24, v13  }
0x3a0: {  	v43 =	vmul.f32 v35, v15;
	v28 =	vadd.s32 v28, v29;
	(erf) = vpow2.f32 v27;
	[tilespmem:v37+s3+$0x0] =	vst.idx.add.f32.msk $0xffff, v34  }
0x3a1: {  	v29 =	vsel vm2, v32, v2;
	v44 =	vld [tilespmem:s4+$0xFFFFFFE0];
	v45 =	vtrunc.f32 v36;
	v46 =	vmul.f32 v36, v7  }
0x3a2: {  	v48 =	vmul.f32 v35, v13;
	v49 =	vmul.f32 v35, v12;
	v34 =	vshll.u32 v26, $0x6;
	v27 =	vld [tilespmem:s31+$0x10];
	v47 =	vpop (erf)  }
0x3a3: {  	v50 =	vmul.f32 v35, v10;
	vm4 =	vlt.u32 v26, $0x80;
	v26 =	vadd.s32 v31, v34;
	v32 =	vpop (erf);
	[tilespmem:v37+s5+$0x0] =	vst.idx.add.f32.msk $0xffff, v30  }
0x3a4: {  	vm5 =	vlt.u32 v31, $0x40;
	v31 =	vnsel vm2, $0x0, v32;
	v32 =	vmul.f32 v35, v11;
	[tilespmem:v37+s6+$0x0] =	vst.idx.add.f32.msk $0xffff, v24  }
0x3a5: {  	vm2 =	vmand vm4, vm5;
	v24 =	vmul.f32 v35, v8;
	v34 =	vmul.f32 v31, v14;
	[tilespmem:v37+s7+$0x0] =	vst.idx.add.f32.msk $0xffff, v33  }
0x3a6: {  	v51 =	vmul.f32 v35, v9;
	v33 =	vnsel vm2, $0x0, v47;
	v30 =	vsel vm2, v26, v2;
	[tilespmem:v37+s8+$0x0] =	vst.idx.add.f32.msk $0xffff, v38  }
0x3a7: {  	vm3 =	vmand vm3, vm0;
	v35 =	vmul.f32 v33, v12;
	v38 =	vmul.f32 v31, v15;
	[tilespmem:v37+s22+$0x0] =	vst.idx.add.f32.msk $0xffff, v23  }
0x3a8: {  	vm0 =	vlt.u32 v41, $0x80;
	v47 =	vmul.f32 v31, v12;
	v37 =	vmul.f32 v31, v11;
	[tilespmem:v22+s9+$0x0] =	vst.idx.add.f32.msk $0xffff, v51  }
0x3a9: {  	vm1 =	vmand vm0, vm1;
	v41 =	vmul.f32 v33, v11;
	v23 =	vtrunc.f32 v40;
	v26 =	vpop (erf);
	[tilespmem:v22+s2+$0x0] =	vst.idx.add.f32.msk $0xffff, v24  }
0x3aa: {  	v23 =	vcvt.f32.s32 v23;
	v51 =	vmul.f32 v33, v10;
	v24 =	vnsel vm1, $0x0, v26;
	[tilespmem:v22+s3+$0x0] =	vst.idx.add.f32.msk $0xffff, v32  }
0x3ab: {  	v52 =	vmul.f32 v31, v10;
	v26 =	vadd.f32 v46, v17;
	v46 =	vmul.f32 v39, v7;
	v32 =	vld [tilespmem:s31+$0xFFFFFFF0]  }
0x3ac: {  	v45 =	vcvt.f32.s32 v45;
	v53 =	vadd.s32 v23, v16;
	v23 =	vmul.f32 v24, v14;
	[tilespmem:v22+s5+$0x0] =	vst.idx.add.f32.msk $0xffff, v50  }
0x3ad: {  	vm2 =	vlt.u32 v53, $0x80;
	v36 =	vmul.f32 v26, v36;
	v50 =	vmul.f32 v31, v13;
	[tilespmem:v22+s6+$0x0] =	vst.idx.add.f32.msk $0xffff, v48  }
0x3ae: {  	v21 =	vshll.u32 v21, $0x6;
	v26 =	vmul.f32 v40, v7;
	v48 =	vmul.f32 v33, v8;
	[tilespmem:v22+s7+$0x0] =	vst.idx.add.f32.msk $0xffff, v49  }
0x3af: {  	v54 =	vmul.f32 v31, v9;
	v46 =	vadd.f32 v46, v18;
	v49 =	vtrunc.f32 v39;
	[tilespmem:v22+s8+$0x0] =	vst.idx.add.f32.msk $0xffff, v43  }
0x3b0: {  	v55 =	vmul.f32 v44, v7;
	v56 =	vadd.f32 v26, v17;
	v43 =	vtrunc.f32 v44;
	[tilespmem:v22+s22+$0x0] =	vst.idx.add.f32.msk $0xffff, v42  }
0x3b1: {  	v20 =	vadd.s32 v20, v21;
	v39 =	vmul.f32 v46, v39;
	v22 =	vmul.f32 v33, v9;
	v42 =	vld [tilespmem:s4+$0x10]  }
0x3b2: {  	v55 =	vadd.f32 v55, v17;
	v21 =	vcvt.f32.s32 v49;
	v49 =	vmul.f32 v27, v7;
	v46 =	vld [tilespmem:s31+$0xFFFFFFE0]  }
0x3b3: {  	v31 =	vmul.f32 v31, v8;
	v26 =	vcvt.f32.s32 v43;
	[tilespmem:v30+s9+$0x0] =	vst.idx.add.f32.msk $0xffff, v22;
	v22 =	vsel vm3, v20, v2  }
0x3b4: {  	v40 =	vmul.f32 v56, v40;
	v20 =	vadd.s32 v21, v19;
	[tilespmem:v29+s9+$0x0] =	vst.idx.add.f32.msk $0xffff, v54;
	(erf) = vpow2.f32 v25  }
0x3b5: {  	v39 =	vadd.f32 v39, v36;
	v21 =	vadd.s32 v45, v16;
	v25 =	vtrunc.f32 v32;
	[tilespmem:v29+s2+$0x0] =	vst.idx.add.f32.msk $0xffff, v31  }
0x3b6: {  	v36 =	vmul.f32 v55, v44;
	vm0 =	vlt.u32 v20, $0x40;
	v31 =	vmul.f32 v42, v7;
	[tilespmem:v29+s3+$0x0] =	vst.idx.add.f32.msk $0xffff, v37  }
0x3b7: {  	v43 =	vadd.f32 v49, v18;
	v25 =	vcvt.f32.s32 v25;
	v37 =	vmul.f32 v46, v7;
	[tilespmem:v29+s5+$0x0] =	vst.idx.add.f32.msk $0xffff, v52  }
0x3b8: {  	v44 =	vmul.f32 v32, v7;
	v45 =	vshll.u32 v53, $0x6;
	[tilespmem:v30+s2+$0x0] =	vst.idx.add.f32.msk $0xffff, v48;
	v48 =	vmul.f32 v33, v13  }
0x3b9: {  	v49 =	vtrunc.f32 v46;
	v25 =	vadd.s32 v25, v19;
	v37 =	vadd.f32 v37, v18;
	[tilespmem:v30+s3+$0x0] =	vst.idx.add.f32.msk $0xffff, v41  }
0x3ba: {  	vm4 =	vlt.u32 v25, $0x40;
	v41 =	vadd.f32 v44, v18;
	v44 =	vtrunc.f32 v27;
	[tilespmem:v30+s5+$0x0] =	vst.idx.add.f32.msk $0xffff, v51  }
0x3bb: {  	v49 =	vcvt.f32.s32 v49;
	v37 =	vmul.f32 v37, v46;
	v46 =	vadd.f32 v31, v17;
	[tilespmem:v29+s6+$0x0] =	vst.idx.add.f32.msk $0xffff, v50  }
0x3bc: {  	vm2 =	vmand vm2, vm4;
	v41 =	vmul.f32 v41, v32;
	v32 =	vadd.s32 v25, v45;
	[tilespmem:v29+s7+$0x0] =	vst.idx.add.f32.msk $0xffff, v47  }
0x3bd: {  	v31 =	vadd.s32 v49, v19;
	v25 =	vadd.f32 v37, v36;
	v36 =	vtrunc.f32 v42;
	[tilespmem:v29+s8+$0x0] =	vst.idx.add.f32.msk $0xffff, v38;
	v45 =	vpop (erf)  }
.Ltmp13:
0x3be: {  	v40 =	vadd.f32 v41, v40;
	v41 =	vcvt.f32.s32 v44;
	v38 =	vmul.f32 v46, v42;
	[tilespmem:v30+s6+$0x0] =	vst.idx.add.f32.msk $0xffff, v48;
	(pc) =	sbr.rel @p0 .LBB2_21-.Ltmp13, $4  }
0x3bf: {  	v44 =	vmul.f32 v33, v15;
	v37 =	vsel vm1, v28, v2;
	v42 =	vmul.f32 $1.442695020e+00, v25;
	[tilespmem:v29+s22+$0x0] =	vst.idx.add.f32.msk $0xffff, v34  }
0x3c0: {  	v33 =	vmul.f32 v33, v14;
	v29 =	vmul.f32 $1.442695020e+00, v40;
	v28 =	vadd.s32 v41, v19;
	[tilespmem:v30+s7+$0x0] =	vst.idx.add.f32.msk $0xffff, v35  }
0x3c1: {  	v25 =	vmul.f32 $1.442695020e+00, v39;
	vm1 =	vlt.u32 v28, $0x40;
	(erf) = vpow2.f32 v42;
	[tilespmem:v30+s8+$0x0] =	vst.idx.add.f32.msk $0xffff, v44  }
0x3c2: {  	s4 =	sadd.s32 $0x40, s4;
	s31 =	sadd.s32 $0x40, s31;
	v27 =	vmul.f32 v43, v27;
	v35 =	vnsel vm3, $0x0, v45;
	(erf) = vpow2.f32 v29;
	[tilespmem:v30+s22+$0x0] =	vst.idx.add.f32.msk $0xffff, v33  }
0x3c3: {  	_ =	sdelay $0x1  }
0x3c4: {  	v17 =	vmul.f32 v24, v9  }
0x3c5: {  	v47 =	vmul.f32 v35, v9  }
0x3c6: {  	v18 =	vmul.f32 v24, v8;
	[tilespmem:v37+s9+$0x0] =	vst.idx.add.f32.msk $0xffff, v17  }
0x3c7: {  	v49 =	vmul.f32 v35, v8;
	[tilespmem:v22+s9+$0x0] =	vst.idx.add.f32.msk $0xffff, v47  }
0x3c8: {  	v43 =	vmul.f32 v24, v11;
	[tilespmem:v37+s2+$0x0] =	vst.idx.add.f32.msk $0xffff, v18  }
0x3c9: {  	v51 =	vmul.f32 v35, v11;
	[tilespmem:v22+s2+$0x0] =	vst.idx.add.f32.msk $0xffff, v49  }
0x3ca: {  	v44 =	vmul.f32 v24, v10;
	[tilespmem:v37+s3+$0x0] =	vst.idx.add.f32.msk $0xffff, v43  }
0x3cb: {  	v52 =	vmul.f32 v35, v10;
	[tilespmem:v22+s3+$0x0] =	vst.idx.add.f32.msk $0xffff, v51  }
0x3cc: {  	v19 =	vmul.f32 v24, v13;
	[tilespmem:v37+s5+$0x0] =	vst.idx.add.f32.msk $0xffff, v44  }
0x3cd: {  	v53 =	vmul.f32 v35, v13;
	[tilespmem:v22+s5+$0x0] =	vst.idx.add.f32.msk $0xffff, v52  }
0x3ce: {  	v45 =	vmul.f32 v24, v12;
	v48 =	vadd.s32 v26, v16;
	vm4 =	vlt.u32 v31, $0x40;
	[tilespmem:v37+s6+$0x0] =	vst.idx.add.f32.msk $0xffff, v19  }
0x3cf: {  	v55 =	vmul.f32 v35, v12;
	v50 =	vshll.u32 v48, $0x6;
	vm3 =	vlt.u32 v48, $0x80;
	[tilespmem:v22+s6+$0x0] =	vst.idx.add.f32.msk $0xffff, v53  }
0x3d0: {  	v46 =	vmul.f32 v24, v15;
	v54 =	vadd.s32 v31, v50;
	vm3 =	vmand vm3, vm4;
	[tilespmem:v37+s7+$0x0] =	vst.idx.add.f32.msk $0xffff, v45  }
0x3d1: {  	v56 =	vmul.f32 v35, v15;
	v19 =	vsel vm3, v54, v2;
	[tilespmem:v22+s7+$0x0] =	vst.idx.add.f32.msk $0xffff, v55  }
0x3d2: {  	v57 =	vsel vm2, v32, v2;
	v58 =	vpop (erf);
	[tilespmem:v37+s8+$0x0] =	vst.idx.add.f32.msk $0xffff, v46  }
0x3d3: {  	v59 =	vmul.f32 v35, v14;
	v29 =	vpop (erf);
	v26 =	vnsel vm3, $0x0, v58;
	[tilespmem:v22+s8+$0x0] =	vst.idx.add.f32.msk $0xffff, v56  }
0x3d4: {  	[tilespmem:v37+s22+$0x0] =	vst.idx.add.f32.msk $0xffff, v23;
	v60 =	vnsel vm2, $0x0, v29;
	v61 =	vmul.f32 v26, v9  }
0x3d5: {  	v27 =	vadd.f32 v27, v38;
	[tilespmem:v22+s22+$0x0] =	vst.idx.add.f32.msk $0xffff, v59;
	v29 =	vmul.f32 v60, v9  }
0x3d6: {  	v32 =	vmul.f32 v26, v8;
	[tilespmem:v19+s9+$0x0] =	vst.idx.add.f32.msk $0xffff, v61  }
0x3d7: {  	v63 =	vmul.f32 $1.442695020e+00, v27;
	v62 =	vmul.f32 v60, v8;
	[tilespmem:v57+s9+$0x0] =	vst.idx.add.f32.msk $0xffff, v29  }
0x3d8: {  	v33 =	vmul.f32 v26, v11;
	[tilespmem:v19+s2+$0x0] =	vst.idx.add.f32.msk $0xffff, v32  }
0x3d9: {  	(erf) = vpow2.f32 v63;
	v30 =	vmul.f32 v60, v11;
	[tilespmem:v57+s2+$0x0] =	vst.idx.add.f32.msk $0xffff, v62  }
0x3da: {  	v34 =	vmul.f32 v26, v10;
	[tilespmem:v19+s3+$0x0] =	vst.idx.add.f32.msk $0xffff, v33  }
0x3db: {  	v31 =	vmul.f32 v60, v10;
	[tilespmem:v57+s3+$0x0] =	vst.idx.add.f32.msk $0xffff, v30  }
0x3dc: {  	v35 =	vcvt.f32.s32 v36;
	v41 =	vmul.f32 v26, v13;
	[tilespmem:v19+s5+$0x0] =	vst.idx.add.f32.msk $0xffff, v34  }
0x3dd: {  	(erf) = vpow2.f32 v25;
	v36 =	vmul.f32 v60, v13;
	[tilespmem:v57+s5+$0x0] =	vst.idx.add.f32.msk $0xffff, v31  }
0x3de: {  	v38 =	vadd.s32 v35, v16;
	v44 =	vmul.f32 v26, v12;
	[tilespmem:v19+s6+$0x0] =	vst.idx.add.f32.msk $0xffff, v41  }
0x3df: {  	v40 =	vshll.u32 v38, $0x6;
	vm14 =	vlt.u32 v38, $0x80;
	v37 =	vmul.f32 v60, v12;
	[tilespmem:v57+s6+$0x0] =	vst.idx.add.f32.msk $0xffff, v36  }
0x3e0: {  	v42 =	vadd.s32 v28, v40;
	vm1 =	vmand vm14, vm1;
	v47 =	vmul.f32 v26, v15;
	[tilespmem:v19+s7+$0x0] =	vst.idx.add.f32.msk $0xffff, v44  }
0x3e1: {  	v45 =	vsel vm1, v42, v2;
	v39 =	vmul.f32 v60, v15;
	[tilespmem:v57+s7+$0x0] =	vst.idx.add.f32.msk $0xffff, v37  }
0x3e2: {  	vm15 =	vlt.u32 v21, $0x80;
	v48 =	vmul.f32 v26, v14;
	v46 =	vpop (erf);
	[tilespmem:v19+s8+$0x0] =	vst.idx.add.f32.msk $0xffff, v47  }
0x3e3: {  	v52 =	vshll.u32 v21, $0x6;
	v43 =	vmul.f32 v60, v14;
	v18 =	vnsel vm1, $0x0, v46;
	[tilespmem:v57+s8+$0x0] =	vst.idx.add.f32.msk $0xffff, v39  }
0x3e4: {  	vm0 =	vmand vm15, vm0;
	v20 =	vadd.s32 v20, v52;
	v49 =	vmul.f32 v18, v9;
	[tilespmem:v19+s22+$0x0] =	vst.idx.add.f32.msk $0xffff, v48  }
0x3e5: {  	v55 =	vsel vm0, v20, v2;
	v50 =	vmul.f32 v18, v8;
	[tilespmem:v57+s22+$0x0] =	vst.idx.add.f32.msk $0xffff, v43  }
0x3e6: {  	v51 =	vmul.f32 v18, v11;
	v57 =	vpop (erf);
	[tilespmem:v45+s9+$0x0] =	vst.idx.add.f32.msk $0xffff, v49  }
0x3e7: {  	v53 =	vmul.f32 v18, v10;
	v17 =	vnsel vm0, $0x0, v57;
	[tilespmem:v45+s2+$0x0] =	vst.idx.add.f32.msk $0xffff, v50  }
0x3e8: {  	v59 =	vmul.f32 v17, v9;
	[tilespmem:v45+s3+$0x0] =	vst.idx.add.f32.msk $0xffff, v51  }
0x3e9: {  	v54 =	vmul.f32 v18, v13;
	[tilespmem:v45+s5+$0x0] =	vst.idx.add.f32.msk $0xffff, v53  }
0x3ea: {  	v8 =	vmul.f32 v17, v8;
	[tilespmem:v55+s9+$0x0] =	vst.idx.add.f32.msk $0xffff, v59  }
0x3eb: {  	v56 =	vmul.f32 v18, v12;
	[tilespmem:v45+s6+$0x0] =	vst.idx.add.f32.msk $0xffff, v54  }
0x3ec: {  	v60 =	vmul.f32 v17, v11;
	[tilespmem:v55+s2+$0x0] =	vst.idx.add.f32.msk $0xffff, v8  }
0x3ed: {  	v58 =	vmul.f32 v18, v15;
	[tilespmem:v45+s7+$0x0] =	vst.idx.add.f32.msk $0xffff, v56  }
0x3ee: {  	v61 =	vmul.f32 v17, v10;
	[tilespmem:v55+s3+$0x0] =	vst.idx.add.f32.msk $0xffff, v60  }
0x3ef: {  	s29 =	sadd.s32 $0x2, s29;
	v18 =	vmul.f32 v18, v14;
	[tilespmem:v45+s8+$0x0] =	vst.idx.add.f32.msk $0xffff, v58  }
0x3f0: {  	p0 =	slt.s32 s29, s28;
	v8 =	vmul.f32 v17, v13;
	[tilespmem:v55+s5+$0x0] =	vst.idx.add.f32.msk $0xffff, v61  }
.Ltmp14:
0x3f1: {  	v62 =	vmul.f32 v17, v12;
	[tilespmem:v45+s22+$0x0] =	vst.idx.add.f32.msk $0xffff, v18;
	(pc) =	sbr.rel @p0 .LBB2_18-.Ltmp14, $4  }
0x3f2: {  	v63 =	vmul.f32 v17, v15;
	[tilespmem:v55+s6+$0x0] =	vst.idx.add.f32.msk $0xffff, v8  }
0x3f3: {  	v8 =	vmul.f32 v17, v14;
	[tilespmem:v55+s7+$0x0] =	vst.idx.add.f32.msk $0xffff, v62  }
0x3f4: {  	[tilespmem:v55+s8+$0x0] =	vst.idx.add.f32.msk $0xffff, v63  }
0x3f5: {  	[tilespmem:v55+s22+$0x0] =	vst.idx.add.f32.msk $0xffff, v8  }
.LBB2_23:
0x3f6: {  	p0 =	sge.s32 s28, s26  }
.Ltmp15:
0x3f7: {  	_ = 	snop;
	(pc) =	sbr.rel @p0 .LBB2_27-.Ltmp15, $1  }
0x3f8: {  	_ =	sdelay $0x3  }
.LBB2_24:
0x3f9: {  	v8 =	vld [tilespmem:s28+$0x14A00];
	_ =	sdelay $0x4  }
0x3fa: {  	(v2sf) =	vpush v8, $0x0;
	_ =	sdelay $0xe  }
0x3fb: {  	s4 =	spop (v2sf)  }
0x3fc: {  	v8 =	vld [tilespmem:s4+$0x12800];
	_ =	sdelay $0x4  }
0x3fd: {  	(v2sf) =	vpush v8, $0x0  }
0x3fe: {  	v8 =	vld [tilespmem:s4+$0x11000];
	_ =	sdelay $0x4  }
0x3ff: {  	(v2sf) =	vpush v8, $0x0;
	_ =	sdelay $0x2  }
0x400: {  	v9 =	vld [tilespmem:s4+$0x10800];
	_ =	sdelay $0x2  }
0x401: {  	v10 =	vld [tilespmem:s4+$0x10000];
	_ =	sdelay $0x1  }
0x402: {  	(v2sf) =	vpush v9, $0x0  }
0x403: {  	s0 =	spop (v2sf)  }
0x404: {  	v11 =	vld [tilespmem:s4+$0x11800];
	s0 =	ssub.s32 s18, s0  }
0x405: {  	(v2sf) =	vpush v10, $0x0;
	v12 =	vadd.s32 s0, v2  }
0x406: {  	v8 =	vbroadcast v8, $0x0;
	v12 =	vcvt.s32.f32 v12;
	_ =	sdelay $0x1  }
0x407: {  	v8 =	vsub.f32 v12, v8  }
0x408: {  	s1 =	spop (v2sf);
	(v2sf) =	vpush v11, $0x0  }
0x409: {  	s1 =	smul.f32 s1, s1;
	v8 =	vmul.f32 v8, v8;
	_ =	sdelay $0x1  }
0x40a: {  	v8 =	vsub.f32 s1, v8;
	_ =	sdelay $0x1  }
0x40b: {  	v8 =	vmul.f32 v8, v6  }
0x40c: {  	v9 =	vadd.s32 s0, v5;
	s0 =	simm.s32 $0x14420  }
0x40d: {  	v16 =	vld [tilespmem:s0+$0x0];
	v8 =	vmul.f32 $1.442695020e+00, v8  }
0x40e: {  	v20 =	vld [tilespmem:s0+$0xFFFFFFF0];
	s31 =	spop (v2sf)  }
0x40f: {  	s1 =	sadd.f32 s31, s31;
	(erf) = vpow2.f32 v8;
	_ =	sdelay $0x1  }
0x410: {  	s1 =	smul.f32 s1, s25;
	s12 =	spop (v2sf)  }
0x411: {  	v22 =	vld [tilespmem:s0+$0xFFFFFFE0];
	v18 =	vmul.f32 v16, v7;
	s12 =	sadd.f32 s12, s12  }
0x412: {  	v34 =	vld [tilespmem:s0+$0x10];
	v19 =	vtrunc.f32 v20;
	v17 =	vmov s1  }
0x413: {  	v25 =	vcvt.f32.s32 v19;
	v19 =	vadd.f32 v18, v17;
	s31 =	smul.f32 s12, s25  }
0x414: {  	s12 =	simm.s32 $0x14460;
	s29 =	spop (v2sf)  }
0x415: {  	v29 =	vmul.f32 v19, v16;
	v19 =	vmul.f32 v20, v7;
	v42 =	vld [tilespmem:s12+$0xFFFFFFE0];
	v18 =	vmov s31;
	s31 =	simm.s32 $0x14660;
	s29 =	smax.f32 s29, $0.0e+00  }
0x416: {  	v24 =	vtrunc.f32 v16;
	v31 =	vmul.f32 v22, v7;
	v47 =	vld [tilespmem:s31+$0x10];
	s29 =	smul.f32 $1.000000000e+04, s29  }
0x417: {  	v32 =	vtrunc.f32 v22;
	v60 =	vmul.f32 v34, v7;
	v33 =	vadd.f32 v19, v17;
	v8 =	vpop (erf)  }
0x418: {  	v24 =	vcvt.f32.s32 v24;
	v16 =	vld.msk [tilespmem:s4+$0x13000 ss:$0x0], $0xffff;
	v8 =	vmul.f32 s29, v8;
	s29 =	simm.s32 $0x14620  }
0x419: {  	v32 =	vcvt.f32.s32 v32;
	v20 =	vmul.f32 v33, v20;
	v21 =	vld [tilespmem:s29+$0x0]  }
0x41a: {  	vm0 =	vlt.u32 v9, $0x15;
	v52 =	vtrunc.f32 v42;
	v53 =	vmul.f32 v42, v7  }
0x41b: {  	v19 =	vld.msk [tilespmem:s4+$0x13800 ss:$0x0], $0xffff;
	v56 =	vmul.f32 v47, v7;
	v58 =	vtrunc.f32 v47;
	v15 =	vnsel vm0, $0x0, v8  }
0x41c: {  	v23 =	vld [tilespmem:s29+$0xFFFFFFE0];
	v14 =	vbroadcast v15, $0x0;
	v11 =	vbroadcast v15, $0x1  }
0x41d: {  	v25 =	vadd.s32 v25, v16;
	v51 =	vld [tilespmem:s31+$0xFFFFFFF0];
	v12 =	vbroadcast v15, $0x2;
	v8 =	vbroadcast v15, $0x3  }
0x41e: {  	v26 =	vld [tilespmem:s29+$0xFFFFFFF0];
	v53 =	vadd.f32 v53, v17;
	v13 =	vbroadcast v15, $0x4;
	v28 =	vmul.f32 v21, v7  }
0x41f: {  	vm1 =	vlt.u32 v25, $0x80;
	v27 =	vld [tilespmem:s29+$0x10];
	v9 =	vbroadcast v15, $0x5;
	v10 =	vbroadcast v15, $0x6  }
0x420: {  	v15 =	vbroadcast v15, $0x7;
	v42 =	vmul.f32 v53, v42;
	v28 =	vadd.f32 v28, v18  }
0x421: {  	v25 =	vshll.u32 v25, $0x6;
	v30 =	vtrunc.f32 v21;
	v35 =	vmul.f32 v23, v7  }
0x422: {  	v30 =	vcvt.f32.s32 v30;
	v21 =	vmul.f32 v28, v21;
	v28 =	vadd.f32 v31, v17  }
0x423: {  	v53 =	vmul.f32 v51, v7;
	v35 =	vadd.f32 v35, v18;
	v31 =	vmul.f32 v26, v7  }
0x424: {  	v36 =	vmul.f32 v27, v7;
	v30 =	vadd.s32 v30, v19;
	v22 =	vmul.f32 v28, v22  }
0x425: {  	v31 =	vadd.f32 v31, v18;
	v28 =	vmul.f32 v35, v23;
	v23 =	vtrunc.f32 v23  }
0x426: {  	v54 =	vld [tilespmem:s12+$0x10];
	vm0 =	vlt.u32 v30, $0x40;
	v21 =	vadd.f32 v21, v29;
	v23 =	vcvt.f32.s32 v23  }
0x427: {  	v31 =	vmul.f32 v31, v26;
	v26 =	vtrunc.f32 v26;
	v22 =	vadd.f32 v28, v22  }
0x428: {  	v28 =	vadd.s32 v24, v16;
	v24 =	vadd.f32 v60, v17;
	v21 =	vmul.f32 $1.442695020e+00, v21  }
0x429: {  	v26 =	vcvt.f32.s32 v26;
	v23 =	vadd.s32 v23, v19;
	v20 =	vadd.f32 v31, v20  }
0x42a: {  	v31 =	vadd.f32 v36, v18;
	v22 =	vmul.f32 $1.442695020e+00, v22;
	v24 =	vmul.f32 v24, v34  }
0x42b: {  	vm3 =	vlt.u32 v28, $0x80;
	v36 =	vtrunc.f32 v54;
	v20 =	vmul.f32 $1.442695020e+00, v20  }
0x42c: {  	vm5 =	vlt.u32 v23, $0x40;
	(erf) = vpow2.f32 v22;
	v22 =	vmul.f32 v31, v27  }
0x42d: {  	vm3 =	vmand vm3, vm0;
	(erf) = vpow2.f32 v20;
	v20 =	vtrunc.f32 v27  }
0x42e: {  	v22 =	vadd.f32 v22, v24;
	v24 =	vadd.s32 v26, v19;
	v26 =	vtrunc.f32 v34;
	v27 =	vld [tilespmem:s12+$0x0]  }
0x42f: {  	v31 =	vld [tilespmem:s12+$0xFFFFFFF0];
	v20 =	vcvt.f32.s32 v20;
	vm2 =	vlt.u32 v24, $0x40;
	v26 =	vcvt.f32.s32 v26  }
0x430: {  	v24 =	vadd.s32 v24, v25;
	v22 =	vmul.f32 $1.442695020e+00, v22;
	vm1 =	vmand vm1, vm2  }
0x431: {  	v20 =	vadd.s32 v20, v19;
	v25 =	vadd.s32 v26, v16;
	v26 =	vadd.s32 v32, v16  }
0x432: {  	(erf) = vpow2.f32 v22;
	vm2 =	vlt.u32 v20, $0x40;
	v22 =	vshll.u32 v25, $0x6  }
0x433: {  	v29 =	vadd.s32 v20, v22;
	v20 =	vtrunc.f32 v27;
	v22 =	vmul.f32 v27, v7  }
0x434: {  	v33 =	vsel vm1, v24, v2;
	v46 =	vcvt.f32.s32 v20;
	v20 =	vmul.f32 v31, v7  }
0x435: {  	v32 =	vshll.u32 v26, $0x6;
	vm4 =	vlt.u32 v26, $0x80;
	v24 =	vpop (erf);
	v22 =	vadd.f32 v22, v17  }
0x436: {  	vm0 =	vlt.u32 v25, $0x80;
	v23 =	vadd.s32 v23, v32;
	v20 =	vadd.f32 v20, v17;
	v26 =	vpop (erf)  }
0x437: {  	v27 =	vmul.f32 v22, v27;
	(erf) = vpow2.f32 v21;
	v61 =	vnsel vm1, $0x0, v26  }
0x438: {  	v22 =	vshll.u32 v28, $0x6;
	v63 =	vmul.f32 v20, v31;
	v34 =	vmul.f32 v61, v15  }
0x439: {  	vm1 =	vmand vm4, vm5;
	v37 =	vmul.f32 v61, v10;
	v62 =	vmul.f32 v61, v12  }
0x43a: {  	v39 =	vsel vm1, v23, v2;
	v38 =	vmul.f32 v61, v9;
	v23 =	vtrunc.f32 v31  }
0x43b: {  	v21 =	vadd.s32 v46, v16;
	v26 =	vld [tilespmem:s31+$0x0];
	v44 =	vmul.f32 v61, v8;
	v48 =	vmul.f32 v61, v13  }
0x43c: {  	v35 =	vnsel vm1, $0x0, v24;
	v50 =	vmul.f32 v61, v14;
	v32 =	vmul.f32 v61, v11  }
0x43d: {  	v22 =	vadd.s32 v30, v22;
	v30 =	vld [tilespmem:s31+$0xFFFFFFE0];
	v31 =	vmul.f32 v54, v7;
	v40 =	vmul.f32 v35, v9  }
0x43e: {  	v22 =	vsel vm3, v22, v2;
	v25 =	vmul.f32 v35, v12;
	v23 =	vcvt.f32.s32 v23;
	[tilespmem:v33+s9+$0x0] =	vst.idx.add.f32.msk $0xffff, v50  }
0x43f: {  	vm1 =	vmand vm0, vm2;
	v41 =	vmul.f32 v35, v8;
	v55 =	vmul.f32 v35, v14;
	v24 =	vpop (erf);
	[tilespmem:v33+s2+$0x0] =	vst.idx.add.f32.msk $0xffff, v32  }
0x440: {  	v49 =	vmul.f32 v35, v11;
	v24 =	vnsel vm1, $0x0, v24;
	v43 =	vmul.f32 v26, v7;
	[tilespmem:v33+s3+$0x0] =	vst.idx.add.f32.msk $0xffff, v62  }
0x441: {  	v45 =	vadd.s32 v23, v16;
	v23 =	vmul.f32 v24, v15;
	v28 =	vtrunc.f32 v26;
	[tilespmem:v39+s9+$0x0] =	vst.idx.add.f32.msk $0xffff, v55  }
0x442: {  	v60 =	vadd.f32 v31, v17;
	v50 =	vmul.f32 v30, v7;
	v57 =	vtrunc.f32 v30;
	[tilespmem:v33+s5+$0x0] =	vst.idx.add.f32.msk $0xffff, v44  }
0x443: {  	vm2 =	vlt.u32 v45, $0x80;
	v62 =	vmul.f32 v35, v10;
	v28 =	vcvt.f32.s32 v28;
	[tilespmem:v39+s2+$0x0] =	vst.idx.add.f32.msk $0xffff, v49  }
0x444: {  	v59 =	vcvt.f32.s32 v57;
	v43 =	vadd.f32 v43, v18;
	v32 =	vadd.f32 v50, v18;
	[tilespmem:v33+s6+$0x0] =	vst.idx.add.f32.msk $0xffff, v48  }
0x445: {  	v20 =	vadd.s32 v28, v19;
	v28 =	vtrunc.f32 v51;
	[tilespmem:v39+s3+$0x0] =	vst.idx.add.f32.msk $0xffff, v25;
	v25 =	vadd.f32 v53, v18  }
0x446: {  	[tilespmem:v33+s7+$0x0] =	vst.idx.add.f32.msk $0xffff, v38;
	v31 =	vadd.s32 v59, v19;
	v43 =	vmul.f32 v43, v26;
	v28 =	vcvt.f32.s32 v28  }
0x447: {  	v55 =	vshll.u32 v45, $0x6;
	v38 =	vmul.f32 v60, v54;
	[tilespmem:v39+s5+$0x0] =	vst.idx.add.f32.msk $0xffff, v41;
	v30 =	vmul.f32 v32, v30  }
0x448: {  	v25 =	vmul.f32 v25, v51;
	v27 =	vadd.f32 v43, v27;
	v28 =	vadd.s32 v28, v19  }
0x449: {  	[tilespmem:v33+s8+$0x0] =	vst.idx.add.f32.msk $0xffff, v37;
	v43 =	vadd.f32 v56, v18;
	v56 =	vmul.f32 v35, v13;
	vm15 =	vlt.u32 v28, $0x40  }
0x44a: {  	v32 =	vadd.s32 v28, v55;
	v28 =	vadd.f32 v30, v42;
	v25 =	vadd.f32 v25, v63  }
0x44b: {  	v26 =	vcvt.f32.s32 v52;
	vm0 =	vlt.u32 v20, $0x40;
	[tilespmem:v33+s22+$0x0] =	vst.idx.add.f32.msk $0xffff, v34;
	v30 =	vcvt.f32.s32 v58  }
0x44c: {  	v37 =	vsel vm1, v29, v2;
	[tilespmem:v39+s6+$0x0] =	vst.idx.add.f32.msk $0xffff, v56;
	v61 =	vmul.f32 $1.442695020e+00, v28;
	v29 =	vmul.f32 $1.442695020e+00, v25  }
0x44d: {  	v28 =	vadd.s32 v30, v19;
	[tilespmem:v39+s7+$0x0] =	vst.idx.add.f32.msk $0xffff, v40;
	v30 =	vmul.f32 v35, v15;
	v25 =	vmul.f32 $1.442695020e+00, v27  }
0x44e: {  	v63 =	vpop (erf);
	vm2 =	vmand vm2, vm15;
	v27 =	vmul.f32 v43, v47;
	[tilespmem:v39+s8+$0x0] =	vst.idx.add.f32.msk $0xffff, v62;
	(erf) = vpow2.f32 v61  }
0x44f: {  	s30 =	simm.s32 $0x146A0;
	s4 =	simm.s32 $0x144A0;
	s29 =	simm.s32 $0x4;
	v35 =	vnsel vm3, $0x0, v63;
	vm1 =	vlt.u32 v28, $0x40;
	[tilespmem:v39+s22+$0x0] =	vst.idx.add.f32.msk $0xffff, v30;
	(erf) = vpow2.f32 v29  }
.LBB2_25:
0x450: {  	v39 =	vld [tilespmem:s30+$0x0];
	s29 =	sadd.s32 $0x4, s29;
	v26 =	vadd.s32 v26, v16;
	v29 =	vcvt.f32.s32 v36;
	v30 =	vmul.f32 v24, v14  }
0x451: {  	v33 =	vmul.f32 v24, v9;
	v36 =	vld [tilespmem:s4+$0x0];
	p0 =	slt.u32 s29, $0x18;
	v27 =	vadd.f32 v27, v38;
	v38 =	vmul.f32 v24, v10  }
0x452: {  	vm3 =	vlt.u32 v21, $0x80;
	v34 =	vmul.f32 v24, v12;
	[tilespmem:v37+s9+$0x0] =	vst.idx.add.f32.msk $0xffff, v30;
	v30 =	vmul.f32 v24, v11  }
0x453: {  	v42 =	vmul.f32 v35, v15;
	v41 =	vadd.s32 v29, v16;
	v40 =	vld [tilespmem:s4+$0xFFFFFFF0];
	v27 =	vmul.f32 $1.442695020e+00, v27  }
0x454: {  	v29 =	vshll.u32 v41, $0x6;
	[tilespmem:v37+s2+$0x0] =	vst.idx.add.f32.msk $0xffff, v30;
	v30 =	vmul.f32 v24, v8;
	v24 =	vmul.f32 v24, v13  }
0x455: {  	v43 =	vmul.f32 v35, v10;
	v28 =	vadd.s32 v28, v29;
	(erf) = vpow2.f32 v27;
	[tilespmem:v37+s3+$0x0] =	vst.idx.add.f32.msk $0xffff, v34  }
0x456: {  	v29 =	vsel vm2, v32, v2;
	v44 =	vld [tilespmem:s4+$0xFFFFFFE0];
	v45 =	vtrunc.f32 v36;
	v46 =	vmul.f32 v36, v7  }
0x457: {  	v48 =	vmul.f32 v35, v13;
	v49 =	vmul.f32 v35, v9;
	v34 =	vshll.u32 v26, $0x6;
	v27 =	vld [tilespmem:s30+$0x10];
	v47 =	vpop (erf)  }
0x458: {  	v50 =	vmul.f32 v35, v8;
	vm4 =	vlt.u32 v26, $0x80;
	v26 =	vadd.s32 v31, v34;
	v32 =	vpop (erf);
	[tilespmem:v37+s5+$0x0] =	vst.idx.add.f32.msk $0xffff, v30  }
0x459: {  	vm5 =	vlt.u32 v31, $0x40;
	v31 =	vnsel vm2, $0x0, v32;
	v32 =	vmul.f32 v35, v12;
	[tilespmem:v37+s6+$0x0] =	vst.idx.add.f32.msk $0xffff, v24  }
0x45a: {  	vm2 =	vmand vm4, vm5;
	v24 =	vmul.f32 v35, v11;
	v34 =	vmul.f32 v31, v15;
	[tilespmem:v37+s7+$0x0] =	vst.idx.add.f32.msk $0xffff, v33  }
0x45b: {  	v51 =	vmul.f32 v35, v14;
	v33 =	vnsel vm2, $0x0, v47;
	v30 =	vsel vm2, v26, v2;
	[tilespmem:v37+s8+$0x0] =	vst.idx.add.f32.msk $0xffff, v38  }
0x45c: {  	vm3 =	vmand vm3, vm0;
	v35 =	vmul.f32 v33, v9;
	v38 =	vmul.f32 v31, v10;
	[tilespmem:v37+s22+$0x0] =	vst.idx.add.f32.msk $0xffff, v23  }
0x45d: {  	vm0 =	vlt.u32 v41, $0x80;
	v47 =	vmul.f32 v31, v9;
	v37 =	vmul.f32 v31, v12;
	[tilespmem:v22+s9+$0x0] =	vst.idx.add.f32.msk $0xffff, v51  }
0x45e: {  	vm1 =	vmand vm0, vm1;
	v41 =	vmul.f32 v33, v12;
	v23 =	vtrunc.f32 v40;
	v26 =	vpop (erf);
	[tilespmem:v22+s2+$0x0] =	vst.idx.add.f32.msk $0xffff, v24  }
0x45f: {  	v23 =	vcvt.f32.s32 v23;
	v51 =	vmul.f32 v33, v8;
	v24 =	vnsel vm1, $0x0, v26;
	[tilespmem:v22+s3+$0x0] =	vst.idx.add.f32.msk $0xffff, v32  }
0x460: {  	v52 =	vmul.f32 v31, v8;
	v26 =	vadd.f32 v46, v17;
	v46 =	vmul.f32 v39, v7;
	v32 =	vld [tilespmem:s30+$0xFFFFFFF0]  }
0x461: {  	v45 =	vcvt.f32.s32 v45;
	v53 =	vadd.s32 v23, v16;
	v23 =	vmul.f32 v24, v15;
	[tilespmem:v22+s5+$0x0] =	vst.idx.add.f32.msk $0xffff, v50  }
0x462: {  	vm2 =	vlt.u32 v53, $0x80;
	v36 =	vmul.f32 v26, v36;
	v50 =	vmul.f32 v31, v13;
	[tilespmem:v22+s6+$0x0] =	vst.idx.add.f32.msk $0xffff, v48  }
0x463: {  	v21 =	vshll.u32 v21, $0x6;
	v26 =	vmul.f32 v40, v7;
	v48 =	vmul.f32 v33, v11;
	[tilespmem:v22+s7+$0x0] =	vst.idx.add.f32.msk $0xffff, v49  }
0x464: {  	v54 =	vmul.f32 v31, v14;
	v46 =	vadd.f32 v46, v18;
	v49 =	vtrunc.f32 v39;
	[tilespmem:v22+s8+$0x0] =	vst.idx.add.f32.msk $0xffff, v43  }
0x465: {  	v55 =	vmul.f32 v44, v7;
	v56 =	vadd.f32 v26, v17;
	v43 =	vtrunc.f32 v44;
	[tilespmem:v22+s22+$0x0] =	vst.idx.add.f32.msk $0xffff, v42  }
0x466: {  	v20 =	vadd.s32 v20, v21;
	v39 =	vmul.f32 v46, v39;
	v22 =	vmul.f32 v33, v14;
	v42 =	vld [tilespmem:s4+$0x10]  }
0x467: {  	v55 =	vadd.f32 v55, v17;
	v21 =	vcvt.f32.s32 v49;
	v49 =	vmul.f32 v27, v7;
	v46 =	vld [tilespmem:s30+$0xFFFFFFE0]  }
0x468: {  	v31 =	vmul.f32 v31, v11;
	v26 =	vcvt.f32.s32 v43;
	[tilespmem:v30+s9+$0x0] =	vst.idx.add.f32.msk $0xffff, v22;
	v22 =	vsel vm3, v20, v2  }
0x469: {  	v40 =	vmul.f32 v56, v40;
	v20 =	vadd.s32 v21, v19;
	[tilespmem:v29+s9+$0x0] =	vst.idx.add.f32.msk $0xffff, v54;
	(erf) = vpow2.f32 v25  }
0x46a: {  	v39 =	vadd.f32 v39, v36;
	v21 =	vadd.s32 v45, v16;
	v25 =	vtrunc.f32 v32;
	[tilespmem:v29+s2+$0x0] =	vst.idx.add.f32.msk $0xffff, v31  }
0x46b: {  	v36 =	vmul.f32 v55, v44;
	vm0 =	vlt.u32 v20, $0x40;
	v31 =	vmul.f32 v42, v7;
	[tilespmem:v29+s3+$0x0] =	vst.idx.add.f32.msk $0xffff, v37  }
0x46c: {  	v43 =	vadd.f32 v49, v18;
	v25 =	vcvt.f32.s32 v25;
	v37 =	vmul.f32 v46, v7;
	[tilespmem:v29+s5+$0x0] =	vst.idx.add.f32.msk $0xffff, v52  }
0x46d: {  	v44 =	vmul.f32 v32, v7;
	v45 =	vshll.u32 v53, $0x6;
	[tilespmem:v30+s2+$0x0] =	vst.idx.add.f32.msk $0xffff, v48;
	v48 =	vmul.f32 v33, v13  }
0x46e: {  	v49 =	vtrunc.f32 v46;
	v25 =	vadd.s32 v25, v19;
	v37 =	vadd.f32 v37, v18;
	[tilespmem:v30+s3+$0x0] =	vst.idx.add.f32.msk $0xffff, v41  }
0x46f: {  	vm4 =	vlt.u32 v25, $0x40;
	v41 =	vadd.f32 v44, v18;
	v44 =	vtrunc.f32 v27;
	[tilespmem:v30+s5+$0x0] =	vst.idx.add.f32.msk $0xffff, v51  }
0x470: {  	v49 =	vcvt.f32.s32 v49;
	v37 =	vmul.f32 v37, v46;
	v46 =	vadd.f32 v31, v17;
	[tilespmem:v29+s6+$0x0] =	vst.idx.add.f32.msk $0xffff, v50  }
0x471: {  	vm2 =	vmand vm2, vm4;
	v41 =	vmul.f32 v41, v32;
	v32 =	vadd.s32 v25, v45;
	[tilespmem:v29+s7+$0x0] =	vst.idx.add.f32.msk $0xffff, v47  }
0x472: {  	v31 =	vadd.s32 v49, v19;
	v25 =	vadd.f32 v37, v36;
	v36 =	vtrunc.f32 v42;
	[tilespmem:v29+s8+$0x0] =	vst.idx.add.f32.msk $0xffff, v38;
	v45 =	vpop (erf)  }
.Ltmp16:
0x473: {  	v40 =	vadd.f32 v41, v40;
	v41 =	vcvt.f32.s32 v44;
	v38 =	vmul.f32 v46, v42;
	[tilespmem:v30+s6+$0x0] =	vst.idx.add.f32.msk $0xffff, v48;
	(pc) =	sbr.rel @p0 .LBB2_25-.Ltmp16, $4  }
0x474: {  	v44 =	vmul.f32 v33, v10;
	v37 =	vsel vm1, v28, v2;
	v42 =	vmul.f32 $1.442695020e+00, v25;
	[tilespmem:v29+s22+$0x0] =	vst.idx.add.f32.msk $0xffff, v34  }
0x475: {  	v33 =	vmul.f32 v33, v15;
	v29 =	vmul.f32 $1.442695020e+00, v40;
	v28 =	vadd.s32 v41, v19;
	[tilespmem:v30+s7+$0x0] =	vst.idx.add.f32.msk $0xffff, v35  }
0x476: {  	v25 =	vmul.f32 $1.442695020e+00, v39;
	vm1 =	vlt.u32 v28, $0x40;
	(erf) = vpow2.f32 v42;
	[tilespmem:v30+s8+$0x0] =	vst.idx.add.f32.msk $0xffff, v44  }
0x477: {  	s4 =	sadd.s32 $0x40, s4;
	s30 =	sadd.s32 $0x40, s30;
	v27 =	vmul.f32 v43, v27;
	v35 =	vnsel vm3, $0x0, v45;
	(erf) = vpow2.f32 v29;
	[tilespmem:v30+s22+$0x0] =	vst.idx.add.f32.msk $0xffff, v33  }
0x478: {  	_ =	sdelay $0x1  }
0x479: {  	v17 =	vmul.f32 v24, v14  }
0x47a: {  	v46 =	vmul.f32 v35, v14  }
0x47b: {  	v18 =	vmul.f32 v24, v11;
	[tilespmem:v37+s9+$0x0] =	vst.idx.add.f32.msk $0xffff, v17  }
0x47c: {  	v48 =	vmul.f32 v35, v11;
	[tilespmem:v22+s9+$0x0] =	vst.idx.add.f32.msk $0xffff, v46  }
0x47d: {  	v42 =	vmul.f32 v24, v12;
	[tilespmem:v37+s2+$0x0] =	vst.idx.add.f32.msk $0xffff, v18  }
0x47e: {  	v50 =	vmul.f32 v35, v12;
	[tilespmem:v22+s2+$0x0] =	vst.idx.add.f32.msk $0xffff, v48  }
0x47f: {  	v43 =	vmul.f32 v24, v8;
	[tilespmem:v37+s3+$0x0] =	vst.idx.add.f32.msk $0xffff, v42  }
0x480: {  	v51 =	vmul.f32 v35, v8;
	[tilespmem:v22+s3+$0x0] =	vst.idx.add.f32.msk $0xffff, v50  }
0x481: {  	v19 =	vmul.f32 v24, v13;
	[tilespmem:v37+s5+$0x0] =	vst.idx.add.f32.msk $0xffff, v43  }
0x482: {  	v52 =	vmul.f32 v35, v13;
	[tilespmem:v22+s5+$0x0] =	vst.idx.add.f32.msk $0xffff, v51  }
0x483: {  	v44 =	vmul.f32 v24, v9;
	v47 =	vadd.s32 v26, v16;
	vm4 =	vlt.u32 v31, $0x40;
	[tilespmem:v37+s6+$0x0] =	vst.idx.add.f32.msk $0xffff, v19  }
0x484: {  	v54 =	vmul.f32 v35, v9;
	v49 =	vshll.u32 v47, $0x6;
	vm3 =	vlt.u32 v47, $0x80;
	[tilespmem:v22+s6+$0x0] =	vst.idx.add.f32.msk $0xffff, v52  }
0x485: {  	v45 =	vmul.f32 v24, v10;
	v53 =	vadd.s32 v31, v49;
	vm3 =	vmand vm3, vm4;
	[tilespmem:v37+s7+$0x0] =	vst.idx.add.f32.msk $0xffff, v44  }
0x486: {  	v55 =	vmul.f32 v35, v10;
	v19 =	vsel vm3, v53, v2;
	[tilespmem:v22+s7+$0x0] =	vst.idx.add.f32.msk $0xffff, v54  }
0x487: {  	v56 =	vsel vm2, v32, v2;
	v57 =	vpop (erf);
	[tilespmem:v37+s8+$0x0] =	vst.idx.add.f32.msk $0xffff, v45  }
0x488: {  	v58 =	vmul.f32 v35, v15;
	v29 =	vpop (erf);
	v26 =	vnsel vm3, $0x0, v57;
	[tilespmem:v22+s8+$0x0] =	vst.idx.add.f32.msk $0xffff, v55  }
0x489: {  	[tilespmem:v37+s22+$0x0] =	vst.idx.add.f32.msk $0xffff, v23;
	v59 =	vnsel vm2, $0x0, v29;
	v60 =	vmul.f32 v26, v14  }
0x48a: {  	v27 =	vadd.f32 v27, v38;
	[tilespmem:v22+s22+$0x0] =	vst.idx.add.f32.msk $0xffff, v58;
	v29 =	vmul.f32 v59, v14  }
0x48b: {  	v31 =	vmul.f32 v26, v11;
	[tilespmem:v19+s9+$0x0] =	vst.idx.add.f32.msk $0xffff, v60  }
0x48c: {  	v62 =	vmul.f32 $1.442695020e+00, v27;
	v61 =	vmul.f32 v59, v11;
	[tilespmem:v56+s9+$0x0] =	vst.idx.add.f32.msk $0xffff, v29  }
0x48d: {  	v32 =	vmul.f32 v26, v12;
	[tilespmem:v19+s2+$0x0] =	vst.idx.add.f32.msk $0xffff, v31  }
0x48e: {  	(erf) = vpow2.f32 v62;
	v63 =	vmul.f32 v59, v12;
	[tilespmem:v56+s2+$0x0] =	vst.idx.add.f32.msk $0xffff, v61  }
0x48f: {  	v33 =	vmul.f32 v26, v8;
	[tilespmem:v19+s3+$0x0] =	vst.idx.add.f32.msk $0xffff, v32  }
0x490: {  	v30 =	vmul.f32 v59, v8;
	[tilespmem:v56+s3+$0x0] =	vst.idx.add.f32.msk $0xffff, v63  }
0x491: {  	v34 =	vcvt.f32.s32 v36;
	v40 =	vmul.f32 v26, v13;
	[tilespmem:v19+s5+$0x0] =	vst.idx.add.f32.msk $0xffff, v33  }
0x492: {  	(erf) = vpow2.f32 v25;
	v35 =	vmul.f32 v59, v13;
	[tilespmem:v56+s5+$0x0] =	vst.idx.add.f32.msk $0xffff, v30  }
0x493: {  	v37 =	vadd.s32 v34, v16;
	v43 =	vmul.f32 v26, v9;
	[tilespmem:v19+s6+$0x0] =	vst.idx.add.f32.msk $0xffff, v40  }
0x494: {  	v36 =	vmul.f32 v59, v9;
	v39 =	vshll.u32 v37, $0x6;
	vm14 =	vlt.u32 v37, $0x80;
	[tilespmem:v56+s6+$0x0] =	vst.idx.add.f32.msk $0xffff, v35  }
0x495: {  	v46 =	vmul.f32 v26, v10;
	v41 =	vadd.s32 v28, v39;
	vm1 =	vmand vm14, vm1;
	[tilespmem:v19+s7+$0x0] =	vst.idx.add.f32.msk $0xffff, v43  }
0x496: {  	v38 =	vmul.f32 v59, v10;
	v44 =	vsel vm1, v41, v2;
	[tilespmem:v56+s7+$0x0] =	vst.idx.add.f32.msk $0xffff, v36  }
0x497: {  	vm15 =	vlt.u32 v21, $0x80;
	v47 =	vmul.f32 v26, v15;
	v45 =	vpop (erf);
	[tilespmem:v19+s8+$0x0] =	vst.idx.add.f32.msk $0xffff, v46  }
0x498: {  	v51 =	vshll.u32 v21, $0x6;
	v42 =	vmul.f32 v59, v15;
	v18 =	vnsel vm1, $0x0, v45;
	[tilespmem:v56+s8+$0x0] =	vst.idx.add.f32.msk $0xffff, v38  }
0x499: {  	vm0 =	vmand vm15, vm0;
	v20 =	vadd.s32 v20, v51;
	v48 =	vmul.f32 v18, v14;
	[tilespmem:v19+s22+$0x0] =	vst.idx.add.f32.msk $0xffff, v47  }
0x49a: {  	v54 =	vsel vm0, v20, v2;
	v49 =	vmul.f32 v18, v11;
	[tilespmem:v56+s22+$0x0] =	vst.idx.add.f32.msk $0xffff, v42  }
0x49b: {  	v50 =	vmul.f32 v18, v12;
	v56 =	vpop (erf);
	[tilespmem:v44+s9+$0x0] =	vst.idx.add.f32.msk $0xffff, v48  }
0x49c: {  	v52 =	vmul.f32 v18, v8;
	v17 =	vnsel vm0, $0x0, v56;
	[tilespmem:v44+s2+$0x0] =	vst.idx.add.f32.msk $0xffff, v49  }
0x49d: {  	v58 =	vmul.f32 v17, v14;
	[tilespmem:v44+s3+$0x0] =	vst.idx.add.f32.msk $0xffff, v50  }
0x49e: {  	v53 =	vmul.f32 v18, v13;
	[tilespmem:v44+s5+$0x0] =	vst.idx.add.f32.msk $0xffff, v52  }
0x49f: {  	v59 =	vmul.f32 v17, v11;
	[tilespmem:v54+s9+$0x0] =	vst.idx.add.f32.msk $0xffff, v58  }
0x4a0: {  	v55 =	vmul.f32 v18, v9;
	[tilespmem:v44+s6+$0x0] =	vst.idx.add.f32.msk $0xffff, v53  }
0x4a1: {  	v60 =	vmul.f32 v17, v12;
	[tilespmem:v54+s2+$0x0] =	vst.idx.add.f32.msk $0xffff, v59  }
0x4a2: {  	v57 =	vmul.f32 v18, v10;
	[tilespmem:v44+s7+$0x0] =	vst.idx.add.f32.msk $0xffff, v55  }
0x4a3: {  	v8 =	vmul.f32 v17, v8;
	[tilespmem:v54+s3+$0x0] =	vst.idx.add.f32.msk $0xffff, v60  }
0x4a4: {  	s28 =	sadd.s32 $0x1, s28;
	v18 =	vmul.f32 v18, v15;
	[tilespmem:v44+s8+$0x0] =	vst.idx.add.f32.msk $0xffff, v57  }
0x4a5: {  	p0 =	sne.s32 s28, s26;
	v61 =	vmul.f32 v17, v13;
	[tilespmem:v54+s5+$0x0] =	vst.idx.add.f32.msk $0xffff, v8  }
.Ltmp17:
0x4a6: {  	v62 =	vmul.f32 v17, v9;
	[tilespmem:v44+s22+$0x0] =	vst.idx.add.f32.msk $0xffff, v18;
	(pc) =	sbr.rel @p0 .LBB2_24-.Ltmp17, $4  }
.Ltmp18:
0x4a7: {  	v8 =	vmul.f32 v17, v10;
	[tilespmem:v54+s6+$0x0] =	vst.idx.add.f32.msk $0xffff, v61;
	(pc) =	sbr.rel @!p0 .LBB2_27-.Ltmp18, $4  }
0x4a8: {  	v63 =	vmul.f32 v17, v15;
	[tilespmem:v54+s7+$0x0] =	vst.idx.add.f32.msk $0xffff, v62  }
0x4a9: {  	[tilespmem:v54+s8+$0x0] =	vst.idx.add.f32.msk $0xffff, v8  }
0x4aa: {  	[tilespmem:v54+s22+$0x0] =	vst.idx.add.f32.msk $0xffff, v63  }
0x4ab: {  	_ = 	snop  }
.LBB2_28:
0x4ac: {  	_ =	sfence.sel $0x180000  }
0x4ad: {  	[bflag:$0x0] =	sbarrier.arrive $0xFFFF  }
0x4ae: {  	_ =	strace $0x90000047  }
0x4af: {  	s0 =	stileid.u32;
	[bflag:$0x2] =	sbarrier.arrive $0xFFFF  }
0x4b0: {  	p0 =	sne.s32 s0, $0x0;
	s0 =	rddreg [dreg:$0xa]  }
0x4b1: {  	s0 =	sadd.s32 @!p0 $0x100000, s0  }
0x4b2: {  	[sflag:s0] =	ssyncadd.tile.s32 @!p0 $0x1;
	_ =	shalt  }
.Lfunc_end2:
_tile_overlayer_lowered:
.L_overlay_start_2:
0x4b3: {  	(tag) =	ssettag $0x2  }
0x4b4: {  	s0 =	rddreg [dreg:$0x0];
	s2 =	stileid.u32  }
0x4b5: {  	s1 =	rddreg [dreg:$0x1];
	p0 =	sne.s32 s2, $0x0  }
0x4b6: {  	s3 =	rddreg [dreg:$0x2];
	[bflag:$0x3] =	sbarrier.arrive $0xFFFF;
	s2 =	simm.s32 @!p0 $0x1C01  }
0x4b7: {  	[timem:s3], [sflag:s2] =	dma.local @!p0 [hbm:s0], s1  }
0x4b8: {  	s0 =	simm.s32 @!p0 $0x1  }
0x4b9: {  	_ =	swait.ge @!p0 [sflag:s0], s1  }
0x4ba: {  	s1 =	ssub.s32 @!p0 $0x0, s1;
	[sflag:s0] =	ssyncset.done @!p0 $0x0  }
0x4bb: {  	[sflag:s0] =	ssyncadd.s32 @!p0 s1  }
0x4bc: {  	[bflag:$0x3] =	sbarrier.arrive $0xFFFF  }
0x4bd: {  	_ =	shalt  }

</sc_bundles>
